<compile_context>
chip_gen: v7x
topology: tpu7x:2x2x1
jax: 0.10.2.dev20260603
libtpu: 0.0.44.dev20260713+nightly
codegen_flags: <defaults>
</compile_context>

<pallas_src>
import jax
import jax.numpy as jnp
from jax import lax
from jax.experimental import pallas as pl
from jax.experimental.pallas import tpu as pltpu
from jax.experimental.pallas import tpu_sc as plsc

N = 10000
E = 320000
D = 128
G = 64

NC = 2
NS = 16
NW = NC * NS
CHUNK = 128
EPAD = 327680
NROWS = EPAD // CHUNK
CPW = NROWS // NW
NPAD = 10112
RPT = NPAD // NS
NB = 3
NGRP = CPW // NB
NREM = CPW - NB * NGRP

_MESH = plsc.VectorSubcoreMesh(core_axis_name="c", subcore_axis_name="s")


def _gather(hw, ib, buf, sem):
    return pltpu.async_copy(hw.at[ib.at[0]], buf, sem)


def _gather_wait(hw, ib, buf, sem):
    pltpu.make_async_copy(hw.at[ib.at[0]], buf, sem).wait()


def _scat(buf, acc, ib, sem):
    pltpu.async_copy(buf, acc.at[ib.at[1]], sem, add=True)


def _scat_wait(buf, acc, ib, sem):
    pltpu.make_async_copy(buf, acc.at[ib.at[1]], sem).wait()


def _agg_body(hw, eidx, zeros, out,
              ib0, ib1, ib2, buf0, buf1, buf2, acc,
              g0, g1, g2, s0, s1, s2):
    cid = lax.axis_index("c")
    sid = lax.axis_index("s")
    wid = cid * NS + sid

    base = wid * CPW

    pltpu.sync_copy(eidx.at[base + 0], ib0)
    _gather(hw, ib0, buf0, g0)
    pltpu.sync_copy(eidx.at[base + 1], ib1)
    _gather(hw, ib1, buf1, g1)
    pltpu.sync_copy(eidx.at[base + 2], ib2)
    _gather(hw, ib2, buf2, g2)

    pltpu.sync_copy(zeros, acc.at[pl.ds(sid * RPT, RPT)])
    plsc.subcore_barrier()

    def step(i, carry):
        j = NB * i
        _gather_wait(hw, ib0, buf0, g0)
        _scat(buf0, acc, ib0, s0)
        _gather_wait(hw, ib1, buf1, g1)
        _scat(buf1, acc, ib1, s1)

        @pl.when(j + 3 < CPW)
        def _():
            _scat_wait(buf0, acc, ib0, s0)
            pltpu.sync_copy(eidx.at[base + j + 3], ib0)
            _gather(hw, ib0, buf0, g0)

        _gather_wait(hw, ib2, buf2, g2)
        _scat(buf2, acc, ib2, s2)

        @pl.when(j + 4 < CPW)
        def _():
            _scat_wait(buf1, acc, ib1, s1)
            pltpu.sync_copy(eidx.at[base + j + 4], ib1)
            _gather(hw, ib1, buf1, g1)

        @pl.when(j + 5 < CPW)
        def _():
            _scat_wait(buf2, acc, ib2, s2)
            pltpu.sync_copy(eidx.at[base + j + 5], ib2)
            _gather(hw, ib2, buf2, g2)

        return carry

    lax.fori_loop(0, NGRP, step, 0)

    _gather_wait(hw, ib0, buf0, g0)
    _scat(buf0, acc, ib0, s0)
    _gather_wait(hw, ib1, buf1, g1)
    _scat(buf1, acc, ib1, s1)
    _scat_wait(buf0, acc, ib0, s0)
    _scat_wait(buf1, acc, ib1, s1)

    plsc.subcore_barrier()
    pltpu.sync_copy(acc.at[pl.ds(sid * RPT, RPT)], out.at[cid, pl.ds(sid * RPT, RPT)])


_agg = pl.kernel(
    _agg_body,
    out_type=jax.ShapeDtypeStruct((NC, NPAD, D), jnp.float32),
    mesh=_MESH,
    scratch_types=[
        pltpu.VMEM((2, CHUNK), jnp.int32),
        pltpu.VMEM((2, CHUNK), jnp.int32),
        pltpu.VMEM((2, CHUNK), jnp.int32),
        pltpu.VMEM((CHUNK, D), jnp.float32),
        pltpu.VMEM((CHUNK, D), jnp.float32),
        pltpu.VMEM((CHUNK, D), jnp.float32),
        pltpu.VMEM_SHARED((NPAD, D), jnp.float32),
        pltpu.SemaphoreType.DMA,
        pltpu.SemaphoreType.DMA,
        pltpu.SemaphoreType.DMA,
        pltpu.SemaphoreType.DMA,
        pltpu.SemaphoreType.DMA,
        pltpu.SemaphoreType.DMA,
    ],
)

_BLK = 2000


def _mm1_body(x_ref, w_ref, o_ref):
    o_ref[...] = jnp.dot(x_ref[...], w_ref[...],
                         preferred_element_type=jnp.float32)


def _mm1(x, w):
    return pl.pallas_call(
        _mm1_body,
        grid=(N // _BLK,),
        in_specs=[pl.BlockSpec((_BLK, D), lambda i: (i, 0)),
                  pl.BlockSpec((D, D), lambda i: (0, 0))],
        out_specs=pl.BlockSpec((_BLK, D), lambda i: (i, 0)),
        out_shape=jax.ShapeDtypeStruct((N, D), jnp.float32),
    )(x, w)


def _mm2_body(p0_ref, p1_ref, w_ref, o_ref):
    h = jnp.maximum(p0_ref[0] + p1_ref[0], 0.0)
    o_ref[...] = jnp.dot(h, w_ref[...],
                         preferred_element_type=jnp.float32)


def _mm2(pp, w):
    return pl.pallas_call(
        _mm2_body,
        grid=(N // _BLK,),
        in_specs=[pl.BlockSpec((1, _BLK, D), lambda i: (0, i, 0)),
                  pl.BlockSpec((1, _BLK, D), lambda i: (1, i, 0)),
                  pl.BlockSpec((D, D), lambda i: (0, 0))],
        out_specs=pl.BlockSpec((_BLK, D), lambda i: (i, 0)),
        out_shape=jax.ShapeDtypeStruct((N, D), jnp.float32),
    )(pp, pp, w)


def _pool_body(p0_ref, p1_ref, b_ref, w_ref, o_ref):
    h = p0_ref[0] + p1_ref[0]
    gids = lax.broadcasted_iota(jnp.int32, (G, N), 0)
    m = (gids == b_ref[...]).astype(jnp.float32)
    sums = jnp.dot(m, h, preferred_element_type=jnp.float32)
    counts = jnp.sum(m, axis=1, keepdims=True)
    pooled = sums / jnp.maximum(counts, 1.0)
    o_ref[...] = jnp.dot(pooled, w_ref[...],
                         preferred_element_type=jnp.float32)


def _pool(pp, batch2d, wlin):
    return pl.pallas_call(
        _pool_body,
        grid=(1,),
        in_specs=[pl.BlockSpec((1, N, D), lambda i: (0, 0, 0)),
                  pl.BlockSpec((1, N, D), lambda i: (1, 0, 0)),
                  pl.BlockSpec((1, N), lambda i: (0, 0)),
                  pl.BlockSpec((D, D), lambda i: (0, 0))],
        out_specs=pl.BlockSpec((G, D), lambda i: (0, 0)),
        out_shape=jax.ShapeDtypeStruct((G, D), jnp.float32),
    )(pp, pp, batch2d, wlin)


def kernel(x, edge_index, batch, W1, W2, W3, Wlin):
    npad_e = EPAD - E
    pad_src = jnp.arange(npad_e, dtype=jnp.int32) % N
    pad_dst = N + (jnp.arange(npad_e, dtype=jnp.int32) % (NPAD - N))
    src = jnp.concatenate([edge_index[0], pad_src]).reshape(NROWS, CHUNK)
    dst = jnp.concatenate([edge_index[1], pad_dst]).reshape(NROWS, CHUNK)
    eidx = jnp.stack([src, dst], axis=1)
    zeros = jnp.zeros((RPT, D), jnp.float32)
    batch2d = batch.reshape(1, N)
    t = _mm1(x, W1)
    pp = _agg(t, eidx, zeros)
    t = _mm2(pp, W2)
    pp = _agg(t, eidx, zeros)
    t = _mm2(pp, W3)
    pp = _agg(t, eidx, zeros)
    return _pool(pp, batch2d, Wlin)

# --- scband reference (transcript-rebuilt; emitter-appended) ---
"""Pipeline reference for scband-gcn-3layer-plain-67972152427190 (READ-ONLY COPY).

The authoritative reference and input builder live on the scoring server;
editing this copy changes nothing except your own understanding.
"""

import jax, jax.numpy as jnp
import numpy as np

N = 10000
E = 320000
D = 128
H = 128
OUT = 128
G = 64


def setup_inputs(seed: int = 0) -> dict:
    key = jax.random.key(seed)
    k1, k2, k3, k4, k5, k6, k7 = jax.random.split(key, 7)
    x = jax.random.normal(k1, (N, D), dtype=jnp.float32)
    edge_index = jax.random.randint(k2, (2, E), 0, N, dtype=jnp.int32)
    batch = jnp.sort(jax.random.randint(k3, (N,), 0, G, dtype=jnp.int32))
    W1 = jax.random.normal(k4, (D, H), dtype=jnp.float32) * (1.0 / np.sqrt(D))
    W2 = jax.random.normal(k5, (H, H), dtype=jnp.float32) * (1.0 / np.sqrt(H))
    W3 = jax.random.normal(k6, (H, H), dtype=jnp.float32) * (1.0 / np.sqrt(H))
    Wlin = jax.random.normal(k7, (H, OUT), dtype=jnp.float32) * (1.0 / np.sqrt(H))
    return {"x": x, "edge_index": edge_index, "batch": batch, "W1": W1, "W2": W2, "W3": W3, "Wlin": Wlin}


def _gcn_conv(x, W, src, dst, num_nodes):
    # GCNConv(bias=False, normalize=False, no self-loops since add_self_loops follows normalize):
    # out[dst] += (x @ W)[src]
    h = x @ W
    return jax.ops.segment_sum(h[src], dst, num_segments=num_nodes)


def reference(x, edge_index, batch, W1, W2, W3, Wlin):
    src = edge_index[0]
    dst = edge_index[1]
    h = jax.nn.relu(_gcn_conv(x, W1, src, dst, N))
    h = jax.nn.relu(_gcn_conv(h, W2, src, dst, N))
    h = _gcn_conv(h, W3, src, dst, N)
    # global_mean_pool over graph ids
    sums = jax.ops.segment_sum(h, batch, num_segments=G)
    counts = jax.ops.segment_sum(jnp.ones((h.shape[0],), dtype=h.dtype), batch, num_segments=G)
    pooled = sums / jnp.maximum(counts, 1.0)[:, None]
    return pooled @ Wlin

if __name__ == "__main__":
    import jax
    _d = setup_inputs()
    print(jax.jit(kernel)(*tuple(_d.values())))

</pallas_src>

<mosaic_0001>
#map = affine_map<(d0, d1) -> (0, 0)>
#map1 = affine_map<(d0, d1) -> (0, 0, 0)>
module attributes {stable_mosaic.version = 14 : i64} {
  func.func @_agg_body(%arg0: i32, %arg1: i32, %arg2: memref<10000x128xf32, #tpu.memory_space<hbm>>, %arg3: memref<2560x2x128xi32, #tpu.memory_space<hbm>>, %arg4: memref<632x128xf32, #tpu.memory_space<hbm>>, %arg5: memref<2x10112x128xf32, #tpu.memory_space<hbm>>, %arg6: memref<2x128xi32, #tpu.memory_space<vmem>>, %arg7: memref<2x128xi32, #tpu.memory_space<vmem>>, %arg8: memref<2x128xi32, #tpu.memory_space<vmem>>, %arg9: memref<128x128xf32, #tpu.memory_space<vmem>>, %arg10: memref<128x128xf32, #tpu.memory_space<vmem>>, %arg11: memref<128x128xf32, #tpu.memory_space<vmem>>, %arg12: memref<10112x128xf32, #tpu.memory_space<vmem_shared>>, %arg13: memref<!tpu.dma_semaphore, #tpu.memory_space<semaphore_mem>>, %arg14: memref<!tpu.dma_semaphore, #tpu.memory_space<semaphore_mem>>, %arg15: memref<!tpu.dma_semaphore, #tpu.memory_space<semaphore_mem>>, %arg16: memref<!tpu.dma_semaphore, #tpu.memory_space<semaphore_mem>>, %arg17: memref<!tpu.dma_semaphore, #tpu.memory_space<semaphore_mem>>, %arg18: memref<!tpu.dma_semaphore, #tpu.memory_space<semaphore_mem>>) attributes {dimension_semantics = [#tpu.dimension_semantics<core_parallel>, #tpu.dimension_semantics<subcore_parallel>], iteration_bounds = array<i64: 2, 16>, scalar_prefetch = 0 : i64, scratch_operands = 13 : i64, tpu.core_type = #tpu.core_type<sc_vector_subcore>, window_params = [{transform_indices = #map}, {transform_indices = #map1}, {transform_indices = #map}, {transform_indices = #map1}]} {
    %mul3A = arith.constant 16 : i32
    %mul3A_0 = arith.muli %arg0, %mul3A : i32
    %add3A = arith.addi %mul3A_0, %arg1 : i32
    %mul3A_1 = arith.constant 80 : i32
    %mul3A_2 = arith.muli %add3A, %mul3A_1 : i32
    %add3A_3 = arith.constant 0 : i32
    %add3A_4 = arith.addi %mul3A_2, %add3A_3 : i32
    "tpu.region"() ({
      %run_scoped3A = tpu.sem_alloc : memref<!tpu.dma_semaphore, #tpu.memory_space<semaphore_mem>>
      %dma_start3A_82 = arith.constant 0 : i32
      %dma_start3A_83 = arith.constant 0 : i32
      %dma_start3A_84 = tpu.memref_slice %arg3[%add3A_4, %dma_start3A_82, %dma_start3A_83] : memref<2560x2x128xi32, #tpu.memory_space<hbm>> -> memref<1x2x128xi32, #tpu.memory_space<hbm>>
      %dma_start3A_85 = tpu.memref_squeeze %dma_start3A_84 : memref<1x2x128xi32, #tpu.memory_space<hbm>> -> memref<2x128xi32, #tpu.memory_space<hbm>>
      %dma_start3A_86 = arith.constant 0 : i32
      %dma_start3A_87 = arith.constant 0 : i32
      %dma_start3A_88 = tpu.memref_slice %arg3[%add3A_4, %dma_start3A_86, %dma_start3A_87] : memref<2560x2x128xi32, #tpu.memory_space<hbm>> -> memref<1x2x128xi32, #tpu.memory_space<hbm>>
      %dma_start3A_89 = tpu.memref_squeeze %dma_start3A_88 : memref<1x2x128xi32, #tpu.memory_space<hbm>> -> memref<2x128xi32, #tpu.memory_space<hbm>>
      tpu.enqueue_dma source(%dma_start3A_89 : memref<2x128xi32, #tpu.memory_space<hbm>>) target(%arg6 : memref<2x128xi32, #tpu.memory_space<vmem>>) target_semaphore(%run_scoped3A : memref<!tpu.dma_semaphore, #tpu.memory_space<semaphore_mem>>)
      %dma_wait3A_90 = arith.constant 0 : i32
      %dma_wait3A_91 = arith.constant 0 : i32
      %dma_wait3A_92 = tpu.memref_slice %arg3[%add3A_4, %dma_wait3A_90, %dma_wait3A_91] : memref<2560x2x128xi32, #tpu.memory_space<hbm>> -> memref<1x2x128xi32, #tpu.memory_space<hbm>>
      %dma_wait3A_93 = tpu.memref_squeeze %dma_wait3A_92 : memref<1x2x128xi32, #tpu.memory_space<hbm>> -> memref<2x128xi32, #tpu.memory_space<hbm>>
      %dma_wait3A_94 = arith.constant 0 : i32
      %dma_wait3A_95 = arith.constant 0 : i32
      %dma_wait3A_96 = tpu.memref_slice %arg3[%add3A_4, %dma_wait3A_94, %dma_wait3A_95] : memref<2560x2x128xi32, #tpu.memory_space<hbm>> -> memref<1x2x128xi32, #tpu.memory_space<hbm>>
      %dma_wait3A_97 = tpu.memref_squeeze %dma_wait3A_96 : memref<1x2x128xi32, #tpu.memory_space<hbm>> -> memref<2x128xi32, #tpu.memory_space<hbm>>
      tpu.wait_dma2 semaphore(%run_scoped3A : memref<!tpu.dma_semaphore, #tpu.memory_space<semaphore_mem>>) src(%dma_wait3A_97 : memref<2x128xi32, #tpu.memory_space<hbm>>) dst(%arg6 : memref<2x128xi32, #tpu.memory_space<vmem>>)
      tpu.yield
    }) : () -> ()
    %dma_start3A = arith.constant 0 : i32
    %dma_start3A_5 = arith.constant 0 : i32
    %dma_start3A_6 = tpu.memref_slice %arg6[%dma_start3A, %dma_start3A_5] : memref<2x128xi32, #tpu.memory_space<vmem>> -> memref<1x128xi32, #tpu.memory_space<vmem>>
    %dma_start3A_7 = tpu.memref_squeeze %dma_start3A_6 : memref<1x128xi32, #tpu.memory_space<vmem>> -> memref<128xi32, #tpu.memory_space<vmem>>
    %dma_start3A_8 = arith.constant 0 : i32
    %dma_start3A_9 = arith.constant 0 : i32
    %dma_start3A_10 = tpu.memref_slice %arg2[%dma_start3A_8, %dma_start3A_9] : memref<10000x128xf32, #tpu.memory_space<hbm>> -> memref<10000x128xf32, #tpu.memory_space<hbm>>
    tpu.enqueue_indirect_dma source(%dma_start3A_10 : memref<10000x128xf32, #tpu.memory_space<hbm>>) target(%arg9 : memref<128x128xf32, #tpu.memory_space<vmem>>) offsets(%dma_start3A_7 : memref<128xi32, #tpu.memory_space<vmem>>) semaphore(%arg13 : memref<!tpu.dma_semaphore, #tpu.memory_space<semaphore_mem>>)
    %add3A_11 = arith.constant 1 : i32
    %add3A_12 = arith.addi %mul3A_2, %add3A_11 : i32
    "tpu.region"() ({
      %run_scoped3A = tpu.sem_alloc : memref<!tpu.dma_semaphore, #tpu.memory_space<semaphore_mem>>
      %dma_start3A_82 = arith.constant 0 : i32
      %dma_start3A_83 = arith.constant 0 : i32
      %dma_start3A_84 = tpu.memref_slice %arg3[%add3A_12, %dma_start3A_82, %dma_start3A_83] : memref<2560x2x128xi32, #tpu.memory_space<hbm>> -> memref<1x2x128xi32, #tpu.memory_space<hbm>>
      %dma_start3A_85 = tpu.memref_squeeze %dma_start3A_84 : memref<1x2x128xi32, #tpu.memory_space<hbm>> -> memref<2x128xi32, #tpu.memory_space<hbm>>
      %dma_start3A_86 = arith.constant 0 : i32
      %dma_start3A_87 = arith.constant 0 : i32
      %dma_start3A_88 = tpu.memref_slice %arg3[%add3A_12, %dma_start3A_86, %dma_start3A_87] : memref<2560x2x128xi32, #tpu.memory_space<hbm>> -> memref<1x2x128xi32, #tpu.memory_space<hbm>>
      %dma_start3A_89 = tpu.memref_squeeze %dma_start3A_88 : memref<1x2x128xi32, #tpu.memory_space<hbm>> -> memref<2x128xi32, #tpu.memory_space<hbm>>
      tpu.enqueue_dma source(%dma_start3A_89 : memref<2x128xi32, #tpu.memory_space<hbm>>) target(%arg7 : memref<2x128xi32, #tpu.memory_space<vmem>>) target_semaphore(%run_scoped3A : memref<!tpu.dma_semaphore, #tpu.memory_space<semaphore_mem>>)
      %dma_wait3A_90 = arith.constant 0 : i32
      %dma_wait3A_91 = arith.constant 0 : i32
      %dma_wait3A_92 = tpu.memref_slice %arg3[%add3A_12, %dma_wait3A_90, %dma_wait3A_91] : memref<2560x2x128xi32, #tpu.memory_space<hbm>> -> memref<1x2x128xi32, #tpu.memory_space<hbm>>
      %dma_wait3A_93 = tpu.memref_squeeze %dma_wait3A_92 : memref<1x2x128xi32, #tpu.memory_space<hbm>> -> memref<2x128xi32, #tpu.memory_space<hbm>>
      %dma_wait3A_94 = arith.constant 0 : i32
      %dma_wait3A_95 = arith.constant 0 : i32
      %dma_wait3A_96 = tpu.memref_slice %arg3[%add3A_12, %dma_wait3A_94, %dma_wait3A_95] : memref<2560x2x128xi32, #tpu.memory_space<hbm>> -> memref<1x2x128xi32, #tpu.memory_space<hbm>>
      %dma_wait3A_97 = tpu.memref_squeeze %dma_wait3A_96 : memref<1x2x128xi32, #tpu.memory_space<hbm>> -> memref<2x128xi32, #tpu.memory_space<hbm>>
      tpu.wait_dma2 semaphore(%run_scoped3A : memref<!tpu.dma_semaphore, #tpu.memory_space<semaphore_mem>>) src(%dma_wait3A_97 : memref<2x128xi32, #tpu.memory_space<hbm>>) dst(%arg7 : memref<2x128xi32, #tpu.memory_space<vmem>>)
      tpu.yield
    }) : () -> ()
    %dma_start3A_13 = arith.constant 0 : i32
    %dma_start3A_14 = arith.constant 0 : i32
    %dma_start3A_15 = tpu.memref_slice %arg7[%dma_start3A_13, %dma_start3A_14] : memref<2x128xi32, #tpu.memory_space<vmem>> -> memref<1x128xi32, #tpu.memory_space<vmem>>
    %dma_start3A_16 = tpu.memref_squeeze %dma_start3A_15 : memref<1x128xi32, #tpu.memory_space<vmem>> -> memref<128xi32, #tpu.memory_space<vmem>>
    %dma_start3A_17 = arith.constant 0 : i32
    %dma_start3A_18 = arith.constant 0 : i32
    %dma_start3A_19 = tpu.memref_slice %arg2[%dma_start3A_17, %dma_start3A_18] : memref<10000x128xf32, #tpu.memory_space<hbm>> -> memref<10000x128xf32, #tpu.memory_space<hbm>>
    tpu.enqueue_indirect_dma source(%dma_start3A_19 : memref<10000x128xf32, #tpu.memory_space<hbm>>) target(%arg10 : memref<128x128xf32, #tpu.memory_space<vmem>>) offsets(%dma_start3A_16 : memref<128xi32, #tpu.memory_space<vmem>>) semaphore(%arg14 : memref<!tpu.dma_semaphore, #tpu.memory_space<semaphore_mem>>)
    %add3A_20 = arith.constant 2 : i32
    %add3A_21 = arith.addi %mul3A_2, %add3A_20 : i32
    "tpu.region"() ({
      %run_scoped3A = tpu.sem_alloc : memref<!tpu.dma_semaphore, #tpu.memory_space<semaphore_mem>>
      %dma_start3A_82 = arith.constant 0 : i32
      %dma_start3A_83 = arith.constant 0 : i32
      %dma_start3A_84 = tpu.memref_slice %arg3[%add3A_21, %dma_start3A_82, %dma_start3A_83] : memref<2560x2x128xi32, #tpu.memory_space<hbm>> -> memref<1x2x128xi32, #tpu.memory_space<hbm>>
      %dma_start3A_85 = tpu.memref_squeeze %dma_start3A_84 : memref<1x2x128xi32, #tpu.memory_space<hbm>> -> memref<2x128xi32, #tpu.memory_space<hbm>>
      %dma_start3A_86 = arith.constant 0 : i32
      %dma_start3A_87 = arith.constant 0 : i32
      %dma_start3A_88 = tpu.memref_slice %arg3[%add3A_21, %dma_start3A_86, %dma_start3A_87] : memref<2560x2x128xi32, #tpu.memory_space<hbm>> -> memref<1x2x128xi32, #tpu.memory_space<hbm>>
      %dma_start3A_89 = tpu.memref_squeeze %dma_start3A_88 : memref<1x2x128xi32, #tpu.memory_space<hbm>> -> memref<2x128xi32, #tpu.memory_space<hbm>>
      tpu.enqueue_dma source(%dma_start3A_89 : memref<2x128xi32, #tpu.memory_space<hbm>>) target(%arg8 : memref<2x128xi32, #tpu.memory_space<vmem>>) target_semaphore(%run_scoped3A : memref<!tpu.dma_semaphore, #tpu.memory_space<semaphore_mem>>)
      %dma_wait3A_90 = arith.constant 0 : i32
      %dma_wait3A_91 = arith.constant 0 : i32
      %dma_wait3A_92 = tpu.memref_slice %arg3[%add3A_21, %dma_wait3A_90, %dma_wait3A_91] : memref<2560x2x128xi32, #tpu.memory_space<hbm>> -> memref<1x2x128xi32, #tpu.memory_space<hbm>>
      %dma_wait3A_93 = tpu.memref_squeeze %dma_wait3A_92 : memref<1x2x128xi32, #tpu.memory_space<hbm>> -> memref<2x128xi32, #tpu.memory_space<hbm>>
      %dma_wait3A_94 = arith.constant 0 : i32
      %dma_wait3A_95 = arith.constant 0 : i32
      %dma_wait3A_96 = tpu.memref_slice %arg3[%add3A_21, %dma_wait3A_94, %dma_wait3A_95] : memref<2560x2x128xi32, #tpu.memory_space<hbm>> -> memref<1x2x128xi32, #tpu.memory_space<hbm>>
      %dma_wait3A_97 = tpu.memref_squeeze %dma_wait3A_96 : memref<1x2x128xi32, #tpu.memory_space<hbm>> -> memref<2x128xi32, #tpu.memory_space<hbm>>
      tpu.wait_dma2 semaphore(%run_scoped3A : memref<!tpu.dma_semaphore, #tpu.memory_space<semaphore_mem>>) src(%dma_wait3A_97 : memref<2x128xi32, #tpu.memory_space<hbm>>) dst(%arg8 : memref<2x128xi32, #tpu.memory_space<vmem>>)
      tpu.yield
    }) : () -> ()
    %dma_start3A_22 = arith.constant 0 : i32
    %dma_start3A_23 = arith.constant 0 : i32
    %dma_start3A_24 = tpu.memref_slice %arg8[%dma_start3A_22, %dma_start3A_23] : memref<2x128xi32, #tpu.memory_space<vmem>> -> memref<1x128xi32, #tpu.memory_space<vmem>>
    %dma_start3A_25 = tpu.memref_squeeze %dma_start3A_24 : memref<1x128xi32, #tpu.memory_space<vmem>> -> memref<128xi32, #tpu.memory_space<vmem>>
    %dma_start3A_26 = arith.constant 0 : i32
    %dma_start3A_27 = arith.constant 0 : i32
    %dma_start3A_28 = tpu.memref_slice %arg2[%dma_start3A_26, %dma_start3A_27] : memref<10000x128xf32, #tpu.memory_space<hbm>> -> memref<10000x128xf32, #tpu.memory_space<hbm>>
    tpu.enqueue_indirect_dma source(%dma_start3A_28 : memref<10000x128xf32, #tpu.memory_space<hbm>>) target(%arg11 : memref<128x128xf32, #tpu.memory_space<vmem>>) offsets(%dma_start3A_25 : memref<128xi32, #tpu.memory_space<vmem>>) semaphore(%arg15 : memref<!tpu.dma_semaphore, #tpu.memory_space<semaphore_mem>>)
    %mul3A_29 = arith.constant 632 : i32
    %mul3A_30 = arith.muli %arg1, %mul3A_29 : i32
    "tpu.region"() ({
      %run_scoped3A = tpu.sem_alloc : memref<!tpu.dma_semaphore, #tpu.memory_space<semaphore_mem>>
      %dma_start3A_82 = arith.constant 0 : i32
      %dma_start3A_83 = tpu.memref_slice %arg12[%mul3A_30, %dma_start3A_82] : memref<10112x128xf32, #tpu.memory_space<vmem_shared>> -> memref<632x128xf32, #tpu.memory_space<vmem_shared>>
      tpu.enqueue_dma source(%arg4 : memref<632x128xf32, #tpu.memory_space<hbm>>) target(%dma_start3A_83 : memref<632x128xf32, #tpu.memory_space<vmem_shared>>) target_semaphore(%run_scoped3A : memref<!tpu.dma_semaphore, #tpu.memory_space<semaphore_mem>>)
      %dma_wait3A_84 = arith.constant 0 : i32
      %dma_wait3A_85 = tpu.memref_slice %arg12[%mul3A_30, %dma_wait3A_84] : memref<10112x128xf32, #tpu.memory_space<vmem_shared>> -> memref<632x128xf32, #tpu.memory_space<vmem_shared>>
      tpu.wait_dma2 semaphore(%run_scoped3A : memref<!tpu.dma_semaphore, #tpu.memory_space<semaphore_mem>>) src(%arg4 : memref<632x128xf32, #tpu.memory_space<hbm>>) dst(%dma_wait3A_85 : memref<632x128xf32, #tpu.memory_space<vmem_shared>>)
      tpu.yield
    }) : () -> ()
    %barrier3A = arith.constant 0 : index
    tpu.barrier barrier_id(%barrier3A)
    %scan3A = arith.constant 0 : i32
    %scan3A_31 = arith.constant 0 : i32
    %scan3A_32 = arith.constant 26 : i32
    %scan3A_33 = arith.addi %scan3A_31, %scan3A_32 : i32
    %scan3A_34 = arith.constant 1 : i32
    scf.for %scan3A_82 = %scan3A_31 to %scan3A_33 step %scan3A_34  : i32 {
      %mul3A_83 = arith.constant 3 : i32
      %mul3A_84 = arith.muli %mul3A_83, %scan3A_82 : i32
      %dma_wait3A_85 = arith.constant 0 : i32
      %dma_wait3A_86 = arith.constant 0 : i32
      %dma_wait3A_87 = tpu.memref_slice %arg6[%dma_wait3A_85, %dma_wait3A_86] : memref<2x128xi32, #tpu.memory_space<vmem>> -> memref<1x128xi32, #tpu.memory_space<vmem>>
      %dma_wait3A_88 = tpu.memref_squeeze %dma_wait3A_87 : memref<1x128xi32, #tpu.memory_space<vmem>> -> memref<128xi32, #tpu.memory_space<vmem>>
      %dma_wait3A_89 = arith.constant 0 : i32
      %dma_wait3A_90 = arith.constant 0 : i32
      %dma_wait3A_91 = tpu.memref_slice %arg2[%dma_wait3A_89, %dma_wait3A_90] : memref<10000x128xf32, #tpu.memory_space<hbm>> -> memref<10000x128xf32, #tpu.memory_space<hbm>>
      tpu.wait_indirect_dma semaphore(%arg13 : memref<!tpu.dma_semaphore, #tpu.memory_space<semaphore_mem>>) src(%dma_wait3A_91 : memref<10000x128xf32, #tpu.memory_space<hbm>>) dst(%arg9 : memref<128x128xf32, #tpu.memory_space<vmem>>)
      %dma_start3A_92 = arith.constant 1 : i32
      %dma_start3A_93 = arith.constant 0 : i32
      %dma_start3A_94 = tpu.memref_slice %arg6[%dma_start3A_92, %dma_start3A_93] : memref<2x128xi32, #tpu.memory_space<vmem>> -> memref<1x128xi32, #tpu.memory_space<vmem>>
      %dma_start3A_95 = tpu.memref_squeeze %dma_start3A_94 : memref<1x128xi32, #tpu.memory_space<vmem>> -> memref<128xi32, #tpu.memory_space<vmem>>
      %dma_start3A_96 = arith.constant 0 : i32
      %dma_start3A_97 = arith.constant 0 : i32
      %dma_start3A_98 = tpu.memref_slice %arg12[%dma_start3A_96, %dma_start3A_97] : memref<10112x128xf32, #tpu.memory_space<vmem_shared>> -> memref<10112x128xf32, #tpu.memory_space<vmem_shared>>
      tpu.enqueue_indirect_dma source(%arg9 : memref<128x128xf32, #tpu.memory_space<vmem>>) target(%dma_start3A_98 : memref<10112x128xf32, #tpu.memory_space<vmem_shared>>) offsets(%dma_start3A_95 : memref<128xi32, #tpu.memory_space<vmem>>) semaphore(%arg16 : memref<!tpu.dma_semaphore, #tpu.memory_space<semaphore_mem>>) {add = true}
      %dma_wait3A_99 = arith.constant 0 : i32
      %dma_wait3A_100 = arith.constant 0 : i32
      %dma_wait3A_101 = tpu.memref_slice %arg7[%dma_wait3A_99, %dma_wait3A_100] : memref<2x128xi32, #tpu.memory_space<vmem>> -> memref<1x128xi32, #tpu.memory_space<vmem>>
      %dma_wait3A_102 = tpu.memref_squeeze %dma_wait3A_101 : memref<1x128xi32, #tpu.memory_space<vmem>> -> memref<128xi32, #tpu.memory_space<vmem>>
      %dma_wait3A_103 = arith.constant 0 : i32
      %dma_wait3A_104 = arith.constant 0 : i32
      %dma_wait3A_105 = tpu.memref_slice %arg2[%dma_wait3A_103, %dma_wait3A_104] : memref<10000x128xf32, #tpu.memory_space<hbm>> -> memref<10000x128xf32, #tpu.memory_space<hbm>>
      tpu.wait_indirect_dma semaphore(%arg14 : memref<!tpu.dma_semaphore, #tpu.memory_space<semaphore_mem>>) src(%dma_wait3A_105 : memref<10000x128xf32, #tpu.memory_space<hbm>>) dst(%arg10 : memref<128x128xf32, #tpu.memory_space<vmem>>)
      %dma_start3A_106 = arith.constant 1 : i32
      %dma_start3A_107 = arith.constant 0 : i32
      %dma_start3A_108 = tpu.memref_slice %arg7[%dma_start3A_106, %dma_start3A_107] : memref<2x128xi32, #tpu.memory_space<vmem>> -> memref<1x128xi32, #tpu.memory_space<vmem>>
      %dma_start3A_109 = tpu.memref_squeeze %dma_start3A_108 : memref<1x128xi32, #tpu.memory_space<vmem>> -> memref<128xi32, #tpu.memory_space<vmem>>
      %dma_start3A_110 = arith.constant 0 : i32
      %dma_start3A_111 = arith.constant 0 : i32
      %dma_start3A_112 = tpu.memref_slice %arg12[%dma_start3A_110, %dma_start3A_111] : memref<10112x128xf32, #tpu.memory_space<vmem_shared>> -> memref<10112x128xf32, #tpu.memory_space<vmem_shared>>
      tpu.enqueue_indirect_dma source(%arg10 : memref<128x128xf32, #tpu.memory_space<vmem>>) target(%dma_start3A_112 : memref<10112x128xf32, #tpu.memory_space<vmem_shared>>) offsets(%dma_start3A_109 : memref<128xi32, #tpu.memory_space<vmem>>) semaphore(%arg17 : memref<!tpu.dma_semaphore, #tpu.memory_space<semaphore_mem>>) {add = true}
      %add3A_113 = arith.constant 3 : i32
      %add3A_114 = arith.addi %mul3A_84, %add3A_113 : i32
      %lt3A = arith.constant 80 : i32
      %lt3A_115 = arith.cmpi slt, %add3A_114, %lt3A : i32
      %convert_element_type3A = arith.extui %lt3A_115 : i1 to i32
      %cond3A = arith.constant 0 : i32
      %cond3A_116 = arith.cmpi ne, %convert_element_type3A, %cond3A : i32
      scf.if %cond3A_116 {
        %dma_wait3A_145 = arith.constant 1 : i32
        %dma_wait3A_146 = arith.constant 0 : i32
        %dma_wait3A_147 = tpu.memref_slice %arg6[%dma_wait3A_145, %dma_wait3A_146] : memref<2x128xi32, #tpu.memory_space<vmem>> -> memref<1x128xi32, #tpu.memory_space<vmem>>
        %dma_wait3A_148 = tpu.memref_squeeze %dma_wait3A_147 : memref<1x128xi32, #tpu.memory_space<vmem>> -> memref<128xi32, #tpu.memory_space<vmem>>
        %dma_wait3A_149 = arith.constant 0 : i32
        %dma_wait3A_150 = arith.constant 0 : i32
        %dma_wait3A_151 = tpu.memref_slice %arg12[%dma_wait3A_149, %dma_wait3A_150] : memref<10112x128xf32, #tpu.memory_space<vmem_shared>> -> memref<10112x128xf32, #tpu.memory_space<vmem_shared>>
        tpu.wait_indirect_dma semaphore(%arg16 : memref<!tpu.dma_semaphore, #tpu.memory_space<semaphore_mem>>) src(%arg9 : memref<128x128xf32, #tpu.memory_space<vmem>>) dst(%dma_wait3A_151 : memref<10112x128xf32, #tpu.memory_space<vmem_shared>>)
        %add3A_152 = arith.addi %mul3A_2, %mul3A_84 : i32
        %add3A_153 = arith.constant 3 : i32
        %add3A_154 = arith.addi %add3A_152, %add3A_153 : i32
        "tpu.region"() ({
          %run_scoped3A = tpu.sem_alloc : memref<!tpu.dma_semaphore, #tpu.memory_space<semaphore_mem>>
          %dma_start3A_162 = arith.constant 0 : i32
          %dma_start3A_163 = arith.constant 0 : i32
          %dma_start3A_164 = tpu.memref_slice %arg3[%add3A_154, %dma_start3A_162, %dma_start3A_163] : memref<2560x2x128xi32, #tpu.memory_space<hbm>> -> memref<1x2x128xi32, #tpu.memory_space<hbm>>
          %dma_start3A_165 = tpu.memref_squeeze %dma_start3A_164 : memref<1x2x128xi32, #tpu.memory_space<hbm>> -> memref<2x128xi32, #tpu.memory_space<hbm>>
          %dma_start3A_166 = arith.constant 0 : i32
          %dma_start3A_167 = arith.constant 0 : i32
          %dma_start3A_168 = tpu.memref_slice %arg3[%add3A_154, %dma_start3A_166, %dma_start3A_167] : memref<2560x2x128xi32, #tpu.memory_space<hbm>> -> memref<1x2x128xi32, #tpu.memory_space<hbm>>
          %dma_start3A_169 = tpu.memref_squeeze %dma_start3A_168 : memref<1x2x128xi32, #tpu.memory_space<hbm>> -> memref<2x128xi32, #tpu.memory_space<hbm>>
          tpu.enqueue_dma source(%dma_start3A_169 : memref<2x128xi32, #tpu.memory_space<hbm>>) target(%arg6 : memref<2x128xi32, #tpu.memory_space<vmem>>) target_semaphore(%run_scoped3A : memref<!tpu.dma_semaphore, #tpu.memory_space<semaphore_mem>>)
          %dma_wait3A_170 = arith.constant 0 : i32
          %dma_wait3A_171 = arith.constant 0 : i32
          %dma_wait3A_172 = tpu.memref_slice %arg3[%add3A_154, %dma_wait3A_170, %dma_wait3A_171] : memref<2560x2x128xi32, #tpu.memory_space<hbm>> -> memref<1x2x128xi32, #tpu.memory_space<hbm>>
          %dma_wait3A_173 = tpu.memref_squeeze %dma_wait3A_172 : memref<1x2x128xi32, #tpu.memory_space<hbm>> -> memref<2x128xi32, #tpu.memory_space<hbm>>
          %dma_wait3A_174 = arith.constant 0 : i32
          %dma_wait3A_175 = arith.constant 0 : i32
          %dma_wait3A_176 = tpu.memref_slice %arg3[%add3A_154, %dma_wait3A_174, %dma_wait3A_175] : memref<2560x2x128xi32, #tpu.memory_space<hbm>> -> memref<1x2x128xi32, #tpu.memory_space<hbm>>
          %dma_wait3A_177 = tpu.memref_squeeze %dma_wait3A_176 : memref<1x2x128xi32, #tpu.memory_space<hbm>> -> memref<2x128xi32, #tpu.memory_space<hbm>>
          tpu.wait_dma2 semaphore(%run_scoped3A : memref<!tpu.dma_semaphore, #tpu.memory_space<semaphore_mem>>) src(%dma_wait3A_177 : memref<2x128xi32, #tpu.memory_space<hbm>>) dst(%arg6 : memref<2x128xi32, #tpu.memory_space<vmem>>)
          tpu.yield
        }) : () -> ()
        %dma_start3A_155 = arith.constant 0 : i32
        %dma_start3A_156 = arith.constant 0 : i32
        %dma_start3A_157 = tpu.memref_slice %arg6[%dma_start3A_155, %dma_start3A_156] : memref<2x128xi32, #tpu.memory_space<vmem>> -> memref<1x128xi32, #tpu.memory_space<vmem>>
        %dma_start3A_158 = tpu.memref_squeeze %dma_start3A_157 : memref<1x128xi32, #tpu.memory_space<vmem>> -> memref<128xi32, #tpu.memory_space<vmem>>
        %dma_start3A_159 = arith.constant 0 : i32
        %dma_start3A_160 = arith.constant 0 : i32
        %dma_start3A_161 = tpu.memref_slice %arg2[%dma_start3A_159, %dma_start3A_160] : memref<10000x128xf32, #tpu.memory_space<hbm>> -> memref<10000x128xf32, #tpu.memory_space<hbm>>
        tpu.enqueue_indirect_dma source(%dma_start3A_161 : memref<10000x128xf32, #tpu.memory_space<hbm>>) target(%arg9 : memref<128x128xf32, #tpu.memory_space<vmem>>) offsets(%dma_start3A_158 : memref<128xi32, #tpu.memory_space<vmem>>) semaphore(%arg13 : memref<!tpu.dma_semaphore, #tpu.memory_space<semaphore_mem>>)
      } else {
      }
      %dma_wait3A_117 = arith.constant 0 : i32
      %dma_wait3A_118 = arith.constant 0 : i32
      %dma_wait3A_119 = tpu.memref_slice %arg8[%dma_wait3A_117, %dma_wait3A_118] : memref<2x128xi32, #tpu.memory_space<vmem>> -> memref<1x128xi32, #tpu.memory_space<vmem>>
      %dma_wait3A_120 = tpu.memref_squeeze %dma_wait3A_119 : memref<1x128xi32, #tpu.memory_space<vmem>> -> memref<128xi32, #tpu.memory_space<vmem>>
      %dma_wait3A_121 = arith.constant 0 : i32
      %dma_wait3A_122 = arith.constant 0 : i32
      %dma_wait3A_123 = tpu.memref_slice %arg2[%dma_wait3A_121, %dma_wait3A_122] : memref<10000x128xf32, #tpu.memory_space<hbm>> -> memref<10000x128xf32, #tpu.memory_space<hbm>>
      tpu.wait_indirect_dma semaphore(%arg15 : memref<!tpu.dma_semaphore, #tpu.memory_space<semaphore_mem>>) src(%dma_wait3A_123 : memref<10000x128xf32, #tpu.memory_space<hbm>>) dst(%arg11 : memref<128x128xf32, #tpu.memory_space<vmem>>)
      %dma_start3A_124 = arith.constant 1 : i32
      %dma_start3A_125 = arith.constant 0 : i32
      %dma_start3A_126 = tpu.memref_slice %arg8[%dma_start3A_124, %dma_start3A_125] : memref<2x128xi32, #tpu.memory_space<vmem>> -> memref<1x128xi32, #tpu.memory_space<vmem>>
      %dma_start3A_127 = tpu.memref_squeeze %dma_start3A_126 : memref<1x128xi32, #tpu.memory_space<vmem>> -> memref<128xi32, #tpu.memory_space<vmem>>
      %dma_start3A_128 = arith.constant 0 : i32
      %dma_start3A_129 = arith.constant 0 : i32
      %dma_start3A_130 = tpu.memref_slice %arg12[%dma_start3A_128, %dma_start3A_129] : memref<10112x128xf32, #tpu.memory_space<vmem_shared>> -> memref<10112x128xf32, #tpu.memory_space<vmem_shared>>
      tpu.enqueue_indirect_dma source(%arg11 : memref<128x128xf32, #tpu.memory_space<vmem>>) target(%dma_start3A_130 : memref<10112x128xf32, #tpu.memory_space<vmem_shared>>) offsets(%dma_start3A_127 : memref<128xi32, #tpu.memory_space<vmem>>) semaphore(%arg18 : memref<!tpu.dma_semaphore, #tpu.memory_space<semaphore_mem>>) {add = true}
      %add3A_131 = arith.constant 4 : i32
      %add3A_132 = arith.addi %mul3A_84, %add3A_131 : i32
      %lt3A_133 = arith.constant 80 : i32
      %lt3A_134 = arith.cmpi slt, %add3A_132, %lt3A_133 : i32
      %convert_element_type3A_135 = arith.extui %lt3A_134 : i1 to i32
      %cond3A_136 = arith.constant 0 : i32
      %cond3A_137 = arith.cmpi ne, %convert_element_type3A_135, %cond3A_136 : i32
      scf.if %cond3A_137 {
        %dma_wait3A_145 = arith.constant 1 : i32
        %dma_wait3A_146 = arith.constant 0 : i32
        %dma_wait3A_147 = tpu.memref_slice %arg7[%dma_wait3A_145, %dma_wait3A_146] : memref<2x128xi32, #tpu.memory_space<vmem>> -> memref<1x128xi32, #tpu.memory_space<vmem>>
        %dma_wait3A_148 = tpu.memref_squeeze %dma_wait3A_147 : memref<1x128xi32, #tpu.memory_space<vmem>> -> memref<128xi32, #tpu.memory_space<vmem>>
        %dma_wait3A_149 = arith.constant 0 : i32
        %dma_wait3A_150 = arith.constant 0 : i32
        %dma_wait3A_151 = tpu.memref_slice %arg12[%dma_wait3A_149, %dma_wait3A_150] : memref<10112x128xf32, #tpu.memory_space<vmem_shared>> -> memref<10112x128xf32, #tpu.memory_space<vmem_shared>>
        tpu.wait_indirect_dma semaphore(%arg17 : memref<!tpu.dma_semaphore, #tpu.memory_space<semaphore_mem>>) src(%arg10 : memref<128x128xf32, #tpu.memory_space<vmem>>) dst(%dma_wait3A_151 : memref<10112x128xf32, #tpu.memory_space<vmem_shared>>)
        %add3A_152 = arith.addi %mul3A_2, %mul3A_84 : i32
        %add3A_153 = arith.constant 4 : i32
        %add3A_154 = arith.addi %add3A_152, %add3A_153 : i32
        "tpu.region"() ({
          %run_scoped3A = tpu.sem_alloc : memref<!tpu.dma_semaphore, #tpu.memory_space<semaphore_mem>>
          %dma_start3A_162 = arith.constant 0 : i32
          %dma_start3A_163 = arith.constant 0 : i32
          %dma_start3A_164 = tpu.memref_slice %arg3[%add3A_154, %dma_start3A_162, %dma_start3A_163] : memref<2560x2x128xi32, #tpu.memory_space<hbm>> -> memref<1x2x128xi32, #tpu.memory_space<hbm>>
          %dma_start3A_165 = tpu.memref_squeeze %dma_start3A_164 : memref<1x2x128xi32, #tpu.memory_space<hbm>> -> memref<2x128xi32, #tpu.memory_space<hbm>>
          %dma_start3A_166 = arith.constant 0 : i32
          %dma_start3A_167 = arith.constant 0 : i32
          %dma_start3A_168 = tpu.memref_slice %arg3[%add3A_154, %dma_start3A_166, %dma_start3A_167] : memref<2560x2x128xi32, #tpu.memory_space<hbm>> -> memref<1x2x128xi32, #tpu.memory_space<hbm>>
          %dma_start3A_169 = tpu.memref_squeeze %dma_start3A_168 : memref<1x2x128xi32, #tpu.memory_space<hbm>> -> memref<2x128xi32, #tpu.memory_space<hbm>>
          tpu.enqueue_dma source(%dma_start3A_169 : memref<2x128xi32, #tpu.memory_space<hbm>>) target(%arg7 : memref<2x128xi32, #tpu.memory_space<vmem>>) target_semaphore(%run_scoped3A : memref<!tpu.dma_semaphore, #tpu.memory_space<semaphore_mem>>)
          %dma_wait3A_170 = arith.constant 0 : i32
          %dma_wait3A_171 = arith.constant 0 : i32
          %dma_wait3A_172 = tpu.memref_slice %arg3[%add3A_154, %dma_wait3A_170, %dma_wait3A_171] : memref<2560x2x128xi32, #tpu.memory_space<hbm>> -> memref<1x2x128xi32, #tpu.memory_space<hbm>>
          %dma_wait3A_173 = tpu.memref_squeeze %dma_wait3A_172 : memref<1x2x128xi32, #tpu.memory_space<hbm>> -> memref<2x128xi32, #tpu.memory_space<hbm>>
          %dma_wait3A_174 = arith.constant 0 : i32
          %dma_wait3A_175 = arith.constant 0 : i32
          %dma_wait3A_176 = tpu.memref_slice %arg3[%add3A_154, %dma_wait3A_174, %dma_wait3A_175] : memref<2560x2x128xi32, #tpu.memory_space<hbm>> -> memref<1x2x128xi32, #tpu.memory_space<hbm>>
          %dma_wait3A_177 = tpu.memref_squeeze %dma_wait3A_176 : memref<1x2x128xi32, #tpu.memory_space<hbm>> -> memref<2x128xi32, #tpu.memory_space<hbm>>
          tpu.wait_dma2 semaphore(%run_scoped3A : memref<!tpu.dma_semaphore, #tpu.memory_space<semaphore_mem>>) src(%dma_wait3A_177 : memref<2x128xi32, #tpu.memory_space<hbm>>) dst(%arg7 : memref<2x128xi32, #tpu.memory_space<vmem>>)
          tpu.yield
        }) : () -> ()
        %dma_start3A_155 = arith.constant 0 : i32
        %dma_start3A_156 = arith.constant 0 : i32
        %dma_start3A_157 = tpu.memref_slice %arg7[%dma_start3A_155, %dma_start3A_156] : memref<2x128xi32, #tpu.memory_space<vmem>> -> memref<1x128xi32, #tpu.memory_space<vmem>>
        %dma_start3A_158 = tpu.memref_squeeze %dma_start3A_157 : memref<1x128xi32, #tpu.memory_space<vmem>> -> memref<128xi32, #tpu.memory_space<vmem>>
        %dma_start3A_159 = arith.constant 0 : i32
        %dma_start3A_160 = arith.constant 0 : i32
        %dma_start3A_161 = tpu.memref_slice %arg2[%dma_start3A_159, %dma_start3A_160] : memref<10000x128xf32, #tpu.memory_space<hbm>> -> memref<10000x128xf32, #tpu.memory_space<hbm>>
        tpu.enqueue_indirect_dma source(%dma_start3A_161 : memref<10000x128xf32, #tpu.memory_space<hbm>>) target(%arg10 : memref<128x128xf32, #tpu.memory_space<vmem>>) offsets(%dma_start3A_158 : memref<128xi32, #tpu.memory_space<vmem>>) semaphore(%arg14 : memref<!tpu.dma_semaphore, #tpu.memory_space<semaphore_mem>>)
      } else {
      }
      %add3A_138 = arith.constant 5 : i32
      %add3A_139 = arith.addi %mul3A_84, %add3A_138 : i32
      %lt3A_140 = arith.constant 80 : i32
      %lt3A_141 = arith.cmpi slt, %add3A_139, %lt3A_140 : i32
      %convert_element_type3A_142 = arith.extui %lt3A_141 : i1 to i32
      %cond3A_143 = arith.constant 0 : i32
      %cond3A_144 = arith.cmpi ne, %convert_element_type3A_142, %cond3A_143 : i32
      scf.if %cond3A_144 {
        %dma_wait3A_145 = arith.constant 1 : i32
        %dma_wait3A_146 = arith.constant 0 : i32
        %dma_wait3A_147 = tpu.memref_slice %arg8[%dma_wait3A_145, %dma_wait3A_146] : memref<2x128xi32, #tpu.memory_space<vmem>> -> memref<1x128xi32, #tpu.memory_space<vmem>>
        %dma_wait3A_148 = tpu.memref_squeeze %dma_wait3A_147 : memref<1x128xi32, #tpu.memory_space<vmem>> -> memref<128xi32, #tpu.memory_space<vmem>>
        %dma_wait3A_149 = arith.constant 0 : i32
        %dma_wait3A_150 = arith.constant 0 : i32
        %dma_wait3A_151 = tpu.memref_slice %arg12[%dma_wait3A_149, %dma_wait3A_150] : memref<10112x128xf32, #tpu.memory_space<vmem_shared>> -> memref<10112x128xf32, #tpu.memory_space<vmem_shared>>
        tpu.wait_indirect_dma semaphore(%arg18 : memref<!tpu.dma_semaphore, #tpu.memory_space<semaphore_mem>>) src(%arg11 : memref<128x128xf32, #tpu.memory_space<vmem>>) dst(%dma_wait3A_151 : memref<10112x128xf32, #tpu.memory_space<vmem_shared>>)
        %add3A_152 = arith.addi %mul3A_2, %mul3A_84 : i32
        %add3A_153 = arith.constant 5 : i32
        %add3A_154 = arith.addi %add3A_152, %add3A_153 : i32
        "tpu.region"() ({
          %run_scoped3A = tpu.sem_alloc : memref<!tpu.dma_semaphore, #tpu.memory_space<semaphore_mem>>
          %dma_start3A_162 = arith.constant 0 : i32
          %dma_start3A_163 = arith.constant 0 : i32
          %dma_start3A_164 = tpu.memref_slice %arg3[%add3A_154, %dma_start3A_162, %dma_start3A_163] : memref<2560x2x128xi32, #tpu.memory_space<hbm>> -> memref<1x2x128xi32, #tpu.memory_space<hbm>>
          %dma_start3A_165 = tpu.memref_squeeze %dma_start3A_164 : memref<1x2x128xi32, #tpu.memory_space<hbm>> -> memref<2x128xi32, #tpu.memory_space<hbm>>
          %dma_start3A_166 = arith.constant 0 : i32
          %dma_start3A_167 = arith.constant 0 : i32
          %dma_start3A_168 = tpu.memref_slice %arg3[%add3A_154, %dma_start3A_166, %dma_start3A_167] : memref<2560x2x128xi32, #tpu.memory_space<hbm>> -> memref<1x2x128xi32, #tpu.memory_space<hbm>>
          %dma_start3A_169 = tpu.memref_squeeze %dma_start3A_168 : memref<1x2x128xi32, #tpu.memory_space<hbm>> -> memref<2x128xi32, #tpu.memory_space<hbm>>
          tpu.enqueue_dma source(%dma_start3A_169 : memref<2x128xi32, #tpu.memory_space<hbm>>) target(%arg8 : memref<2x128xi32, #tpu.memory_space<vmem>>) target_semaphore(%run_scoped3A : memref<!tpu.dma_semaphore, #tpu.memory_space<semaphore_mem>>)
          %dma_wait3A_170 = arith.constant 0 : i32
          %dma_wait3A_171 = arith.constant 0 : i32
          %dma_wait3A_172 = tpu.memref_slice %arg3[%add3A_154, %dma_wait3A_170, %dma_wait3A_171] : memref<2560x2x128xi32, #tpu.memory_space<hbm>> -> memref<1x2x128xi32, #tpu.memory_space<hbm>>
          %dma_wait3A_173 = tpu.memref_squeeze %dma_wait3A_172 : memref<1x2x128xi32, #tpu.memory_space<hbm>> -> memref<2x128xi32, #tpu.memory_space<hbm>>
          %dma_wait3A_174 = arith.constant 0 : i32
          %dma_wait3A_175 = arith.constant 0 : i32
          %dma_wait3A_176 = tpu.memref_slice %arg3[%add3A_154, %dma_wait3A_174, %dma_wait3A_175] : memref<2560x2x128xi32, #tpu.memory_space<hbm>> -> memref<1x2x128xi32, #tpu.memory_space<hbm>>
          %dma_wait3A_177 = tpu.memref_squeeze %dma_wait3A_176 : memref<1x2x128xi32, #tpu.memory_space<hbm>> -> memref<2x128xi32, #tpu.memory_space<hbm>>
          tpu.wait_dma2 semaphore(%run_scoped3A : memref<!tpu.dma_semaphore, #tpu.memory_space<semaphore_mem>>) src(%dma_wait3A_177 : memref<2x128xi32, #tpu.memory_space<hbm>>) dst(%arg8 : memref<2x128xi32, #tpu.memory_space<vmem>>)
          tpu.yield
        }) : () -> ()
        %dma_start3A_155 = arith.constant 0 : i32
        %dma_start3A_156 = arith.constant 0 : i32
        %dma_start3A_157 = tpu.memref_slice %arg8[%dma_start3A_155, %dma_start3A_156] : memref<2x128xi32, #tpu.memory_space<vmem>> -> memref<1x128xi32, #tpu.memory_space<vmem>>
        %dma_start3A_158 = tpu.memref_squeeze %dma_start3A_157 : memref<1x128xi32, #tpu.memory_space<vmem>> -> memref<128xi32, #tpu.memory_space<vmem>>
        %dma_start3A_159 = arith.constant 0 : i32
        %dma_start3A_160 = arith.constant 0 : i32
        %dma_start3A_161 = tpu.memref_slice %arg2[%dma_start3A_159, %dma_start3A_160] : memref<10000x128xf32, #tpu.memory_space<hbm>> -> memref<10000x128xf32, #tpu.memory_space<hbm>>
        tpu.enqueue_indirect_dma source(%dma_start3A_161 : memref<10000x128xf32, #tpu.memory_space<hbm>>) target(%arg11 : memref<128x128xf32, #tpu.memory_space<vmem>>) offsets(%dma_start3A_158 : memref<128xi32, #tpu.memory_space<vmem>>) semaphore(%arg15 : memref<!tpu.dma_semaphore, #tpu.memory_space<semaphore_mem>>)
      } else {
      }
    }
    %scan3A_35 = arith.constant 26 : i32
    %dma_wait3A = arith.constant 0 : i32
    %dma_wait3A_36 = arith.constant 0 : i32
    %dma_wait3A_37 = tpu.memref_slice %arg6[%dma_wait3A, %dma_wait3A_36] : memref<2x128xi32, #tpu.memory_space<vmem>> -> memref<1x128xi32, #tpu.memory_space<vmem>>
    %dma_wait3A_38 = tpu.memref_squeeze %dma_wait3A_37 : memref<1x128xi32, #tpu.memory_space<vmem>> -> memref<128xi32, #tpu.memory_space<vmem>>
    %dma_wait3A_39 = arith.constant 0 : i32
    %dma_wait3A_40 = arith.constant 0 : i32
    %dma_wait3A_41 = tpu.memref_slice %arg2[%dma_wait3A_39, %dma_wait3A_40] : memref<10000x128xf32, #tpu.memory_space<hbm>> -> memref<10000x128xf32, #tpu.memory_space<hbm>>
    tpu.wait_indirect_dma semaphore(%arg13 : memref<!tpu.dma_semaphore, #tpu.memory_space<semaphore_mem>>) src(%dma_wait3A_41 : memref<10000x128xf32, #tpu.memory_space<hbm>>) dst(%arg9 : memref<128x128xf32, #tpu.memory_space<vmem>>)
    %dma_start3A_42 = arith.constant 1 : i32
    %dma_start3A_43 = arith.constant 0 : i32
    %dma_start3A_44 = tpu.memref_slice %arg6[%dma_start3A_42, %dma_start3A_43] : memref<2x128xi32, #tpu.memory_space<vmem>> -> memref<1x128xi32, #tpu.memory_space<vmem>>
    %dma_start3A_45 = tpu.memref_squeeze %dma_start3A_44 : memref<1x128xi32, #tpu.memory_space<vmem>> -> memref<128xi32, #tpu.memory_space<vmem>>
    %dma_start3A_46 = arith.constant 0 : i32
    %dma_start3A_47 = arith.constant 0 : i32
    %dma_start3A_48 = tpu.memref_slice %arg12[%dma_start3A_46, %dma_start3A_47] : memref<10112x128xf32, #tpu.memory_space<vmem_shared>> -> memref<10112x128xf32, #tpu.memory_space<vmem_shared>>
    tpu.enqueue_indirect_dma source(%arg9 : memref<128x128xf32, #tpu.memory_space<vmem>>) target(%dma_start3A_48 : memref<10112x128xf32, #tpu.memory_space<vmem_shared>>) offsets(%dma_start3A_45 : memref<128xi32, #tpu.memory_space<vmem>>) semaphore(%arg16 : memref<!tpu.dma_semaphore, #tpu.memory_space<semaphore_mem>>) {add = true}
    %dma_wait3A_49 = arith.constant 0 : i32
    %dma_wait3A_50 = arith.constant 0 : i32
    %dma_wait3A_51 = tpu.memref_slice %arg7[%dma_wait3A_49, %dma_wait3A_50] : memref<2x128xi32, #tpu.memory_space<vmem>> -> memref<1x128xi32, #tpu.memory_space<vmem>>
    %dma_wait3A_52 = tpu.memref_squeeze %dma_wait3A_51 : memref<1x128xi32, #tpu.memory_space<vmem>> -> memref<128xi32, #tpu.memory_space<vmem>>
    %dma_wait3A_53 = arith.constant 0 : i32
    %dma_wait3A_54 = arith.constant 0 : i32
    %dma_wait3A_55 = tpu.memref_slice %arg2[%dma_wait3A_53, %dma_wait3A_54] : memref<10000x128xf32, #tpu.memory_space<hbm>> -> memref<10000x128xf32, #tpu.memory_space<hbm>>
    tpu.wait_indirect_dma semaphore(%arg14 : memref<!tpu.dma_semaphore, #tpu.memory_space<semaphore_mem>>) src(%dma_wait3A_55 : memref<10000x128xf32, #tpu.memory_space<hbm>>) dst(%arg10 : memref<128x128xf32, #tpu.memory_space<vmem>>)
    %dma_start3A_56 = arith.constant 1 : i32
    %dma_start3A_57 = arith.constant 0 : i32
    %dma_start3A_58 = tpu.memref_slice %arg7[%dma_start3A_56, %dma_start3A_57] : memref<2x128xi32, #tpu.memory_space<vmem>> -> memref<1x128xi32, #tpu.memory_space<vmem>>
    %dma_start3A_59 = tpu.memref_squeeze %dma_start3A_58 : memref<1x128xi32, #tpu.memory_space<vmem>> -> memref<128xi32, #tpu.memory_space<vmem>>
    %dma_start3A_60 = arith.constant 0 : i32
    %dma_start3A_61 = arith.constant 0 : i32
    %dma_start3A_62 = tpu.memref_slice %arg12[%dma_start3A_60, %dma_start3A_61] : memref<10112x128xf32, #tpu.memory_space<vmem_shared>> -> memref<10112x128xf32, #tpu.memory_space<vmem_shared>>
    tpu.enqueue_indirect_dma source(%arg10 : memref<128x128xf32, #tpu.memory_space<vmem>>) target(%dma_start3A_62 : memref<10112x128xf32, #tpu.memory_space<vmem_shared>>) offsets(%dma_start3A_59 : memref<128xi32, #tpu.memory_space<vmem>>) semaphore(%arg17 : memref<!tpu.dma_semaphore, #tpu.memory_space<semaphore_mem>>) {add = true}
    %dma_wait3A_63 = arith.constant 1 : i32
    %dma_wait3A_64 = arith.constant 0 : i32
    %dma_wait3A_65 = tpu.memref_slice %arg6[%dma_wait3A_63, %dma_wait3A_64] : memref<2x128xi32, #tpu.memory_space<vmem>> -> memref<1x128xi32, #tpu.memory_space<vmem>>
    %dma_wait3A_66 = tpu.memref_squeeze %dma_wait3A_65 : memref<1x128xi32, #tpu.memory_space<vmem>> -> memref<128xi32, #tpu.memory_space<vmem>>
    %dma_wait3A_67 = arith.constant 0 : i32
    %dma_wait3A_68 = arith.constant 0 : i32
    %dma_wait3A_69 = tpu.memref_slice %arg12[%dma_wait3A_67, %dma_wait3A_68] : memref<10112x128xf32, #tpu.memory_space<vmem_shared>> -> memref<10112x128xf32, #tpu.memory_space<vmem_shared>>
    tpu.wait_indirect_dma semaphore(%arg16 : memref<!tpu.dma_semaphore, #tpu.memory_space<semaphore_mem>>) src(%arg9 : memref<128x128xf32, #tpu.memory_space<vmem>>) dst(%dma_wait3A_69 : memref<10112x128xf32, #tpu.memory_space<vmem_shared>>)
    %dma_wait3A_70 = arith.constant 1 : i32
    %dma_wait3A_71 = arith.constant 0 : i32
    %dma_wait3A_72 = tpu.memref_slice %arg7[%dma_wait3A_70, %dma_wait3A_71] : memref<2x128xi32, #tpu.memory_space<vmem>> -> memref<1x128xi32, #tpu.memory_space<vmem>>
    %dma_wait3A_73 = tpu.memref_squeeze %dma_wait3A_72 : memref<1x128xi32, #tpu.memory_space<vmem>> -> memref<128xi32, #tpu.memory_space<vmem>>
    %dma_wait3A_74 = arith.constant 0 : i32
    %dma_wait3A_75 = arith.constant 0 : i32
    %dma_wait3A_76 = tpu.memref_slice %arg12[%dma_wait3A_74, %dma_wait3A_75] : memref<10112x128xf32, #tpu.memory_space<vmem_shared>> -> memref<10112x128xf32, #tpu.memory_space<vmem_shared>>
    tpu.wait_indirect_dma semaphore(%arg17 : memref<!tpu.dma_semaphore, #tpu.memory_space<semaphore_mem>>) src(%arg10 : memref<128x128xf32, #tpu.memory_space<vmem>>) dst(%dma_wait3A_76 : memref<10112x128xf32, #tpu.memory_space<vmem_shared>>)
    %barrier3A_77 = arith.constant 0 : index
    tpu.barrier barrier_id(%barrier3A_77)
    %mul3A_78 = arith.constant 632 : i32
    %mul3A_79 = arith.muli %arg1, %mul3A_78 : i32
    %mul3A_80 = arith.constant 632 : i32
    %mul3A_81 = arith.muli %arg1, %mul3A_80 : i32
    "tpu.region"() ({
      %run_scoped3A = tpu.sem_alloc : memref<!tpu.dma_semaphore, #tpu.memory_space<semaphore_mem>>
      %dma_start3A_82 = arith.constant 0 : i32
      %dma_start3A_83 = tpu.memref_slice %arg5[%arg0, %mul3A_81, %dma_start3A_82] : memref<2x10112x128xf32, #tpu.memory_space<hbm>> -> memref<1x632x128xf32, #tpu.memory_space<hbm>>
      %dma_start3A_84 = tpu.memref_squeeze %dma_start3A_83 : memref<1x632x128xf32, #tpu.memory_space<hbm>> -> memref<632x128xf32, #tpu.memory_space<hbm>>
      %dma_start3A_85 = arith.constant 0 : i32
      %dma_start3A_86 = tpu.memref_slice %arg12[%mul3A_79, %dma_start3A_85] : memref<10112x128xf32, #tpu.memory_space<vmem_shared>> -> memref<632x128xf32, #tpu.memory_space<vmem_shared>>
      tpu.enqueue_dma source(%dma_start3A_86 : memref<632x128xf32, #tpu.memory_space<vmem_shared>>) target(%dma_start3A_84 : memref<632x128xf32, #tpu.memory_space<hbm>>) target_semaphore(%run_scoped3A : memref<!tpu.dma_semaphore, #tpu.memory_space<semaphore_mem>>)
      %dma_wait3A_87 = arith.constant 0 : i32
      %dma_wait3A_88 = tpu.memref_slice %arg5[%arg0, %mul3A_81, %dma_wait3A_87] : memref<2x10112x128xf32, #tpu.memory_space<hbm>> -> memref<1x632x128xf32, #tpu.memory_space<hbm>>
      %dma_wait3A_89 = tpu.memref_squeeze %dma_wait3A_88 : memref<1x632x128xf32, #tpu.memory_space<hbm>> -> memref<632x128xf32, #tpu.memory_space<hbm>>
      %dma_wait3A_90 = arith.constant 0 : i32
      %dma_wait3A_91 = tpu.memref_slice %arg12[%mul3A_79, %dma_wait3A_90] : memref<10112x128xf32, #tpu.memory_space<vmem_shared>> -> memref<632x128xf32, #tpu.memory_space<vmem_shared>>
      tpu.wait_dma2 semaphore(%run_scoped3A : memref<!tpu.dma_semaphore, #tpu.memory_space<semaphore_mem>>) src(%dma_wait3A_91 : memref<632x128xf32, #tpu.memory_space<vmem_shared>>) dst(%dma_wait3A_89 : memref<632x128xf32, #tpu.memory_space<hbm>>)
      tpu.yield
    }) : () -> ()
    return
  }
}

#map = affine_map<(d0, d1) -> (0, 0)>
#map1 = affine_map<(d0, d1) -> (0, 0, 0)>
module attributes {stable_mosaic.version = 14 : i64} {
  func.func @_agg_body(%arg0: i32, %arg1: i32, %arg2: memref<10000x128xf32, #tpu.memory_space<hbm>>, %arg3: memref<2560x2x128xi32, #tpu.memory_space<hbm>>, %arg4: memref<632x128xf32, #tpu.memory_space<hbm>>, %arg5: memref<2x10112x128xf32, #tpu.memory_space<hbm>>, %arg6: memref<2x128xi32, #tpu.memory_space<vmem>>, %arg7: memref<2x128xi32, #tpu.memory_space<vmem>>, %arg8: memref<2x128xi32, #tpu.memory_space<vmem>>, %arg9: memref<128x128xf32, #tpu.memory_space<vmem>>, %arg10: memref<128x128xf32, #tpu.memory_space<vmem>>, %arg11: memref<128x128xf32, #tpu.memory_space<vmem>>, %arg12: memref<10112x128xf32, #tpu.memory_space<vmem_shared>>, %arg13: memref<!tpu.dma_semaphore, #tpu.memory_space<semaphore_mem>>, %arg14: memref<!tpu.dma_semaphore, #tpu.memory_space<semaphore_mem>>, %arg15: memref<!tpu.dma_semaphore, #tpu.memory_space<semaphore_mem>>, %arg16: memref<!tpu.dma_semaphore, #tpu.memory_space<semaphore_mem>>, %arg17: memref<!tpu.dma_semaphore, #tpu.memory_space<semaphore_mem>>, %arg18: memref<!tpu.dma_semaphore, #tpu.memory_space<semaphore_mem>>) attributes {dimension_semantics = [#tpu.dimension_semantics<core_parallel>, #tpu.dimension_semantics<subcore_parallel>], iteration_bounds = array<i64: 2, 16>, scalar_prefetch = 0 : i64, scratch_operands = 13 : i64, tpu.core_type = #tpu.core_type<sc_vector_subcore>, window_params = [{transform_indices = #map}, {transform_indices = #map1}, {transform_indices = #map}, {transform_indices = #map1}]} {
    %mul3A = arith.constant 16 : i32
    %mul3A_0 = arith.muli %arg0, %mul3A : i32
    %add3A = arith.addi %mul3A_0, %arg1 : i32
    %mul3A_1 = arith.constant 80 : i32
    %mul3A_2 = arith.muli %add3A, %mul3A_1 : i32
    %add3A_3 = arith.constant 0 : i32
    %add3A_4 = arith.addi %mul3A_2, %add3A_3 : i32
    "tpu.region"() ({
      %run_scoped3A = tpu.sem_alloc : memref<!tpu.dma_semaphore, #tpu.memory_space<semaphore_mem>>
      %dma_start3A_82 = arith.constant 0 : i32
      %dma_start3A_83 = arith.constant 0 : i32
      %dma_start3A_84 = tpu.memref_slice %arg3[%add3A_4, %dma_start3A_82, %dma_start3A_83] : memref<2560x2x128xi32, #tpu.memory_space<hbm>> -> memref<1x2x128xi32, #tpu.memory_space<hbm>>
      %dma_start3A_85 = tpu.memref_squeeze %dma_start3A_84 : memref<1x2x128xi32, #tpu.memory_space<hbm>> -> memref<2x128xi32, #tpu.memory_space<hbm>>
      %dma_start3A_86 = arith.constant 0 : i32
      %dma_start3A_87 = arith.constant 0 : i32
      %dma_start3A_88 = tpu.memref_slice %arg3[%add3A_4, %dma_start3A_86, %dma_start3A_87] : memref<2560x2x128xi32, #tpu.memory_space<hbm>> -> memref<1x2x128xi32, #tpu.memory_space<hbm>>
      %dma_start3A_89 = tpu.memref_squeeze %dma_start3A_88 : memref<1x2x128xi32, #tpu.memory_space<hbm>> -> memref<2x128xi32, #tpu.memory_space<hbm>>
      tpu.enqueue_dma source(%dma_start3A_89 : memref<2x128xi32, #tpu.memory_space<hbm>>) target(%arg6 : memref<2x128xi32, #tpu.memory_space<vmem>>) target_semaphore(%run_scoped3A : memref<!tpu.dma_semaphore, #tpu.memory_space<semaphore_mem>>)
      %dma_wait3A_90 = arith.constant 0 : i32
      %dma_wait3A_91 = arith.constant 0 : i32
      %dma_wait3A_92 = tpu.memref_slice %arg3[%add3A_4, %dma_wait3A_90, %dma_wait3A_91] : memref<2560x2x128xi32, #tpu.memory_space<hbm>> -> memref<1x2x128xi32, #tpu.memory_space<hbm>>
      %dma_wait3A_93 = tpu.memref_squeeze %dma_wait3A_92 : memref<1x2x128xi32, #tpu.memory_space<hbm>> -> memref<2x128xi32, #tpu.memory_space<hbm>>
      %dma_wait3A_94 = arith.constant 0 : i32
      %dma_wait3A_95 = arith.constant 0 : i32
      %dma_wait3A_96 = tpu.memref_slice %arg3[%add3A_4, %dma_wait3A_94, %dma_wait3A_95] : memref<2560x2x128xi32, #tpu.memory_space<hbm>> -> memref<1x2x128xi32, #tpu.memory_space<hbm>>
      %dma_wait3A_97 = tpu.memref_squeeze %dma_wait3A_96 : memref<1x2x128xi32, #tpu.memory_space<hbm>> -> memref<2x128xi32, #tpu.memory_space<hbm>>
      tpu.wait_dma2 semaphore(%run_scoped3A : memref<!tpu.dma_semaphore, #tpu.memory_space<semaphore_mem>>) src(%dma_wait3A_97 : memref<2x128xi32, #tpu.memory_space<hbm>>) dst(%arg6 : memref<2x128xi32, #tpu.memory_space<vmem>>)
      tpu.yield
    }) : () -> ()
    %dma_start3A = arith.constant 0 : i32
    %dma_start3A_5 = arith.constant 0 : i32
    %dma_start3A_6 = tpu.memref_slice %arg6[%dma_start3A, %dma_start3A_5] : memref<2x128xi32, #tpu.memory_space<vmem>> -> memref<1x128xi32, #tpu.memory_space<vmem>>
    %dma_start3A_7 = tpu.memref_squeeze %dma_start3A_6 : memref<1x128xi32, #tpu.memory_space<vmem>> -> memref<128xi32, #tpu.memory_space<vmem>>
    %dma_start3A_8 = arith.constant 0 : i32
    %dma_start3A_9 = arith.constant 0 : i32
    %dma_start3A_10 = tpu.memref_slice %arg2[%dma_start3A_8, %dma_start3A_9] : memref<10000x128xf32, #tpu.memory_space<hbm>> -> memref<10000x128xf32, #tpu.memory_space<hbm>>
    tpu.enqueue_indirect_dma source(%dma_start3A_10 : memref<10000x128xf32, #tpu.memory_space<hbm>>) target(%arg9 : memref<128x128xf32, #tpu.memory_space<vmem>>) offsets(%dma_start3A_7 : memref<128xi32, #tpu.memory_space<vmem>>) semaphore(%arg13 : memref<!tpu.dma_semaphore, #tpu.memory_space<semaphore_mem>>)
    %add3A_11 = arith.constant 1 : i32
    %add3A_12 = arith.addi %mul3A_2, %add3A_11 : i32
    "tpu.region"() ({
      %run_scoped3A = tpu.sem_alloc : memref<!tpu.dma_semaphore, #tpu.memory_space<semaphore_mem>>
      %dma_start3A_82 = arith.constant 0 : i32
      %dma_start3A_83 = arith.constant 0 : i32
      %dma_start3A_84 = tpu.memref_slice %arg3[%add3A_12, %dma_start3A_82, %dma_start3A_83] : memref<2560x2x128xi32, #tpu.memory_space<hbm>> -> memref<1x2x128xi32, #tpu.memory_space<hbm>>
      %dma_start3A_85 = tpu.memref_squeeze %dma_start3A_84 : memref<1x2x128xi32, #tpu.memory_space<hbm>> -> memref<2x128xi32, #tpu.memory_space<hbm>>
      %dma_start3A_86 = arith.constant 0 : i32
      %dma_start3A_87 = arith.constant 0 : i32
      %dma_start3A_88 = tpu.memref_slice %arg3[%add3A_12, %dma_start3A_86, %dma_start3A_87] : memref<2560x2x128xi32, #tpu.memory_space<hbm>> -> memref<1x2x128xi32, #tpu.memory_space<hbm>>
      %dma_start3A_89 = tpu.memref_squeeze %dma_start3A_88 : memref<1x2x128xi32, #tpu.memory_space<hbm>> -> memref<2x128xi32, #tpu.memory_space<hbm>>
      tpu.enqueue_dma source(%dma_start3A_89 : memref<2x128xi32, #tpu.memory_space<hbm>>) target(%arg7 : memref<2x128xi32, #tpu.memory_space<vmem>>) target_semaphore(%run_scoped3A : memref<!tpu.dma_semaphore, #tpu.memory_space<semaphore_mem>>)
      %dma_wait3A_90 = arith.constant 0 : i32
      %dma_wait3A_91 = arith.constant 0 : i32
      %dma_wait3A_92 = tpu.memref_slice %arg3[%add3A_12, %dma_wait3A_90, %dma_wait3A_91] : memref<2560x2x128xi32, #tpu.memory_space<hbm>> -> memref<1x2x128xi32, #tpu.memory_space<hbm>>
      %dma_wait3A_93 = tpu.memref_squeeze %dma_wait3A_92 : memref<1x2x128xi32, #tpu.memory_space<hbm>> -> memref<2x128xi32, #tpu.memory_space<hbm>>
      %dma_wait3A_94 = arith.constant 0 : i32
      %dma_wait3A_95 = arith.constant 0 : i32
      %dma_wait3A_96 = tpu.memref_slice %arg3[%add3A_12, %dma_wait3A_94, %dma_wait3A_95] : memref<2560x2x128xi32, #tpu.memory_space<hbm>> -> memref<1x2x128xi32, #tpu.memory_space<hbm>>
      %dma_wait3A_97 = tpu.memref_squeeze %dma_wait3A_96 : memref<1x2x128xi32, #tpu.memory_space<hbm>> -> memref<2x128xi32, #tpu.memory_space<hbm>>
      tpu.wait_dma2 semaphore(%run_scoped3A : memref<!tpu.dma_semaphore, #tpu.memory_space<semaphore_mem>>) src(%dma_wait3A_97 : memref<2x128xi32, #tpu.memory_space<hbm>>) dst(%arg7 : memref<2x128xi32, #tpu.memory_space<vmem>>)
      tpu.yield
    }) : () -> ()
    %dma_start3A_13 = arith.constant 0 : i32
    %dma_start3A_14 = arith.constant 0 : i32
    %dma_start3A_15 = tpu.memref_slice %arg7[%dma_start3A_13, %dma_start3A_14] : memref<2x128xi32, #tpu.memory_space<vmem>> -> memref<1x128xi32, #tpu.memory_space<vmem>>
    %dma_start3A_16 = tpu.memref_squeeze %dma_start3A_15 : memref<1x128xi32, #tpu.memory_space<vmem>> -> memref<128xi32, #tpu.memory_space<vmem>>
    %dma_start3A_17 = arith.constant 0 : i32
    %dma_start3A_18 = arith.constant 0 : i32
    %dma_start3A_19 = tpu.memref_slice %arg2[%dma_start3A_17, %dma_start3A_18] : memref<10000x128xf32, #tpu.memory_space<hbm>> -> memref<10000x128xf32, #tpu.memory_space<hbm>>
    tpu.enqueue_indirect_dma source(%dma_start3A_19 : memref<10000x128xf32, #tpu.memory_space<hbm>>) target(%arg10 : memref<128x128xf32, #tpu.memory_space<vmem>>) offsets(%dma_start3A_16 : memref<128xi32, #tpu.memory_space<vmem>>) semaphore(%arg14 : memref<!tpu.dma_semaphore, #tpu.memory_space<semaphore_mem>>)
    %add3A_20 = arith.constant 2 : i32
    %add3A_21 = arith.addi %mul3A_2, %add3A_20 : i32
    "tpu.region"() ({
      %run_scoped3A = tpu.sem_alloc : memref<!tpu.dma_semaphore, #tpu.memory_space<semaphore_mem>>
      %dma_start3A_82 = arith.constant 0 : i32
      %dma_start3A_83 = arith.constant 0 : i32
      %dma_start3A_84 = tpu.memref_slice %arg3[%add3A_21, %dma_start3A_82, %dma_start3A_83] : memref<2560x2x128xi32, #tpu.memory_space<hbm>> -> memref<1x2x128xi32, #tpu.memory_space<hbm>>
      %dma_start3A_85 = tpu.memref_squeeze %dma_start3A_84 : memref<1x2x128xi32, #tpu.memory_space<hbm>> -> memref<2x128xi32, #tpu.memory_space<hbm>>
      %dma_start3A_86 = arith.constant 0 : i32
      %dma_start3A_87 = arith.constant 0 : i32
      %dma_start3A_88 = tpu.memref_slice %arg3[%add3A_21, %dma_start3A_86, %dma_start3A_87] : memref<2560x2x128xi32, #tpu.memory_space<hbm>> -> memref<1x2x128xi32, #tpu.memory_space<hbm>>
      %dma_start3A_89 = tpu.memref_squeeze %dma_start3A_88 : memref<1x2x128xi32, #tpu.memory_space<hbm>> -> memref<2x128xi32, #tpu.memory_space<hbm>>
      tpu.enqueue_dma source(%dma_start3A_89 : memref<2x128xi32, #tpu.memory_space<hbm>>) target(%arg8 : memref<2x128xi32, #tpu.memory_space<vmem>>) target_semaphore(%run_scoped3A : memref<!tpu.dma_semaphore, #tpu.memory_space<semaphore_mem>>)
      %dma_wait3A_90 = arith.constant 0 : i32
      %dma_wait3A_91 = arith.constant 0 : i32
      %dma_wait3A_92 = tpu.memref_slice %arg3[%add3A_21, %dma_wait3A_90, %dma_wait3A_91] : memref<2560x2x128xi32, #tpu.memory_space<hbm>> -> memref<1x2x128xi32, #tpu.memory_space<hbm>>
      %dma_wait3A_93 = tpu.memref_squeeze %dma_wait3A_92 : memref<1x2x128xi32, #tpu.memory_space<hbm>> -> memref<2x128xi32, #tpu.memory_space<hbm>>
      %dma_wait3A_94 = arith.constant 0 : i32
      %dma_wait3A_95 = arith.constant 0 : i32
      %dma_wait3A_96 = tpu.memref_slice %arg3[%add3A_21, %dma_wait3A_94, %dma_wait3A_95] : memref<2560x2x128xi32, #tpu.memory_space<hbm>> -> memref<1x2x128xi32, #tpu.memory_space<hbm>>
      %dma_wait3A_97 = tpu.memref_squeeze %dma_wait3A_96 : memref<1x2x128xi32, #tpu.memory_space<hbm>> -> memref<2x128xi32, #tpu.memory_space<hbm>>
      tpu.wait_dma2 semaphore(%run_scoped3A : memref<!tpu.dma_semaphore, #tpu.memory_space<semaphore_mem>>) src(%dma_wait3A_97 : memref<2x128xi32, #tpu.memory_space<hbm>>) dst(%arg8 : memref<2x128xi32, #tpu.memory_space<vmem>>)
      tpu.yield
    }) : () -> ()
    %dma_start3A_22 = arith.constant 0 : i32
    %dma_start3A_23 = arith.constant 0 : i32
    %dma_start3A_24 = tpu.memref_slice %arg8[%dma_start3A_22, %dma_start3A_23] : memref<2x128xi32, #tpu.memory_space<vmem>> -> memref<1x128xi32, #tpu.memory_space<vmem>>
    %dma_start3A_25 = tpu.memref_squeeze %dma_start3A_24 : memref<1x128xi32, #tpu.memory_space<vmem>> -> memref<128xi32, #tpu.memory_space<vmem>>
    %dma_start3A_26 = arith.constant 0 : i32
    %dma_start3A_27 = arith.constant 0 : i32
    %dma_start3A_28 = tpu.memref_slice %arg2[%dma_start3A_26, %dma_start3A_27] : memref<10000x128xf32, #tpu.memory_space<hbm>> -> memref<10000x128xf32, #tpu.memory_space<hbm>>
    tpu.enqueue_indirect_dma source(%dma_start3A_28 : memref<10000x128xf32, #tpu.memory_space<hbm>>) target(%arg11 : memref<128x128xf32, #tpu.memory_space<vmem>>) offsets(%dma_start3A_25 : memref<128xi32, #tpu.memory_space<vmem>>) semaphore(%arg15 : memref<!tpu.dma_semaphore, #tpu.memory_space<semaphore_mem>>)
    %mul3A_29 = arith.constant 632 : i32
    %mul3A_30 = arith.muli %arg1, %mul3A_29 : i32
    "tpu.region"() ({
      %run_scoped3A = tpu.sem_alloc : memref<!tpu.dma_semaphore, #tpu.memory_space<semaphore_mem>>
      %dma_start3A_82 = arith.constant 0 : i32
      %dma_start3A_83 = tpu.memref_slice %arg12[%mul3A_30, %dma_start3A_82] : memref<10112x128xf32, #tpu.memory_space<vmem_shared>> -> memref<632x128xf32, #tpu.memory_space<vmem_shared>>
      tpu.enqueue_dma source(%arg4 : memref<632x128xf32, #tpu.memory_space<hbm>>) target(%dma_start3A_83 : memref<632x128xf32, #tpu.memory_space<vmem_shared>>) target_semaphore(%run_scoped3A : memref<!tpu.dma_semaphore, #tpu.memory_space<semaphore_mem>>)
      %dma_wait3A_84 = arith.constant 0 : i32
      %dma_wait3A_85 = tpu.memref_slice %arg12[%mul3A_30, %dma_wait3A_84] : memref<10112x128xf32, #tpu.memory_space<vmem_shared>> -> memref<632x128xf32, #tpu.memory_space<vmem_shared>>
      tpu.wait_dma2 semaphore(%run_scoped3A : memref<!tpu.dma_semaphore, #tpu.memory_space<semaphore_mem>>) src(%arg4 : memref<632x128xf32, #tpu.memory_space<hbm>>) dst(%dma_wait3A_85 : memref<632x128xf32, #tpu.memory_space<vmem_shared>>)
      tpu.yield
    }) : () -> ()
    %barrier3A = arith.constant 0 : index
    tpu.barrier barrier_id(%barrier3A)
    %scan3A = arith.constant 0 : i32
    %scan3A_31 = arith.constant 0 : i32
    %scan3A_32 = arith.constant 26 : i32
    %scan3A_33 = arith.addi %scan3A_31, %scan3A_32 : i32
    %scan3A_34 = arith.constant 1 : i32
    scf.for %scan3A_82 = %scan3A_31 to %scan3A_33 step %scan3A_34  : i32 {
      %mul3A_83 = arith.constant 3 : i32
      %mul3A_84 = arith.muli %mul3A_83, %scan3A_82 : i32
      %dma_wait3A_85 = arith.constant 0 : i32
      %dma_wait3A_86 = arith.constant 0 : i32
      %dma_wait3A_87 = tpu.memref_slice %arg6[%dma_wait3A_85, %dma_wait3A_86] : memref<2x128xi32, #tpu.memory_space<vmem>> -> memref<1x128xi32, #tpu.memory_space<vmem>>
      %dma_wait3A_88 = tpu.memref_squeeze %dma_wait3A_87 : memref<1x128xi32, #tpu.memory_space<vmem>> -> memref<128xi32, #tpu.memory_space<vmem>>
      %dma_wait3A_89 = arith.constant 0 : i32
      %dma_wait3A_90 = arith.constant 0 : i32
      %dma_wait3A_91 = tpu.memref_slice %arg2[%dma_wait3A_89, %dma_wait3A_90] : memref<10000x128xf32, #tpu.memory_space<hbm>> -> memref<10000x128xf32, #tpu.memory_space<hbm>>
      tpu.wait_indirect_dma semaphore(%arg13 : memref<!tpu.dma_semaphore, #tpu.memory_space<semaphore_mem>>) src(%dma_wait3A_91 : memref<10000x128xf32, #tpu.memory_space<hbm>>) dst(%arg9 : memref<128x128xf32, #tpu.memory_space<vmem>>)
      %dma_start3A_92 = arith.constant 1 : i32
      %dma_start3A_93 = arith.constant 0 : i32
      %dma_start3A_94 = tpu.memref_slice %arg6[%dma_start3A_92, %dma_start3A_93] : memref<2x128xi32, #tpu.memory_space<vmem>> -> memref<1x128xi32, #tpu.memory_space<vmem>>
      %dma_start3A_95 = tpu.memref_squeeze %dma_start3A_94 : memref<1x128xi32, #tpu.memory_space<vmem>> -> memref<128xi32, #tpu.memory_space<vmem>>
      %dma_start3A_96 = arith.constant 0 : i32
      %dma_start3A_97 = arith.constant 0 : i32
      %dma_start3A_98 = tpu.memref_slice %arg12[%dma_start3A_96, %dma_start3A_97] : memref<10112x128xf32, #tpu.memory_space<vmem_shared>> -> memref<10112x128xf32, #tpu.memory_space<vmem_shared>>
      tpu.enqueue_indirect_dma source(%arg9 : memref<128x128xf32, #tpu.memory_space<vmem>>) target(%dma_start3A_98 : memref<10112x128xf32, #tpu.memory_space<vmem_shared>>) offsets(%dma_start3A_95 : memref<128xi32, #tpu.memory_space<vmem>>) semaphore(%arg16 : memref<!tpu.dma_semaphore, #tpu.memory_space<semaphore_mem>>) {add = true}
      %dma_wait3A_99 = arith.constant 0 : i32
      %dma_wait3A_100 = arith.constant 0 : i32
      %dma_wait3A_101 = tpu.memref_slice %arg7[%dma_wait3A_99, %dma_wait3A_100] : memref<2x128xi32, #tpu.memory_space<vmem>> -> memref<1x128xi32, #tpu.memory_space<vmem>>
      %dma_wait3A_102 = tpu.memref_squeeze %dma_wait3A_101 : memref<1x128xi32, #tpu.memory_space<vmem>> -> memref<128xi32, #tpu.memory_space<vmem>>
      %dma_wait3A_103 = arith.constant 0 : i32
      %dma_wait3A_104 = arith.constant 0 : i32
      %dma_wait3A_105 = tpu.memref_slice %arg2[%dma_wait3A_103, %dma_wait3A_104] : memref<10000x128xf32, #tpu.memory_space<hbm>> -> memref<10000x128xf32, #tpu.memory_space<hbm>>
      tpu.wait_indirect_dma semaphore(%arg14 : memref<!tpu.dma_semaphore, #tpu.memory_space<semaphore_mem>>) src(%dma_wait3A_105 : memref<10000x128xf32, #tpu.memory_space<hbm>>) dst(%arg10 : memref<128x128xf32, #tpu.memory_space<vmem>>)
      %dma_start3A_106 = arith.constant 1 : i32
      %dma_start3A_107 = arith.constant 0 : i32
      %dma_start3A_108 = tpu.memref_slice %arg7[%dma_start3A_106, %dma_start3A_107] : memref<2x128xi32, #tpu.memory_space<vmem>> -> memref<1x128xi32, #tpu.memory_space<vmem>>
      %dma_start3A_109 = tpu.memref_squeeze %dma_start3A_108 : memref<1x128xi32, #tpu.memory_space<vmem>> -> memref<128xi32, #tpu.memory_space<vmem>>
      %dma_start3A_110 = arith.constant 0 : i32
      %dma_start3A_111 = arith.constant 0 : i32
      %dma_start3A_112 = tpu.memref_slice %arg12[%dma_start3A_110, %dma_start3A_111] : memref<10112x128xf32, #tpu.memory_space<vmem_shared>> -> memref<10112x128xf32, #tpu.memory_space<vmem_shared>>
      tpu.enqueue_indirect_dma source(%arg10 : memref<128x128xf32, #tpu.memory_space<vmem>>) target(%dma_start3A_112 : memref<10112x128xf32, #tpu.memory_space<vmem_shared>>) offsets(%dma_start3A_109 : memref<128xi32, #tpu.memory_space<vmem>>) semaphore(%arg17 : memref<!tpu.dma_semaphore, #tpu.memory_space<semaphore_mem>>) {add = true}
      %add3A_113 = arith.constant 3 : i32
      %add3A_114 = arith.addi %mul3A_84, %add3A_113 : i32
      %lt3A = arith.constant 80 : i32
      %lt3A_115 = arith.cmpi slt, %add3A_114, %lt3A : i32
      %convert_element_type3A = arith.extui %lt3A_115 : i1 to i32
      %cond3A = arith.constant 0 : i32
      %cond3A_116 = arith.cmpi ne, %convert_element_type3A, %cond3A : i32
      scf.if %cond3A_116 {
        %dma_wait3A_145 = arith.constant 1 : i32
        %dma_wait3A_146 = arith.constant 0 : i32
        %dma_wait3A_147 = tpu.memref_slice %arg6[%dma_wait3A_145, %dma_wait3A_146] : memref<2x128xi32, #tpu.memory_space<vmem>> -> memref<1x128xi32, #tpu.memory_space<vmem>>
        %dma_wait3A_148 = tpu.memref_squeeze %dma_wait3A_147 : memref<1x128xi32, #tpu.memory_space<vmem>> -> memref<128xi32, #tpu.memory_space<vmem>>
        %dma_wait3A_149 = arith.constant 0 : i32
        %dma_wait3A_150 = arith.constant 0 : i32
        %dma_wait3A_151 = tpu.memref_slice %arg12[%dma_wait3A_149, %dma_wait3A_150] : memref<10112x128xf32, #tpu.memory_space<vmem_shared>> -> memref<10112x128xf32, #tpu.memory_space<vmem_shared>>
        tpu.wait_indirect_dma semaphore(%arg16 : memref<!tpu.dma_semaphore, #tpu.memory_space<semaphore_mem>>) src(%arg9 : memref<128x128xf32, #tpu.memory_space<vmem>>) dst(%dma_wait3A_151 : memref<10112x128xf32, #tpu.memory_space<vmem_shared>>)
        %add3A_152 = arith.addi %mul3A_2, %mul3A_84 : i32
        %add3A_153 = arith.constant 3 : i32
        %add3A_154 = arith.addi %add3A_152, %add3A_153 : i32
        "tpu.region"() ({
          %run_scoped3A = tpu.sem_alloc : memref<!tpu.dma_semaphore, #tpu.memory_space<semaphore_mem>>
          %dma_start3A_162 = arith.constant 0 : i32
          %dma_start3A_163 = arith.constant 0 : i32
          %dma_start3A_164 = tpu.memref_slice %arg3[%add3A_154, %dma_start3A_162, %dma_start3A_163] : memref<2560x2x128xi32, #tpu.memory_space<hbm>> -> memref<1x2x128xi32, #tpu.memory_space<hbm>>
          %dma_start3A_165 = tpu.memref_squeeze %dma_start3A_164 : memref<1x2x128xi32, #tpu.memory_space<hbm>> -> memref<2x128xi32, #tpu.memory_space<hbm>>
          %dma_start3A_166 = arith.constant 0 : i32
          %dma_start3A_167 = arith.constant 0 : i32
          %dma_start3A_168 = tpu.memref_slice %arg3[%add3A_154, %dma_start3A_166, %dma_start3A_167] : memref<2560x2x128xi32, #tpu.memory_space<hbm>> -> memref<1x2x128xi32, #tpu.memory_space<hbm>>
          %dma_start3A_169 = tpu.memref_squeeze %dma_start3A_168 : memref<1x2x128xi32, #tpu.memory_space<hbm>> -> memref<2x128xi32, #tpu.memory_space<hbm>>
          tpu.enqueue_dma source(%dma_start3A_169 : memref<2x128xi32, #tpu.memory_space<hbm>>) target(%arg6 : memref<2x128xi32, #tpu.memory_space<vmem>>) target_semaphore(%run_scoped3A : memref<!tpu.dma_semaphore, #tpu.memory_space<semaphore_mem>>)
          %dma_wait3A_170 = arith.constant 0 : i32
          %dma_wait3A_171 = arith.constant 0 : i32
          %dma_wait3A_172 = tpu.memref_slice %arg3[%add3A_154, %dma_wait3A_170, %dma_wait3A_171] : memref<2560x2x128xi32, #tpu.memory_space<hbm>> -> memref<1x2x128xi32, #tpu.memory_space<hbm>>
          %dma_wait3A_173 = tpu.memref_squeeze %dma_wait3A_172 : memref<1x2x128xi32, #tpu.memory_space<hbm>> -> memref<2x128xi32, #tpu.memory_space<hbm>>
          %dma_wait3A_174 = arith.constant 0 : i32
          %dma_wait3A_175 = arith.constant 0 : i32
          %dma_wait3A_176 = tpu.memref_slice %arg3[%add3A_154, %dma_wait3A_174, %dma_wait3A_175] : memref<2560x2x128xi32, #tpu.memory_space<hbm>> -> memref<1x2x128xi32, #tpu.memory_space<hbm>>
          %dma_wait3A_177 = tpu.memref_squeeze %dma_wait3A_176 : memref<1x2x128xi32, #tpu.memory_space<hbm>> -> memref<2x128xi32, #tpu.memory_space<hbm>>
          tpu.wait_dma2 semaphore(%run_scoped3A : memref<!tpu.dma_semaphore, #tpu.memory_space<semaphore_mem>>) src(%dma_wait3A_177 : memref<2x128xi32, #tpu.memory_space<hbm>>) dst(%arg6 : memref<2x128xi32, #tpu.memory_space<vmem>>)
          tpu.yield
        }) : () -> ()
        %dma_start3A_155 = arith.constant 0 : i32
        %dma_start3A_156 = arith.constant 0 : i32
        %dma_start3A_157 = tpu.memref_slice %arg6[%dma_start3A_155, %dma_start3A_156] : memref<2x128xi32, #tpu.memory_space<vmem>> -> memref<1x128xi32, #tpu.memory_space<vmem>>
        %dma_start3A_158 = tpu.memref_squeeze %dma_start3A_157 : memref<1x128xi32, #tpu.memory_space<vmem>> -> memref<128xi32, #tpu.memory_space<vmem>>
        %dma_start3A_159 = arith.constant 0 : i32
        %dma_start3A_160 = arith.constant 0 : i32
        %dma_start3A_161 = tpu.memref_slice %arg2[%dma_start3A_159, %dma_start3A_160] : memref<10000x128xf32, #tpu.memory_space<hbm>> -> memref<10000x128xf32, #tpu.memory_space<hbm>>
        tpu.enqueue_indirect_dma source(%dma_start3A_161 : memref<10000x128xf32, #tpu.memory_space<hbm>>) target(%arg9 : memref<128x128xf32, #tpu.memory_space<vmem>>) offsets(%dma_start3A_158 : memref<128xi32, #tpu.memory_space<vmem>>) semaphore(%arg13 : memref<!tpu.dma_semaphore, #tpu.memory_space<semaphore_mem>>)
      } else {
      }
      %dma_wait3A_117 = arith.constant 0 : i32
      %dma_wait3A_118 = arith.constant 0 : i32
      %dma_wait3A_119 = tpu.memref_slice %arg8[%dma_wait3A_117, %dma_wait3A_118] : memref<2x128xi32, #tpu.memory_space<vmem>> -> memref<1x128xi32, #tpu.memory_space<vmem>>
      %dma_wait3A_120 = tpu.memref_squeeze %dma_wait3A_119 : memref<1x128xi32, #tpu.memory_space<vmem>> -> memref<128xi32, #tpu.memory_space<vmem>>
      %dma_wait3A_121 = arith.constant 0 : i32
      %dma_wait3A_122 = arith.constant 0 : i32
      %dma_wait3A_123 = tpu.memref_slice %arg2[%dma_wait3A_121, %dma_wait3A_122] : memref<10000x128xf32, #tpu.memory_space<hbm>> -> memref<10000x128xf32, #tpu.memory_space<hbm>>
      tpu.wait_indirect_dma semaphore(%arg15 : memref<!tpu.dma_semaphore, #tpu.memory_space<semaphore_mem>>) src(%dma_wait3A_123 : memref<10000x128xf32, #tpu.memory_space<hbm>>) dst(%arg11 : memref<128x128xf32, #tpu.memory_space<vmem>>)
      %dma_start3A_124 = arith.constant 1 : i32
      %dma_start3A_125 = arith.constant 0 : i32
      %dma_start3A_126 = tpu.memref_slice %arg8[%dma_start3A_124, %dma_start3A_125] : memref<2x128xi32, #tpu.memory_space<vmem>> -> memref<1x128xi32, #tpu.memory_space<vmem>>
      %dma_start3A_127 = tpu.memref_squeeze %dma_start3A_126 : memref<1x128xi32, #tpu.memory_space<vmem>> -> memref<128xi32, #tpu.memory_space<vmem>>
      %dma_start3A_128 = arith.constant 0 : i32
      %dma_start3A_129 = arith.constant 0 : i32
      %dma_start3A_130 = tpu.memref_slice %arg12[%dma_start3A_128, %dma_start3A_129] : memref<10112x128xf32, #tpu.memory_space<vmem_shared>> -> memref<10112x128xf32, #tpu.memory_space<vmem_shared>>
      tpu.enqueue_indirect_dma source(%arg11 : memref<128x128xf32, #tpu.memory_space<vmem>>) target(%dma_start3A_130 : memref<10112x128xf32, #tpu.memory_space<vmem_shared>>) offsets(%dma_start3A_127 : memref<128xi32, #tpu.memory_space<vmem>>) semaphore(%arg18 : memref<!tpu.dma_semaphore, #tpu.memory_space<semaphore_mem>>) {add = true}
      %add3A_131 = arith.constant 4 : i32
      %add3A_132 = arith.addi %mul3A_84, %add3A_131 : i32
      %lt3A_133 = arith.constant 80 : i32
      %lt3A_134 = arith.cmpi slt, %add3A_132, %lt3A_133 : i32
      %convert_element_type3A_135 = arith.extui %lt3A_134 : i1 to i32
      %cond3A_136 = arith.constant 0 : i32
      %cond3A_137 = arith.cmpi ne, %convert_element_type3A_135, %cond3A_136 : i32
      scf.if %cond3A_137 {
        %dma_wait3A_145 = arith.constant 1 : i32
        %dma_wait3A_146 = arith.constant 0 : i32
        %dma_wait3A_147 = tpu.memref_slice %arg7[%dma_wait3A_145, %dma_wait3A_146] : memref<2x128xi32, #tpu.memory_space<vmem>> -> memref<1x128xi32, #tpu.memory_space<vmem>>
        %dma_wait3A_148 = tpu.memref_squeeze %dma_wait3A_147 : memref<1x128xi32, #tpu.memory_space<vmem>> -> memref<128xi32, #tpu.memory_space<vmem>>
        %dma_wait3A_149 = arith.constant 0 : i32
        %dma_wait3A_150 = arith.constant 0 : i32
        %dma_wait3A_151 = tpu.memref_slice %arg12[%dma_wait3A_149, %dma_wait3A_150] : memref<10112x128xf32, #tpu.memory_space<vmem_shared>> -> memref<10112x128xf32, #tpu.memory_space<vmem_shared>>
        tpu.wait_indirect_dma semaphore(%arg17 : memref<!tpu.dma_semaphore, #tpu.memory_space<semaphore_mem>>) src(%arg10 : memref<128x128xf32, #tpu.memory_space<vmem>>) dst(%dma_wait3A_151 : memref<10112x128xf32, #tpu.memory_space<vmem_shared>>)
        %add3A_152 = arith.addi %mul3A_2, %mul3A_84 : i32
        %add3A_153 = arith.constant 4 : i32
        %add3A_154 = arith.addi %add3A_152, %add3A_153 : i32
        "tpu.region"() ({
          %run_scoped3A = tpu.sem_alloc : memref<!tpu.dma_semaphore, #tpu.memory_space<semaphore_mem>>
          %dma_start3A_162 = arith.constant 0 : i32
          %dma_start3A_163 = arith.constant 0 : i32
          %dma_start3A_164 = tpu.memref_slice %arg3[%add3A_154, %dma_start3A_162, %dma_start3A_163] : memref<2560x2x128xi32, #tpu.memory_space<hbm>> -> memref<1x2x128xi32, #tpu.memory_space<hbm>>
          %dma_start3A_165 = tpu.memref_squeeze %dma_start3A_164 : memref<1x2x128xi32, #tpu.memory_space<hbm>> -> memref<2x128xi32, #tpu.memory_space<hbm>>
          %dma_start3A_166 = arith.constant 0 : i32
          %dma_start3A_167 = arith.constant 0 : i32
          %dma_start3A_168 = tpu.memref_slice %arg3[%add3A_154, %dma_start3A_166, %dma_start3A_167] : memref<2560x2x128xi32, #tpu.memory_space<hbm>> -> memref<1x2x128xi32, #tpu.memory_space<hbm>>
          %dma_start3A_169 = tpu.memref_squeeze %dma_start3A_168 : memref<1x2x128xi32, #tpu.memory_space<hbm>> -> memref<2x128xi32, #tpu.memory_space<hbm>>
          tpu.enqueue_dma source(%dma_start3A_169 : memref<2x128xi32, #tpu.memory_space<hbm>>) target(%arg7 : memref<2x128xi32, #tpu.memory_space<vmem>>) target_semaphore(%run_scoped3A : memref<!tpu.dma_semaphore, #tpu.memory_space<semaphore_mem>>)
          %dma_wait3A_170 = arith.constant 0 : i32
          %dma_wait3A_171 = arith.constant 0 : i32
          %dma_wait3A_172 = tpu.memref_slice %arg3[%add3A_154, %dma_wait3A_170, %dma_wait3A_171] : memref<2560x2x128xi32, #tpu.memory_space<hbm>> -> memref<1x2x128xi32, #tpu.memory_space<hbm>>
          %dma_wait3A_173 = tpu.memref_squeeze %dma_wait3A_172 : memref<1x2x128xi32, #tpu.memory_space<hbm>> -> memref<2x128xi32, #tpu.memory_space<hbm>>
          %dma_wait3A_174 = arith.constant 0 : i32
          %dma_wait3A_175 = arith.constant 0 : i32
          %dma_wait3A_176 = tpu.memref_slice %arg3[%add3A_154, %dma_wait3A_174, %dma_wait3A_175] : memref<2560x2x128xi32, #tpu.memory_space<hbm>> -> memref<1x2x128xi32, #tpu.memory_space<hbm>>
          %dma_wait3A_177 = tpu.memref_squeeze %dma_wait3A_176 : memref<1x2x128xi32, #tpu.memory_space<hbm>> -> memref<2x128xi32, #tpu.memory_space<hbm>>
          tpu.wait_dma2 semaphore(%run_scoped3A : memref<!tpu.dma_semaphore, #tpu.memory_space<semaphore_mem>>) src(%dma_wait3A_177 : memref<2x128xi32, #tpu.memory_space<hbm>>) dst(%arg7 : memref<2x128xi32, #tpu.memory_space<vmem>>)
          tpu.yield
        }) : () -> ()
        %dma_start3A_155 = arith.constant 0 : i32
        %dma_start3A_156 = arith.constant 0 : i32
        %dma_start3A_157 = tpu.memref_slice %arg7[%dma_start3A_155, %dma_start3A_156] : memref<2x128xi32, #tpu.memory_space<vmem>> -> memref<1x128xi32, #tpu.memory_space<vmem>>
        %dma_start3A_158 = tpu.memref_squeeze %dma_start3A_157 : memref<1x128xi32, #tpu.memory_space<vmem>> -> memref<128xi32, #tpu.memory_space<vmem>>
        %dma_start3A_159 = arith.constant 0 : i32
        %dma_start3A_160 = arith.constant 0 : i32
        %dma_start3A_161 = tpu.memref_slice %arg2[%dma_start3A_159, %dma_start3A_160] : memref<10000x128xf32, #tpu.memory_space<hbm>> -> memref<10000x128xf32, #tpu.memory_space<hbm>>
        tpu.enqueue_indirect_dma source(%dma_start3A_161 : memref<10000x128xf32, #tpu.memory_space<hbm>>) target(%arg10 : memref<128x128xf32, #tpu.memory_space<vmem>>) offsets(%dma_start3A_158 : memref<128xi32, #tpu.memory_space<vmem>>) semaphore(%arg14 : memref<!tpu.dma_semaphore, #tpu.memory_space<semaphore_mem>>)
      } else {
      }
      %add3A_138 = arith.constant 5 : i32
      %add3A_139 = arith.addi %mul3A_84, %add3A_138 : i32
      %lt3A_140 = arith.constant 80 : i32
      %lt3A_141 = arith.cmpi slt, %add3A_139, %lt3A_140 : i32
      %convert_element_type3A_142 = arith.extui %lt3A_141 : i1 to i32
      %cond3A_143 = arith.constant 0 : i32
      %cond3A_144 = arith.cmpi ne, %convert_element_type3A_142, %cond3A_143 : i32
      scf.if %cond3A_144 {
        %dma_wait3A_145 = arith.constant 1 : i32
        %dma_wait3A_146 = arith.constant 0 : i32
        %dma_wait3A_147 = tpu.memref_slice %arg8[%dma_wait3A_145, %dma_wait3A_146] : memref<2x128xi32, #tpu.memory_space<vmem>> -> memref<1x128xi32, #tpu.memory_space<vmem>>
        %dma_wait3A_148 = tpu.memref_squeeze %dma_wait3A_147 : memref<1x128xi32, #tpu.memory_space<vmem>> -> memref<128xi32, #tpu.memory_space<vmem>>
        %dma_wait3A_149 = arith.constant 0 : i32
        %dma_wait3A_150 = arith.constant 0 : i32
        %dma_wait3A_151 = tpu.memref_slice %arg12[%dma_wait3A_149, %dma_wait3A_150] : memref<10112x128xf32, #tpu.memory_space<vmem_shared>> -> memref<10112x128xf32, #tpu.memory_space<vmem_shared>>
        tpu.wait_indirect_dma semaphore(%arg18 : memref<!tpu.dma_semaphore, #tpu.memory_space<semaphore_mem>>) src(%arg11 : memref<128x128xf32, #tpu.memory_space<vmem>>) dst(%dma_wait3A_151 : memref<10112x128xf32, #tpu.memory_space<vmem_shared>>)
        %add3A_152 = arith.addi %mul3A_2, %mul3A_84 : i32
        %add3A_153 = arith.constant 5 : i32
        %add3A_154 = arith.addi %add3A_152, %add3A_153 : i32
        "tpu.region"() ({
          %run_scoped3A = tpu.sem_alloc : memref<!tpu.dma_semaphore, #tpu.memory_space<semaphore_mem>>
          %dma_start3A_162 = arith.constant 0 : i32
          %dma_start3A_163 = arith.constant 0 : i32
          %dma_start3A_164 = tpu.memref_slice %arg3[%add3A_154, %dma_start3A_162, %dma_start3A_163] : memref<2560x2x128xi32, #tpu.memory_space<hbm>> -> memref<1x2x128xi32, #tpu.memory_space<hbm>>
          %dma_start3A_165 = tpu.memref_squeeze %dma_start3A_164 : memref<1x2x128xi32, #tpu.memory_space<hbm>> -> memref<2x128xi32, #tpu.memory_space<hbm>>
          %dma_start3A_166 = arith.constant 0 : i32
          %dma_start3A_167 = arith.constant 0 : i32
          %dma_start3A_168 = tpu.memref_slice %arg3[%add3A_154, %dma_start3A_166, %dma_start3A_167] : memref<2560x2x128xi32, #tpu.memory_space<hbm>> -> memref<1x2x128xi32, #tpu.memory_space<hbm>>
          %dma_start3A_169 = tpu.memref_squeeze %dma_start3A_168 : memref<1x2x128xi32, #tpu.memory_space<hbm>> -> memref<2x128xi32, #tpu.memory_space<hbm>>
          tpu.enqueue_dma source(%dma_start3A_169 : memref<2x128xi32, #tpu.memory_space<hbm>>) target(%arg8 : memref<2x128xi32, #tpu.memory_space<vmem>>) target_semaphore(%run_scoped3A : memref<!tpu.dma_semaphore, #tpu.memory_space<semaphore_mem>>)
          %dma_wait3A_170 = arith.constant 0 : i32
          %dma_wait3A_171 = arith.constant 0 : i32
          %dma_wait3A_172 = tpu.memref_slice %arg3[%add3A_154, %dma_wait3A_170, %dma_wait3A_171] : memref<2560x2x128xi32, #tpu.memory_space<hbm>> -> memref<1x2x128xi32, #tpu.memory_space<hbm>>
          %dma_wait3A_173 = tpu.memref_squeeze %dma_wait3A_172 : memref<1x2x128xi32, #tpu.memory_space<hbm>> -> memref<2x128xi32, #tpu.memory_space<hbm>>
          %dma_wait3A_174 = arith.constant 0 : i32
          %dma_wait3A_175 = arith.constant 0 : i32
          %dma_wait3A_176 = tpu.memref_slice %arg3[%add3A_154, %dma_wait3A_174, %dma_wait3A_175] : memref<2560x2x128xi32, #tpu.memory_space<hbm>> -> memref<1x2x128xi32, #tpu.memory_space<hbm>>
          %dma_wait3A_177 = tpu.memref_squeeze %dma_wait3A_176 : memref<1x2x128xi32, #tpu.memory_space<hbm>> -> memref<2x128xi32, #tpu.memory_space<hbm>>
          tpu.wait_dma2 semaphore(%run_scoped3A : memref<!tpu.dma_semaphore, #tpu.memory_space<semaphore_mem>>) src(%dma_wait3A_177 : memref<2x128xi32, #tpu.memory_space<hbm>>) dst(%arg8 : memref<2x128xi32, #tpu.memory_space<vmem>>)
          tpu.yield
        }) : () -> ()
        %dma_start3A_155 = arith.constant 0 : i32
        %dma_start3A_156 = arith.constant 0 : i32
        %dma_start3A_157 = tpu.memref_slice %arg8[%dma_start3A_155, %dma_start3A_156] : memref<2x128xi32, #tpu.memory_space<vmem>> -> memref<1x128xi32, #tpu.memory_space<vmem>>
        %dma_start3A_158 = tpu.memref_squeeze %dma_start3A_157 : memref<1x128xi32, #tpu.memory_space<vmem>> -> memref<128xi32, #tpu.memory_space<vmem>>
        %dma_start3A_159 = arith.constant 0 : i32
        %dma_start3A_160 = arith.constant 0 : i32
        %dma_start3A_161 = tpu.memref_slice %arg2[%dma_start3A_159, %dma_start3A_160] : memref<10000x128xf32, #tpu.memory_space<hbm>> -> memref<10000x128xf32, #tpu.memory_space<hbm>>
        tpu.enqueue_indirect_dma source(%dma_start3A_161 : memref<10000x128xf32, #tpu.memory_space<hbm>>) target(%arg11 : memref<128x128xf32, #tpu.memory_space<vmem>>) offsets(%dma_start3A_158 : memref<128xi32, #tpu.memory_space<vmem>>) semaphore(%arg15 : memref<!tpu.dma_semaphore, #tpu.memory_space<semaphore_mem>>)
      } else {
      }
    }
    %scan3A_35 = arith.constant 26 : i32
    %dma_wait3A = arith.constant 0 : i32
    %dma_wait3A_36 = arith.constant 0 : i32
    %dma_wait3A_37 = tpu.memref_slice %arg6[%dma_wait3A, %dma_wait3A_36] : memref<2x128xi32, #tpu.memory_space<vmem>> -> memref<1x128xi32, #tpu.memory_space<vmem>>
    %dma_wait3A_38 = tpu.memref_squeeze %dma_wait3A_37 : memref<1x128xi32, #tpu.memory_space<vmem>> -> memref<128xi32, #tpu.memory_space<vmem>>
    %dma_wait3A_39 = arith.constant 0 : i32
    %dma_wait3A_40 = arith.constant 0 : i32
    %dma_wait3A_41 = tpu.memref_slice %arg2[%dma_wait3A_39, %dma_wait3A_40] : memref<10000x128xf32, #tpu.memory_space<hbm>> -> memref<10000x128xf32, #tpu.memory_space<hbm>>
    tpu.wait_indirect_dma semaphore(%arg13 : memref<!tpu.dma_semaphore, #tpu.memory_space<semaphore_mem>>) src(%dma_wait3A_41 : memref<10000x128xf32, #tpu.memory_space<hbm>>) dst(%arg9 : memref<128x128xf32, #tpu.memory_space<vmem>>)
    %dma_start3A_42 = arith.constant 1 : i32
    %dma_start3A_43 = arith.constant 0 : i32
    %dma_start3A_44 = tpu.memref_slice %arg6[%dma_start3A_42, %dma_start3A_43] : memref<2x128xi32, #tpu.memory_space<vmem>> -> memref<1x128xi32, #tpu.memory_space<vmem>>
    %dma_start3A_45 = tpu.memref_squeeze %dma_start3A_44 : memref<1x128xi32, #tpu.memory_space<vmem>> -> memref<128xi32, #tpu.memory_space<vmem>>
    %dma_start3A_46 = arith.constant 0 : i32
    %dma_start3A_47 = arith.constant 0 : i32
    %dma_start3A_48 = tpu.memref_slice %arg12[%dma_start3A_46, %dma_start3A_47] : memref<10112x128xf32, #tpu.memory_space<vmem_shared>> -> memref<10112x128xf32, #tpu.memory_space<vmem_shared>>
    tpu.enqueue_indirect_dma source(%arg9 : memref<128x128xf32, #tpu.memory_space<vmem>>) target(%dma_start3A_48 : memref<10112x128xf32, #tpu.memory_space<vmem_shared>>) offsets(%dma_start3A_45 : memref<128xi32, #tpu.memory_space<vmem>>) semaphore(%arg16 : memref<!tpu.dma_semaphore, #tpu.memory_space<semaphore_mem>>) {add = true}
    %dma_wait3A_49 = arith.constant 0 : i32
    %dma_wait3A_50 = arith.constant 0 : i32
    %dma_wait3A_51 = tpu.memref_slice %arg7[%dma_wait3A_49, %dma_wait3A_50] : memref<2x128xi32, #tpu.memory_space<vmem>> -> memref<1x128xi32, #tpu.memory_space<vmem>>
    %dma_wait3A_52 = tpu.memref_squeeze %dma_wait3A_51 : memref<1x128xi32, #tpu.memory_space<vmem>> -> memref<128xi32, #tpu.memory_space<vmem>>
    %dma_wait3A_53 = arith.constant 0 : i32
    %dma_wait3A_54 = arith.constant 0 : i32
    %dma_wait3A_55 = tpu.memref_slice %arg2[%dma_wait3A_53, %dma_wait3A_54] : memref<10000x128xf32, #tpu.memory_space<hbm>> -> memref<10000x128xf32, #tpu.memory_space<hbm>>
    tpu.wait_indirect_dma semaphore(%arg14 : memref<!tpu.dma_semaphore, #tpu.memory_space<semaphore_mem>>) src(%dma_wait3A_55 : memref<10000x128xf32, #tpu.memory_space<hbm>>) dst(%arg10 : memref<128x128xf32, #tpu.memory_space<vmem>>)
    %dma_start3A_56 = arith.constant 1 : i32
    %dma_start3A_57 = arith.constant 0 : i32
    %dma_start3A_58 = tpu.memref_slice %arg7[%dma_start3A_56, %dma_start3A_57] : memref<2x128xi32, #tpu.memory_space<vmem>> -> memref<1x128xi32, #tpu.memory_space<vmem>>
    %dma_start3A_59 = tpu.memref_squeeze %dma_start3A_58 : memref<1x128xi32, #tpu.memory_space<vmem>> -> memref<128xi32, #tpu.memory_space<vmem>>
    %dma_start3A_60 = arith.constant 0 : i32
    %dma_start3A_61 = arith.constant 0 : i32
    %dma_start3A_62 = tpu.memref_slice %arg12[%dma_start3A_60, %dma_start3A_61] : memref<10112x128xf32, #tpu.memory_space<vmem_shared>> -> memref<10112x128xf32, #tpu.memory_space<vmem_shared>>
    tpu.enqueue_indirect_dma source(%arg10 : memref<128x128xf32, #tpu.memory_space<vmem>>) target(%dma_start3A_62 : memref<10112x128xf32, #tpu.memory_space<vmem_shared>>) offsets(%dma_start3A_59 : memref<128xi32, #tpu.memory_space<vmem>>) semaphore(%arg17 : memref<!tpu.dma_semaphore, #tpu.memory_space<semaphore_mem>>) {add = true}
    %dma_wait3A_63 = arith.constant 1 : i32
    %dma_wait3A_64 = arith.constant 0 : i32
    %dma_wait3A_65 = tpu.memref_slice %arg6[%dma_wait3A_63, %dma_wait3A_64] : memref<2x128xi32, #tpu.memory_space<vmem>> -> memref<1x128xi32, #tpu.memory_space<vmem>>
    %dma_wait3A_66 = tpu.memref_squeeze %dma_wait3A_65 : memref<1x128xi32, #tpu.memory_space<vmem>> -> memref<128xi32, #tpu.memory_space<vmem>>
    %dma_wait3A_67 = arith.constant 0 : i32
    %dma_wait3A_68 = arith.constant 0 : i32
    %dma_wait3A_69 = tpu.memref_slice %arg12[%dma_wait3A_67, %dma_wait3A_68] : memref<10112x128xf32, #tpu.memory_space<vmem_shared>> -> memref<10112x128xf32, #tpu.memory_space<vmem_shared>>
    tpu.wait_indirect_dma semaphore(%arg16 : memref<!tpu.dma_semaphore, #tpu.memory_space<semaphore_mem>>) src(%arg9 : memref<128x128xf32, #tpu.memory_space<vmem>>) dst(%dma_wait3A_69 : memref<10112x128xf32, #tpu.memory_space<vmem_shared>>)
    %dma_wait3A_70 = arith.constant 1 : i32
    %dma_wait3A_71 = arith.constant 0 : i32
    %dma_wait3A_72 = tpu.memref_slice %arg7[%dma_wait3A_70, %dma_wait3A_71] : memref<2x128xi32, #tpu.memory_space<vmem>> -> memref<1x128xi32, #tpu.memory_space<vmem>>
    %dma_wait3A_73 = tpu.memref_squeeze %dma_wait3A_72 : memref<1x128xi32, #tpu.memory_space<vmem>> -> memref<128xi32, #tpu.memory_space<vmem>>
    %dma_wait3A_74 = arith.constant 0 : i32
    %dma_wait3A_75 = arith.constant 0 : i32
    %dma_wait3A_76 = tpu.memref_slice %arg12[%dma_wait3A_74, %dma_wait3A_75] : memref<10112x128xf32, #tpu.memory_space<vmem_shared>> -> memref<10112x128xf32, #tpu.memory_space<vmem_shared>>
    tpu.wait_indirect_dma semaphore(%arg17 : memref<!tpu.dma_semaphore, #tpu.memory_space<semaphore_mem>>) src(%arg10 : memref<128x128xf32, #tpu.memory_space<vmem>>) dst(%dma_wait3A_76 : memref<10112x128xf32, #tpu.memory_space<vmem_shared>>)
    %barrier3A_77 = arith.constant 0 : index
    tpu.barrier barrier_id(%barrier3A_77)
    %mul3A_78 = arith.constant 632 : i32
    %mul3A_79 = arith.muli %arg1, %mul3A_78 : i32
    %mul3A_80 = arith.constant 632 : i32
    %mul3A_81 = arith.muli %arg1, %mul3A_80 : i32
    "tpu.region"() ({
      %run_scoped3A = tpu.sem_alloc : memref<!tpu.dma_semaphore, #tpu.memory_space<semaphore_mem>>
      %dma_start3A_82 = arith.constant 0 : i32
      %dma_start3A_83 = tpu.memref_slice %arg5[%arg0, %mul3A_81, %dma_start3A_82] : memref<2x10112x128xf32, #tpu.memory_space<hbm>> -> memref<1x632x128xf32, #tpu.memory_space<hbm>>
      %dma_start3A_84 = tpu.memref_squeeze %dma_start3A_83 : memref<1x632x128xf32, #tpu.memory_space<hbm>> -> memref<632x128xf32, #tpu.memory_space<hbm>>
      %dma_start3A_85 = arith.constant 0 : i32
      %dma_start3A_86 = tpu.memref_slice %arg12[%mul3A_79, %dma_start3A_85] : memref<10112x128xf32, #tpu.memory_space<vmem_shared>> -> memref<632x128xf32, #tpu.memory_space<vmem_shared>>
      tpu.enqueue_dma source(%dma_start3A_86 : memref<632x128xf32, #tpu.memory_space<vmem_shared>>) target(%dma_start3A_84 : memref<632x128xf32, #tpu.memory_space<hbm>>) target_semaphore(%run_scoped3A : memref<!tpu.dma_semaphore, #tpu.memory_space<semaphore_mem>>)
      %dma_wait3A_87 = arith.constant 0 : i32
      %dma_wait3A_88 = tpu.memref_slice %arg5[%arg0, %mul3A_81, %dma_wait3A_87] : memref<2x10112x128xf32, #tpu.memory_space<hbm>> -> memref<1x632x128xf32, #tpu.memory_space<hbm>>
      %dma_wait3A_89 = tpu.memref_squeeze %dma_wait3A_88 : memref<1x632x128xf32, #tpu.memory_space<hbm>> -> memref<632x128xf32, #tpu.memory_space<hbm>>
      %dma_wait3A_90 = arith.constant 0 : i32
      %dma_wait3A_91 = tpu.memref_slice %arg12[%mul3A_79, %dma_wait3A_90] : memref<10112x128xf32, #tpu.memory_space<vmem_shared>> -> memref<632x128xf32, #tpu.memory_space<vmem_shared>>
      tpu.wait_dma2 semaphore(%run_scoped3A : memref<!tpu.dma_semaphore, #tpu.memory_space<semaphore_mem>>) src(%dma_wait3A_91 : memref<632x128xf32, #tpu.memory_space<vmem_shared>>) dst(%dma_wait3A_89 : memref<632x128xf32, #tpu.memory_space<hbm>>)
      tpu.yield
    }) : () -> ()
    return
  }
}

#map = affine_map<(d0, d1) -> (0, 0)>
#map1 = affine_map<(d0, d1) -> (0, 0, 0)>
module attributes {stable_mosaic.version = 14 : i64} {
  func.func @_agg_body(%arg0: i32, %arg1: i32, %arg2: memref<10000x128xf32, #tpu.memory_space<hbm>>, %arg3: memref<2560x2x128xi32, #tpu.memory_space<hbm>>, %arg4: memref<632x128xf32, #tpu.memory_space<hbm>>, %arg5: memref<2x10112x128xf32, #tpu.memory_space<hbm>>, %arg6: memref<2x128xi32, #tpu.memory_space<vmem>>, %arg7: memref<2x128xi32, #tpu.memory_space<vmem>>, %arg8: memref<2x128xi32, #tpu.memory_space<vmem>>, %arg9: memref<128x128xf32, #tpu.memory_space<vmem>>, %arg10: memref<128x128xf32, #tpu.memory_space<vmem>>, %arg11: memref<128x128xf32, #tpu.memory_space<vmem>>, %arg12: memref<10112x128xf32, #tpu.memory_space<vmem_shared>>, %arg13: memref<!tpu.dma_semaphore, #tpu.memory_space<semaphore_mem>>, %arg14: memref<!tpu.dma_semaphore, #tpu.memory_space<semaphore_mem>>, %arg15: memref<!tpu.dma_semaphore, #tpu.memory_space<semaphore_mem>>, %arg16: memref<!tpu.dma_semaphore, #tpu.memory_space<semaphore_mem>>, %arg17: memref<!tpu.dma_semaphore, #tpu.memory_space<semaphore_mem>>, %arg18: memref<!tpu.dma_semaphore, #tpu.memory_space<semaphore_mem>>) attributes {dimension_semantics = [#tpu.dimension_semantics<core_parallel>, #tpu.dimension_semantics<subcore_parallel>], iteration_bounds = array<i64: 2, 16>, scalar_prefetch = 0 : i64, scratch_operands = 13 : i64, tpu.core_type = #tpu.core_type<sc_vector_subcore>, window_params = [{transform_indices = #map}, {transform_indices = #map1}, {transform_indices = #map}, {transform_indices = #map1}]} {
    %mul3A = arith.constant 16 : i32
    %mul3A_0 = arith.muli %arg0, %mul3A : i32
    %add3A = arith.addi %mul3A_0, %arg1 : i32
    %mul3A_1 = arith.constant 80 : i32
    %mul3A_2 = arith.muli %add3A, %mul3A_1 : i32
    %add3A_3 = arith.constant 0 : i32
    %add3A_4 = arith.addi %mul3A_2, %add3A_3 : i32
    "tpu.region"() ({
      %run_scoped3A = tpu.sem_alloc : memref<!tpu.dma_semaphore, #tpu.memory_space<semaphore_mem>>
      %dma_start3A_82 = arith.constant 0 : i32
      %dma_start3A_83 = arith.constant 0 : i32
      %dma_start3A_84 = tpu.memref_slice %arg3[%add3A_4, %dma_start3A_82, %dma_start3A_83] : memref<2560x2x128xi32, #tpu.memory_space<hbm>> -> memref<1x2x128xi32, #tpu.memory_space<hbm>>
      %dma_start3A_85 = tpu.memref_squeeze %dma_start3A_84 : memref<1x2x128xi32, #tpu.memory_space<hbm>> -> memref<2x128xi32, #tpu.memory_space<hbm>>
      %dma_start3A_86 = arith.constant 0 : i32
      %dma_start3A_87 = arith.constant 0 : i32
      %dma_start3A_88 = tpu.memref_slice %arg3[%add3A_4, %dma_start3A_86, %dma_start3A_87] : memref<2560x2x128xi32, #tpu.memory_space<hbm>> -> memref<1x2x128xi32, #tpu.memory_space<hbm>>
      %dma_start3A_89 = tpu.memref_squeeze %dma_start3A_88 : memref<1x2x128xi32, #tpu.memory_space<hbm>> -> memref<2x128xi32, #tpu.memory_space<hbm>>
      tpu.enqueue_dma source(%dma_start3A_89 : memref<2x128xi32, #tpu.memory_space<hbm>>) target(%arg6 : memref<2x128xi32, #tpu.memory_space<vmem>>) target_semaphore(%run_scoped3A : memref<!tpu.dma_semaphore, #tpu.memory_space<semaphore_mem>>)
      %dma_wait3A_90 = arith.constant 0 : i32
      %dma_wait3A_91 = arith.constant 0 : i32
      %dma_wait3A_92 = tpu.memref_slice %arg3[%add3A_4, %dma_wait3A_90, %dma_wait3A_91] : memref<2560x2x128xi32, #tpu.memory_space<hbm>> -> memref<1x2x128xi32, #tpu.memory_space<hbm>>
      %dma_wait3A_93 = tpu.memref_squeeze %dma_wait3A_92 : memref<1x2x128xi32, #tpu.memory_space<hbm>> -> memref<2x128xi32, #tpu.memory_space<hbm>>
      %dma_wait3A_94 = arith.constant 0 : i32
      %dma_wait3A_95 = arith.constant 0 : i32
      %dma_wait3A_96 = tpu.memref_slice %arg3[%add3A_4, %dma_wait3A_94, %dma_wait3A_95] : memref<2560x2x128xi32, #tpu.memory_space<hbm>> -> memref<1x2x128xi32, #tpu.memory_space<hbm>>
      %dma_wait3A_97 = tpu.memref_squeeze %dma_wait3A_96 : memref<1x2x128xi32, #tpu.memory_space<hbm>> -> memref<2x128xi32, #tpu.memory_space<hbm>>
      tpu.wait_dma2 semaphore(%run_scoped3A : memref<!tpu.dma_semaphore, #tpu.memory_space<semaphore_mem>>) src(%dma_wait3A_97 : memref<2x128xi32, #tpu.memory_space<hbm>>) dst(%arg6 : memref<2x128xi32, #tpu.memory_space<vmem>>)
      tpu.yield
    }) : () -> ()
    %dma_start3A = arith.constant 0 : i32
    %dma_start3A_5 = arith.constant 0 : i32
    %dma_start3A_6 = tpu.memref_slice %arg6[%dma_start3A, %dma_start3A_5] : memref<2x128xi32, #tpu.memory_space<vmem>> -> memref<1x128xi32, #tpu.memory_space<vmem>>
    %dma_start3A_7 = tpu.memref_squeeze %dma_start3A_6 : memref<1x128xi32, #tpu.memory_space<vmem>> -> memref<128xi32, #tpu.memory_space<vmem>>
    %dma_start3A_8 = arith.constant 0 : i32
    %dma_start3A_9 = arith.constant 0 : i32
    %dma_start3A_10 = tpu.memref_slice %arg2[%dma_start3A_8, %dma_start3A_9] : memref<10000x128xf32, #tpu.memory_space<hbm>> -> memref<10000x128xf32, #tpu.memory_space<hbm>>
    tpu.enqueue_indirect_dma source(%dma_start3A_10 : memref<10000x128xf32, #tpu.memory_space<hbm>>) target(%arg9 : memref<128x128xf32, #tpu.memory_space<vmem>>) offsets(%dma_start3A_7 : memref<128xi32, #tpu.memory_space<vmem>>) semaphore(%arg13 : memref<!tpu.dma_semaphore, #tpu.memory_space<semaphore_mem>>)
    %add3A_11 = arith.constant 1 : i32
    %add3A_12 = arith.addi %mul3A_2, %add3A_11 : i32
    "tpu.region"() ({
      %run_scoped3A = tpu.sem_alloc : memref<!tpu.dma_semaphore, #tpu.memory_space<semaphore_mem>>
      %dma_start3A_82 = arith.constant 0 : i32
      %dma_start3A_83 = arith.constant 0 : i32
      %dma_start3A_84 = tpu.memref_slice %arg3[%add3A_12, %dma_start3A_82, %dma_start3A_83] : memref<2560x2x128xi32, #tpu.memory_space<hbm>> -> memref<1x2x128xi32, #tpu.memory_space<hbm>>
      %dma_start3A_85 = tpu.memref_squeeze %dma_start3A_84 : memref<1x2x128xi32, #tpu.memory_space<hbm>> -> memref<2x128xi32, #tpu.memory_space<hbm>>
      %dma_start3A_86 = arith.constant 0 : i32
      %dma_start3A_87 = arith.constant 0 : i32
      %dma_start3A_88 = tpu.memref_slice %arg3[%add3A_12, %dma_start3A_86, %dma_start3A_87] : memref<2560x2x128xi32, #tpu.memory_space<hbm>> -> memref<1x2x128xi32, #tpu.memory_space<hbm>>
      %dma_start3A_89 = tpu.memref_squeeze %dma_start3A_88 : memref<1x2x128xi32, #tpu.memory_space<hbm>> -> memref<2x128xi32, #tpu.memory_space<hbm>>
      tpu.enqueue_dma source(%dma_start3A_89 : memref<2x128xi32, #tpu.memory_space<hbm>>) target(%arg7 : memref<2x128xi32, #tpu.memory_space<vmem>>) target_semaphore(%run_scoped3A : memref<!tpu.dma_semaphore, #tpu.memory_space<semaphore_mem>>)
      %dma_wait3A_90 = arith.constant 0 : i32
      %dma_wait3A_91 = arith.constant 0 : i32
      %dma_wait3A_92 = tpu.memref_slice %arg3[%add3A_12, %dma_wait3A_90, %dma_wait3A_91] : memref<2560x2x128xi32, #tpu.memory_space<hbm>> -> memref<1x2x128xi32, #tpu.memory_space<hbm>>
      %dma_wait3A_93 = tpu.memref_squeeze %dma_wait3A_92 : memref<1x2x128xi32, #tpu.memory_space<hbm>> -> memref<2x128xi32, #tpu.memory_space<hbm>>
      %dma_wait3A_94 = arith.constant 0 : i32
      %dma_wait3A_95 = arith.constant 0 : i32
      %dma_wait3A_96 = tpu.memref_slice %arg3[%add3A_12, %dma_wait3A_94, %dma_wait3A_95] : memref<2560x2x128xi32, #tpu.memory_space<hbm>> -> memref<1x2x128xi32, #tpu.memory_space<hbm>>
      %dma_wait3A_97 = tpu.memref_squeeze %dma_wait3A_96 : memref<1x2x128xi32, #tpu.memory_space<hbm>> -> memref<2x128xi32, #tpu.memory_space<hbm>>
      tpu.wait_dma2 semaphore(%run_scoped3A : memref<!tpu.dma_semaphore, #tpu.memory_space<semaphore_mem>>) src(%dma_wait3A_97 : memref<2x128xi32, #tpu.memory_space<hbm>>) dst(%arg7 : memref<2x128xi32, #tpu.memory_space<vmem>>)
      tpu.yield
    }) : () -> ()
    %dma_start3A_13 = arith.constant 0 : i32
    %dma_start3A_14 = arith.constant 0 : i32
    %dma_start3A_15 = tpu.memref_slice %arg7[%dma_start3A_13, %dma_start3A_14] : memref<2x128xi32, #tpu.memory_space<vmem>> -> memref<1x128xi32, #tpu.memory_space<vmem>>
    %dma_start3A_16 = tpu.memref_squeeze %dma_start3A_15 : memref<1x128xi32, #tpu.memory_space<vmem>> -> memref<128xi32, #tpu.memory_space<vmem>>
    %dma_start3A_17 = arith.constant 0 : i32
    %dma_start3A_18 = arith.constant 0 : i32
    %dma_start3A_19 = tpu.memref_slice %arg2[%dma_start3A_17, %dma_start3A_18] : memref<10000x128xf32, #tpu.memory_space<hbm>> -> memref<10000x128xf32, #tpu.memory_space<hbm>>
    tpu.enqueue_indirect_dma source(%dma_start3A_19 : memref<10000x128xf32, #tpu.memory_space<hbm>>) target(%arg10 : memref<128x128xf32, #tpu.memory_space<vmem>>) offsets(%dma_start3A_16 : memref<128xi32, #tpu.memory_space<vmem>>) semaphore(%arg14 : memref<!tpu.dma_semaphore, #tpu.memory_space<semaphore_mem>>)
    %add3A_20 = arith.constant 2 : i32
    %add3A_21 = arith.addi %mul3A_2, %add3A_20 : i32
    "tpu.region"() ({
      %run_scoped3A = tpu.sem_alloc : memref<!tpu.dma_semaphore, #tpu.memory_space<semaphore_mem>>
      %dma_start3A_82 = arith.constant 0 : i32
      %dma_start3A_83 = arith.constant 0 : i32
      %dma_start3A_84 = tpu.memref_slice %arg3[%add3A_21, %dma_start3A_82, %dma_start3A_83] : memref<2560x2x128xi32, #tpu.memory_space<hbm>> -> memref<1x2x128xi32, #tpu.memory_space<hbm>>
      %dma_start3A_85 = tpu.memref_squeeze %dma_start3A_84 : memref<1x2x128xi32, #tpu.memory_space<hbm>> -> memref<2x128xi32, #tpu.memory_space<hbm>>
      %dma_start3A_86 = arith.constant 0 : i32
      %dma_start3A_87 = arith.constant 0 : i32
      %dma_start3A_88 = tpu.memref_slice %arg3[%add3A_21, %dma_start3A_86, %dma_start3A_87] : memref<2560x2x128xi32, #tpu.memory_space<hbm>> -> memref<1x2x128xi32, #tpu.memory_space<hbm>>
      %dma_start3A_89 = tpu.memref_squeeze %dma_start3A_88 : memref<1x2x128xi32, #tpu.memory_space<hbm>> -> memref<2x128xi32, #tpu.memory_space<hbm>>
      tpu.enqueue_dma source(%dma_start3A_89 : memref<2x128xi32, #tpu.memory_space<hbm>>) target(%arg8 : memref<2x128xi32, #tpu.memory_space<vmem>>) target_semaphore(%run_scoped3A : memref<!tpu.dma_semaphore, #tpu.memory_space<semaphore_mem>>)
      %dma_wait3A_90 = arith.constant 0 : i32
      %dma_wait3A_91 = arith.constant 0 : i32
      %dma_wait3A_92 = tpu.memref_slice %arg3[%add3A_21, %dma_wait3A_90, %dma_wait3A_91] : memref<2560x2x128xi32, #tpu.memory_space<hbm>> -> memref<1x2x128xi32, #tpu.memory_space<hbm>>
      %dma_wait3A_93 = tpu.memref_squeeze %dma_wait3A_92 : memref<1x2x128xi32, #tpu.memory_space<hbm>> -> memref<2x128xi32, #tpu.memory_space<hbm>>
      %dma_wait3A_94 = arith.constant 0 : i32
      %dma_wait3A_95 = arith.constant 0 : i32
      %dma_wait3A_96 = tpu.memref_slice %arg3[%add3A_21, %dma_wait3A_94, %dma_wait3A_95] : memref<2560x2x128xi32, #tpu.memory_space<hbm>> -> memref<1x2x128xi32, #tpu.memory_space<hbm>>
      %dma_wait3A_97 = tpu.memref_squeeze %dma_wait3A_96 : memref<1x2x128xi32, #tpu.memory_space<hbm>> -> memref<2x128xi32, #tpu.memory_space<hbm>>
      tpu.wait_dma2 semaphore(%run_scoped3A : memref<!tpu.dma_semaphore, #tpu.memory_space<semaphore_mem>>) src(%dma_wait3A_97 : memref<2x128xi32, #tpu.memory_space<hbm>>) dst(%arg8 : memref<2x128xi32, #tpu.memory_space<vmem>>)
      tpu.yield
    }) : () -> ()
    %dma_start3A_22 = arith.constant 0 : i32
    %dma_start3A_23 = arith.constant 0 : i32
    %dma_start3A_24 = tpu.memref_slice %arg8[%dma_start3A_22, %dma_start3A_23] : memref<2x128xi32, #tpu.memory_space<vmem>> -> memref<1x128xi32, #tpu.memory_space<vmem>>
    %dma_start3A_25 = tpu.memref_squeeze %dma_start3A_24 : memref<1x128xi32, #tpu.memory_space<vmem>> -> memref<128xi32, #tpu.memory_space<vmem>>
    %dma_start3A_26 = arith.constant 0 : i32
    %dma_start3A_27 = arith.constant 0 : i32
    %dma_start3A_28 = tpu.memref_slice %arg2[%dma_start3A_26, %dma_start3A_27] : memref<10000x128xf32, #tpu.memory_space<hbm>> -> memref<10000x128xf32, #tpu.memory_space<hbm>>
    tpu.enqueue_indirect_dma source(%dma_start3A_28 : memref<10000x128xf32, #tpu.memory_space<hbm>>) target(%arg11 : memref<128x128xf32, #tpu.memory_space<vmem>>) offsets(%dma_start3A_25 : memref<128xi32, #tpu.memory_space<vmem>>) semaphore(%arg15 : memref<!tpu.dma_semaphore, #tpu.memory_space<semaphore_mem>>)
    %mul3A_29 = arith.constant 632 : i32
    %mul3A_30 = arith.muli %arg1, %mul3A_29 : i32
    "tpu.region"() ({
      %run_scoped3A = tpu.sem_alloc : memref<!tpu.dma_semaphore, #tpu.memory_space<semaphore_mem>>
      %dma_start3A_82 = arith.constant 0 : i32
      %dma_start3A_83 = tpu.memref_slice %arg12[%mul3A_30, %dma_start3A_82] : memref<10112x128xf32, #tpu.memory_space<vmem_shared>> -> memref<632x128xf32, #tpu.memory_space<vmem_shared>>
      tpu.enqueue_dma source(%arg4 : memref<632x128xf32, #tpu.memory_space<hbm>>) target(%dma_start3A_83 : memref<632x128xf32, #tpu.memory_space<vmem_shared>>) target_semaphore(%run_scoped3A : memref<!tpu.dma_semaphore, #tpu.memory_space<semaphore_mem>>)
      %dma_wait3A_84 = arith.constant 0 : i32
      %dma_wait3A_85 = tpu.memref_slice %arg12[%mul3A_30, %dma_wait3A_84] : memref<10112x128xf32, #tpu.memory_space<vmem_shared>> -> memref<632x128xf32, #tpu.memory_space<vmem_shared>>
      tpu.wait_dma2 semaphore(%run_scoped3A : memref<!tpu.dma_semaphore, #tpu.memory_space<semaphore_mem>>) src(%arg4 : memref<632x128xf32, #tpu.memory_space<hbm>>) dst(%dma_wait3A_85 : memref<632x128xf32, #tpu.memory_space<vmem_shared>>)
      tpu.yield
    }) : () -> ()
    %barrier3A = arith.constant 0 : index
    tpu.barrier barrier_id(%barrier3A)
    %scan3A = arith.constant 0 : i32
    %scan3A_31 = arith.constant 0 : i32
    %scan3A_32 = arith.constant 26 : i32
    %scan3A_33 = arith.addi %scan3A_31, %scan3A_32 : i32
    %scan3A_34 = arith.constant 1 : i32
    scf.for %scan3A_82 = %scan3A_31 to %scan3A_33 step %scan3A_34  : i32 {
      %mul3A_83 = arith.constant 3 : i32
      %mul3A_84 = arith.muli %mul3A_83, %scan3A_82 : i32
      %dma_wait3A_85 = arith.constant 0 : i32
      %dma_wait3A_86 = arith.constant 0 : i32
      %dma_wait3A_87 = tpu.memref_slice %arg6[%dma_wait3A_85, %dma_wait3A_86] : memref<2x128xi32, #tpu.memory_space<vmem>> -> memref<1x128xi32, #tpu.memory_space<vmem>>
      %dma_wait3A_88 = tpu.memref_squeeze %dma_wait3A_87 : memref<1x128xi32, #tpu.memory_space<vmem>> -> memref<128xi32, #tpu.memory_space<vmem>>
      %dma_wait3A_89 = arith.constant 0 : i32
      %dma_wait3A_90 = arith.constant 0 : i32
      %dma_wait3A_91 = tpu.memref_slice %arg2[%dma_wait3A_89, %dma_wait3A_90] : memref<10000x128xf32, #tpu.memory_space<hbm>> -> memref<10000x128xf32, #tpu.memory_space<hbm>>
      tpu.wait_indirect_dma semaphore(%arg13 : memref<!tpu.dma_semaphore, #tpu.memory_space<semaphore_mem>>) src(%dma_wait3A_91 : memref<10000x128xf32, #tpu.memory_space<hbm>>) dst(%arg9 : memref<128x128xf32, #tpu.memory_space<vmem>>)
      %dma_start3A_92 = arith.constant 1 : i32
      %dma_start3A_93 = arith.constant 0 : i32
      %dma_start3A_94 = tpu.memref_slice %arg6[%dma_start3A_92, %dma_start3A_93] : memref<2x128xi32, #tpu.memory_space<vmem>> -> memref<1x128xi32, #tpu.memory_space<vmem>>
      %dma_start3A_95 = tpu.memref_squeeze %dma_start3A_94 : memref<1x128xi32, #tpu.memory_space<vmem>> -> memref<128xi32, #tpu.memory_space<vmem>>
      %dma_start3A_96 = arith.constant 0 : i32
      %dma_start3A_97 = arith.constant 0 : i32
      %dma_start3A_98 = tpu.memref_slice %arg12[%dma_start3A_96, %dma_start3A_97] : memref<10112x128xf32, #tpu.memory_space<vmem_shared>> -> memref<10112x128xf32, #tpu.memory_space<vmem_shared>>
      tpu.enqueue_indirect_dma source(%arg9 : memref<128x128xf32, #tpu.memory_space<vmem>>) target(%dma_start3A_98 : memref<10112x128xf32, #tpu.memory_space<vmem_shared>>) offsets(%dma_start3A_95 : memref<128xi32, #tpu.memory_space<vmem>>) semaphore(%arg16 : memref<!tpu.dma_semaphore, #tpu.memory_space<semaphore_mem>>) {add = true}
      %dma_wait3A_99 = arith.constant 0 : i32
      %dma_wait3A_100 = arith.constant 0 : i32
      %dma_wait3A_101 = tpu.memref_slice %arg7[%dma_wait3A_99, %dma_wait3A_100] : memref<2x128xi32, #tpu.memory_space<vmem>> -> memref<1x128xi32, #tpu.memory_space<vmem>>
      %dma_wait3A_102 = tpu.memref_squeeze %dma_wait3A_101 : memref<1x128xi32, #tpu.memory_space<vmem>> -> memref<128xi32, #tpu.memory_space<vmem>>
      %dma_wait3A_103 = arith.constant 0 : i32
      %dma_wait3A_104 = arith.constant 0 : i32
      %dma_wait3A_105 = tpu.memref_slice %arg2[%dma_wait3A_103, %dma_wait3A_104] : memref<10000x128xf32, #tpu.memory_space<hbm>> -> memref<10000x128xf32, #tpu.memory_space<hbm>>
      tpu.wait_indirect_dma semaphore(%arg14 : memref<!tpu.dma_semaphore, #tpu.memory_space<semaphore_mem>>) src(%dma_wait3A_105 : memref<10000x128xf32, #tpu.memory_space<hbm>>) dst(%arg10 : memref<128x128xf32, #tpu.memory_space<vmem>>)
      %dma_start3A_106 = arith.constant 1 : i32
      %dma_start3A_107 = arith.constant 0 : i32
      %dma_start3A_108 = tpu.memref_slice %arg7[%dma_start3A_106, %dma_start3A_107] : memref<2x128xi32, #tpu.memory_space<vmem>> -> memref<1x128xi32, #tpu.memory_space<vmem>>
      %dma_start3A_109 = tpu.memref_squeeze %dma_start3A_108 : memref<1x128xi32, #tpu.memory_space<vmem>> -> memref<128xi32, #tpu.memory_space<vmem>>
      %dma_start3A_110 = arith.constant 0 : i32
      %dma_start3A_111 = arith.constant 0 : i32
      %dma_start3A_112 = tpu.memref_slice %arg12[%dma_start3A_110, %dma_start3A_111] : memref<10112x128xf32, #tpu.memory_space<vmem_shared>> -> memref<10112x128xf32, #tpu.memory_space<vmem_shared>>
      tpu.enqueue_indirect_dma source(%arg10 : memref<128x128xf32, #tpu.memory_space<vmem>>) target(%dma_start3A_112 : memref<10112x128xf32, #tpu.memory_space<vmem_shared>>) offsets(%dma_start3A_109 : memref<128xi32, #tpu.memory_space<vmem>>) semaphore(%arg17 : memref<!tpu.dma_semaphore, #tpu.memory_space<semaphore_mem>>) {add = true}
      %add3A_113 = arith.constant 3 : i32
      %add3A_114 = arith.addi %mul3A_84, %add3A_113 : i32
      %lt3A = arith.constant 80 : i32
      %lt3A_115 = arith.cmpi slt, %add3A_114, %lt3A : i32
      %convert_element_type3A = arith.extui %lt3A_115 : i1 to i32
      %cond3A = arith.constant 0 : i32
      %cond3A_116 = arith.cmpi ne, %convert_element_type3A, %cond3A : i32
      scf.if %cond3A_116 {
        %dma_wait3A_145 = arith.constant 1 : i32
        %dma_wait3A_146 = arith.constant 0 : i32
        %dma_wait3A_147 = tpu.memref_slice %arg6[%dma_wait3A_145, %dma_wait3A_146] : memref<2x128xi32, #tpu.memory_space<vmem>> -> memref<1x128xi32, #tpu.memory_space<vmem>>
        %dma_wait3A_148 = tpu.memref_squeeze %dma_wait3A_147 : memref<1x128xi32, #tpu.memory_space<vmem>> -> memref<128xi32, #tpu.memory_space<vmem>>
        %dma_wait3A_149 = arith.constant 0 : i32
        %dma_wait3A_150 = arith.constant 0 : i32
        %dma_wait3A_151 = tpu.memref_slice %arg12[%dma_wait3A_149, %dma_wait3A_150] : memref<10112x128xf32, #tpu.memory_space<vmem_shared>> -> memref<10112x128xf32, #tpu.memory_space<vmem_shared>>
        tpu.wait_indirect_dma semaphore(%arg16 : memref<!tpu.dma_semaphore, #tpu.memory_space<semaphore_mem>>) src(%arg9 : memref<128x128xf32, #tpu.memory_space<vmem>>) dst(%dma_wait3A_151 : memref<10112x128xf32, #tpu.memory_space<vmem_shared>>)
        %add3A_152 = arith.addi %mul3A_2, %mul3A_84 : i32
        %add3A_153 = arith.constant 3 : i32
        %add3A_154 = arith.addi %add3A_152, %add3A_153 : i32
        "tpu.region"() ({
          %run_scoped3A = tpu.sem_alloc : memref<!tpu.dma_semaphore, #tpu.memory_space<semaphore_mem>>
          %dma_start3A_162 = arith.constant 0 : i32
          %dma_start3A_163 = arith.constant 0 : i32
          %dma_start3A_164 = tpu.memref_slice %arg3[%add3A_154, %dma_start3A_162, %dma_start3A_163] : memref<2560x2x128xi32, #tpu.memory_space<hbm>> -> memref<1x2x128xi32, #tpu.memory_space<hbm>>
          %dma_start3A_165 = tpu.memref_squeeze %dma_start3A_164 : memref<1x2x128xi32, #tpu.memory_space<hbm>> -> memref<2x128xi32, #tpu.memory_space<hbm>>
          %dma_start3A_166 = arith.constant 0 : i32
          %dma_start3A_167 = arith.constant 0 : i32
          %dma_start3A_168 = tpu.memref_slice %arg3[%add3A_154, %dma_start3A_166, %dma_start3A_167] : memref<2560x2x128xi32, #tpu.memory_space<hbm>> -> memref<1x2x128xi32, #tpu.memory_space<hbm>>
          %dma_start3A_169 = tpu.memref_squeeze %dma_start3A_168 : memref<1x2x128xi32, #tpu.memory_space<hbm>> -> memref<2x128xi32, #tpu.memory_space<hbm>>
          tpu.enqueue_dma source(%dma_start3A_169 : memref<2x128xi32, #tpu.memory_space<hbm>>) target(%arg6 : memref<2x128xi32, #tpu.memory_space<vmem>>) target_semaphore(%run_scoped3A : memref<!tpu.dma_semaphore, #tpu.memory_space<semaphore_mem>>)
          %dma_wait3A_170 = arith.constant 0 : i32
          %dma_wait3A_171 = arith.constant 0 : i32
          %dma_wait3A_172 = tpu.memref_slice %arg3[%add3A_154, %dma_wait3A_170, %dma_wait3A_171] : memref<2560x2x128xi32, #tpu.memory_space<hbm>> -> memref<1x2x128xi32, #tpu.memory_space<hbm>>
          %dma_wait3A_173 = tpu.memref_squeeze %dma_wait3A_172 : memref<1x2x128xi32, #tpu.memory_space<hbm>> -> memref<2x128xi32, #tpu.memory_space<hbm>>
          %dma_wait3A_174 = arith.constant 0 : i32
          %dma_wait3A_175 = arith.constant 0 : i32
          %dma_wait3A_176 = tpu.memref_slice %arg3[%add3A_154, %dma_wait3A_174, %dma_wait3A_175] : memref<2560x2x128xi32, #tpu.memory_space<hbm>> -> memref<1x2x128xi32, #tpu.memory_space<hbm>>
          %dma_wait3A_177 = tpu.memref_squeeze %dma_wait3A_176 : memref<1x2x128xi32, #tpu.memory_space<hbm>> -> memref<2x128xi32, #tpu.memory_space<hbm>>
          tpu.wait_dma2 semaphore(%run_scoped3A : memref<!tpu.dma_semaphore, #tpu.memory_space<semaphore_mem>>) src(%dma_wait3A_177 : memref<2x128xi32, #tpu.memory_space<hbm>>) dst(%arg6 : memref<2x128xi32, #tpu.memory_space<vmem>>)
          tpu.yield
        }) : () -> ()
        %dma_start3A_155 = arith.constant 0 : i32
        %dma_start3A_156 = arith.constant 0 : i32
        %dma_start3A_157 = tpu.memref_slice %arg6[%dma_start3A_155, %dma_start3A_156] : memref<2x128xi32, #tpu.memory_space<vmem>> -> memref<1x128xi32, #tpu.memory_space<vmem>>
        %dma_start3A_158 = tpu.memref_squeeze %dma_start3A_157 : memref<1x128xi32, #tpu.memory_space<vmem>> -> memref<128xi32, #tpu.memory_space<vmem>>
        %dma_start3A_159 = arith.constant 0 : i32
        %dma_start3A_160 = arith.constant 0 : i32
        %dma_start3A_161 = tpu.memref_slice %arg2[%dma_start3A_159, %dma_start3A_160] : memref<10000x128xf32, #tpu.memory_space<hbm>> -> memref<10000x128xf32, #tpu.memory_space<hbm>>
        tpu.enqueue_indirect_dma source(%dma_start3A_161 : memref<10000x128xf32, #tpu.memory_space<hbm>>) target(%arg9 : memref<128x128xf32, #tpu.memory_space<vmem>>) offsets(%dma_start3A_158 : memref<128xi32, #tpu.memory_space<vmem>>) semaphore(%arg13 : memref<!tpu.dma_semaphore, #tpu.memory_space<semaphore_mem>>)
      } else {
      }
      %dma_wait3A_117 = arith.constant 0 : i32
      %dma_wait3A_118 = arith.constant 0 : i32
      %dma_wait3A_119 = tpu.memref_slice %arg8[%dma_wait3A_117, %dma_wait3A_118] : memref<2x128xi32, #tpu.memory_space<vmem>> -> memref<1x128xi32, #tpu.memory_space<vmem>>
      %dma_wait3A_120 = tpu.memref_squeeze %dma_wait3A_119 : memref<1x128xi32, #tpu.memory_space<vmem>> -> memref<128xi32, #tpu.memory_space<vmem>>
      %dma_wait3A_121 = arith.constant 0 : i32
      %dma_wait3A_122 = arith.constant 0 : i32
      %dma_wait3A_123 = tpu.memref_slice %arg2[%dma_wait3A_121, %dma_wait3A_122] : memref<10000x128xf32, #tpu.memory_space<hbm>> -> memref<10000x128xf32, #tpu.memory_space<hbm>>
      tpu.wait_indirect_dma semaphore(%arg15 : memref<!tpu.dma_semaphore, #tpu.memory_space<semaphore_mem>>) src(%dma_wait3A_123 : memref<10000x128xf32, #tpu.memory_space<hbm>>) dst(%arg11 : memref<128x128xf32, #tpu.memory_space<vmem>>)
      %dma_start3A_124 = arith.constant 1 : i32
      %dma_start3A_125 = arith.constant 0 : i32
      %dma_start3A_126 = tpu.memref_slice %arg8[%dma_start3A_124, %dma_start3A_125] : memref<2x128xi32, #tpu.memory_space<vmem>> -> memref<1x128xi32, #tpu.memory_space<vmem>>
      %dma_start3A_127 = tpu.memref_squeeze %dma_start3A_126 : memref<1x128xi32, #tpu.memory_space<vmem>> -> memref<128xi32, #tpu.memory_space<vmem>>
      %dma_start3A_128 = arith.constant 0 : i32
      %dma_start3A_129 = arith.constant 0 : i32
      %dma_start3A_130 = tpu.memref_slice %arg12[%dma_start3A_128, %dma_start3A_129] : memref<10112x128xf32, #tpu.memory_space<vmem_shared>> -> memref<10112x128xf32, #tpu.memory_space<vmem_shared>>
      tpu.enqueue_indirect_dma source(%arg11 : memref<128x128xf32, #tpu.memory_space<vmem>>) target(%dma_start3A_130 : memref<10112x128xf32, #tpu.memory_space<vmem_shared>>) offsets(%dma_start3A_127 : memref<128xi32, #tpu.memory_space<vmem>>) semaphore(%arg18 : memref<!tpu.dma_semaphore, #tpu.memory_space<semaphore_mem>>) {add = true}
      %add3A_131 = arith.constant 4 : i32
      %add3A_132 = arith.addi %mul3A_84, %add3A_131 : i32
      %lt3A_133 = arith.constant 80 : i32
      %lt3A_134 = arith.cmpi slt, %add3A_132, %lt3A_133 : i32
      %convert_element_type3A_135 = arith.extui %lt3A_134 : i1 to i32
      %cond3A_136 = arith.constant 0 : i32
      %cond3A_137 = arith.cmpi ne, %convert_element_type3A_135, %cond3A_136 : i32
      scf.if %cond3A_137 {
        %dma_wait3A_145 = arith.constant 1 : i32
        %dma_wait3A_146 = arith.constant 0 : i32
        %dma_wait3A_147 = tpu.memref_slice %arg7[%dma_wait3A_145, %dma_wait3A_146] : memref<2x128xi32, #tpu.memory_space<vmem>> -> memref<1x128xi32, #tpu.memory_space<vmem>>
        %dma_wait3A_148 = tpu.memref_squeeze %dma_wait3A_147 : memref<1x128xi32, #tpu.memory_space<vmem>> -> memref<128xi32, #tpu.memory_space<vmem>>
        %dma_wait3A_149 = arith.constant 0 : i32
        %dma_wait3A_150 = arith.constant 0 : i32
        %dma_wait3A_151 = tpu.memref_slice %arg12[%dma_wait3A_149, %dma_wait3A_150] : memref<10112x128xf32, #tpu.memory_space<vmem_shared>> -> memref<10112x128xf32, #tpu.memory_space<vmem_shared>>
        tpu.wait_indirect_dma semaphore(%arg17 : memref<!tpu.dma_semaphore, #tpu.memory_space<semaphore_mem>>) src(%arg10 : memref<128x128xf32, #tpu.memory_space<vmem>>) dst(%dma_wait3A_151 : memref<10112x128xf32, #tpu.memory_space<vmem_shared>>)
        %add3A_152 = arith.addi %mul3A_2, %mul3A_84 : i32
        %add3A_153 = arith.constant 4 : i32
        %add3A_154 = arith.addi %add3A_152, %add3A_153 : i32
        "tpu.region"() ({
          %run_scoped3A = tpu.sem_alloc : memref<!tpu.dma_semaphore, #tpu.memory_space<semaphore_mem>>
          %dma_start3A_162 = arith.constant 0 : i32
          %dma_start3A_163 = arith.constant 0 : i32
          %dma_start3A_164 = tpu.memref_slice %arg3[%add3A_154, %dma_start3A_162, %dma_start3A_163] : memref<2560x2x128xi32, #tpu.memory_space<hbm>> -> memref<1x2x128xi32, #tpu.memory_space<hbm>>
          %dma_start3A_165 = tpu.memref_squeeze %dma_start3A_164 : memref<1x2x128xi32, #tpu.memory_space<hbm>> -> memref<2x128xi32, #tpu.memory_space<hbm>>
          %dma_start3A_166 = arith.constant 0 : i32
          %dma_start3A_167 = arith.constant 0 : i32
          %dma_start3A_168 = tpu.memref_slice %arg3[%add3A_154, %dma_start3A_166, %dma_start3A_167] : memref<2560x2x128xi32, #tpu.memory_space<hbm>> -> memref<1x2x128xi32, #tpu.memory_space<hbm>>
          %dma_start3A_169 = tpu.memref_squeeze %dma_start3A_168 : memref<1x2x128xi32, #tpu.memory_space<hbm>> -> memref<2x128xi32, #tpu.memory_space<hbm>>
          tpu.enqueue_dma source(%dma_start3A_169 : memref<2x128xi32, #tpu.memory_space<hbm>>) target(%arg7 : memref<2x128xi32, #tpu.memory_space<vmem>>) target_semaphore(%run_scoped3A : memref<!tpu.dma_semaphore, #tpu.memory_space<semaphore_mem>>)
          %dma_wait3A_170 = arith.constant 0 : i32
          %dma_wait3A_171 = arith.constant 0 : i32
          %dma_wait3A_172 = tpu.memref_slice %arg3[%add3A_154, %dma_wait3A_170, %dma_wait3A_171] : memref<2560x2x128xi32, #tpu.memory_space<hbm>> -> memref<1x2x128xi32, #tpu.memory_space<hbm>>
          %dma_wait3A_173 = tpu.memref_squeeze %dma_wait3A_172 : memref<1x2x128xi32, #tpu.memory_space<hbm>> -> memref<2x128xi32, #tpu.memory_space<hbm>>
          %dma_wait3A_174 = arith.constant 0 : i32
          %dma_wait3A_175 = arith.constant 0 : i32
          %dma_wait3A_176 = tpu.memref_slice %arg3[%add3A_154, %dma_wait3A_174, %dma_wait3A_175] : memref<2560x2x128xi32, #tpu.memory_space<hbm>> -> memref<1x2x128xi32, #tpu.memory_space<hbm>>
          %dma_wait3A_177 = tpu.memref_squeeze %dma_wait3A_176 : memref<1x2x128xi32, #tpu.memory_space<hbm>> -> memref<2x128xi32, #tpu.memory_space<hbm>>
          tpu.wait_dma2 semaphore(%run_scoped3A : memref<!tpu.dma_semaphore, #tpu.memory_space<semaphore_mem>>) src(%dma_wait3A_177 : memref<2x128xi32, #tpu.memory_space<hbm>>) dst(%arg7 : memref<2x128xi32, #tpu.memory_space<vmem>>)
          tpu.yield
        }) : () -> ()
        %dma_start3A_155 = arith.constant 0 : i32
        %dma_start3A_156 = arith.constant 0 : i32
        %dma_start3A_157 = tpu.memref_slice %arg7[%dma_start3A_155, %dma_start3A_156] : memref<2x128xi32, #tpu.memory_space<vmem>> -> memref<1x128xi32, #tpu.memory_space<vmem>>
        %dma_start3A_158 = tpu.memref_squeeze %dma_start3A_157 : memref<1x128xi32, #tpu.memory_space<vmem>> -> memref<128xi32, #tpu.memory_space<vmem>>
        %dma_start3A_159 = arith.constant 0 : i32
        %dma_start3A_160 = arith.constant 0 : i32
        %dma_start3A_161 = tpu.memref_slice %arg2[%dma_start3A_159, %dma_start3A_160] : memref<10000x128xf32, #tpu.memory_space<hbm>> -> memref<10000x128xf32, #tpu.memory_space<hbm>>
        tpu.enqueue_indirect_dma source(%dma_start3A_161 : memref<10000x128xf32, #tpu.memory_space<hbm>>) target(%arg10 : memref<128x128xf32, #tpu.memory_space<vmem>>) offsets(%dma_start3A_158 : memref<128xi32, #tpu.memory_space<vmem>>) semaphore(%arg14 : memref<!tpu.dma_semaphore, #tpu.memory_space<semaphore_mem>>)
      } else {
      }
      %add3A_138 = arith.constant 5 : i32
      %add3A_139 = arith.addi %mul3A_84, %add3A_138 : i32
      %lt3A_140 = arith.constant 80 : i32
      %lt3A_141 = arith.cmpi slt, %add3A_139, %lt3A_140 : i32
      %convert_element_type3A_142 = arith.extui %lt3A_141 : i1 to i32
      %cond3A_143 = arith.constant 0 : i32
      %cond3A_144 = arith.cmpi ne, %convert_element_type3A_142, %cond3A_143 : i32
      scf.if %cond3A_144 {
        %dma_wait3A_145 = arith.constant 1 : i32
        %dma_wait3A_146 = arith.constant 0 : i32
        %dma_wait3A_147 = tpu.memref_slice %arg8[%dma_wait3A_145, %dma_wait3A_146] : memref<2x128xi32, #tpu.memory_space<vmem>> -> memref<1x128xi32, #tpu.memory_space<vmem>>
        %dma_wait3A_148 = tpu.memref_squeeze %dma_wait3A_147 : memref<1x128xi32, #tpu.memory_space<vmem>> -> memref<128xi32, #tpu.memory_space<vmem>>
        %dma_wait3A_149 = arith.constant 0 : i32
        %dma_wait3A_150 = arith.constant 0 : i32
        %dma_wait3A_151 = tpu.memref_slice %arg12[%dma_wait3A_149, %dma_wait3A_150] : memref<10112x128xf32, #tpu.memory_space<vmem_shared>> -> memref<10112x128xf32, #tpu.memory_space<vmem_shared>>
        tpu.wait_indirect_dma semaphore(%arg18 : memref<!tpu.dma_semaphore, #tpu.memory_space<semaphore_mem>>) src(%arg11 : memref<128x128xf32, #tpu.memory_space<vmem>>) dst(%dma_wait3A_151 : memref<10112x128xf32, #tpu.memory_space<vmem_shared>>)
        %add3A_152 = arith.addi %mul3A_2, %mul3A_84 : i32
        %add3A_153 = arith.constant 5 : i32
        %add3A_154 = arith.addi %add3A_152, %add3A_153 : i32
        "tpu.region"() ({
          %run_scoped3A = tpu.sem_alloc : memref<!tpu.dma_semaphore, #tpu.memory_space<semaphore_mem>>
          %dma_start3A_162 = arith.constant 0 : i32
          %dma_start3A_163 = arith.constant 0 : i32
          %dma_start3A_164 = tpu.memref_slice %arg3[%add3A_154, %dma_start3A_162, %dma_start3A_163] : memref<2560x2x128xi32, #tpu.memory_space<hbm>> -> memref<1x2x128xi32, #tpu.memory_space<hbm>>
          %dma_start3A_165 = tpu.memref_squeeze %dma_start3A_164 : memref<1x2x128xi32, #tpu.memory_space<hbm>> -> memref<2x128xi32, #tpu.memory_space<hbm>>
          %dma_start3A_166 = arith.constant 0 : i32
          %dma_start3A_167 = arith.constant 0 : i32
          %dma_start3A_168 = tpu.memref_slice %arg3[%add3A_154, %dma_start3A_166, %dma_start3A_167] : memref<2560x2x128xi32, #tpu.memory_space<hbm>> -> memref<1x2x128xi32, #tpu.memory_space<hbm>>
          %dma_start3A_169 = tpu.memref_squeeze %dma_start3A_168 : memref<1x2x128xi32, #tpu.memory_space<hbm>> -> memref<2x128xi32, #tpu.memory_space<hbm>>
          tpu.enqueue_dma source(%dma_start3A_169 : memref<2x128xi32, #tpu.memory_space<hbm>>) target(%arg8 : memref<2x128xi32, #tpu.memory_space<vmem>>) target_semaphore(%run_scoped3A : memref<!tpu.dma_semaphore, #tpu.memory_space<semaphore_mem>>)
          %dma_wait3A_170 = arith.constant 0 : i32
          %dma_wait3A_171 = arith.constant 0 : i32
          %dma_wait3A_172 = tpu.memref_slice %arg3[%add3A_154, %dma_wait3A_170, %dma_wait3A_171] : memref<2560x2x128xi32, #tpu.memory_space<hbm>> -> memref<1x2x128xi32, #tpu.memory_space<hbm>>
          %dma_wait3A_173 = tpu.memref_squeeze %dma_wait3A_172 : memref<1x2x128xi32, #tpu.memory_space<hbm>> -> memref<2x128xi32, #tpu.memory_space<hbm>>
          %dma_wait3A_174 = arith.constant 0 : i32
          %dma_wait3A_175 = arith.constant 0 : i32
          %dma_wait3A_176 = tpu.memref_slice %arg3[%add3A_154, %dma_wait3A_174, %dma_wait3A_175] : memref<2560x2x128xi32, #tpu.memory_space<hbm>> -> memref<1x2x128xi32, #tpu.memory_space<hbm>>
          %dma_wait3A_177 = tpu.memref_squeeze %dma_wait3A_176 : memref<1x2x128xi32, #tpu.memory_space<hbm>> -> memref<2x128xi32, #tpu.memory_space<hbm>>
          tpu.wait_dma2 semaphore(%run_scoped3A : memref<!tpu.dma_semaphore, #tpu.memory_space<semaphore_mem>>) src(%dma_wait3A_177 : memref<2x128xi32, #tpu.memory_space<hbm>>) dst(%arg8 : memref<2x128xi32, #tpu.memory_space<vmem>>)
          tpu.yield
        }) : () -> ()
        %dma_start3A_155 = arith.constant 0 : i32
        %dma_start3A_156 = arith.constant 0 : i32
        %dma_start3A_157 = tpu.memref_slice %arg8[%dma_start3A_155, %dma_start3A_156] : memref<2x128xi32, #tpu.memory_space<vmem>> -> memref<1x128xi32, #tpu.memory_space<vmem>>
        %dma_start3A_158 = tpu.memref_squeeze %dma_start3A_157 : memref<1x128xi32, #tpu.memory_space<vmem>> -> memref<128xi32, #tpu.memory_space<vmem>>
        %dma_start3A_159 = arith.constant 0 : i32
        %dma_start3A_160 = arith.constant 0 : i32
        %dma_start3A_161 = tpu.memref_slice %arg2[%dma_start3A_159, %dma_start3A_160] : memref<10000x128xf32, #tpu.memory_space<hbm>> -> memref<10000x128xf32, #tpu.memory_space<hbm>>
        tpu.enqueue_indirect_dma source(%dma_start3A_161 : memref<10000x128xf32, #tpu.memory_space<hbm>>) target(%arg11 : memref<128x128xf32, #tpu.memory_space<vmem>>) offsets(%dma_start3A_158 : memref<128xi32, #tpu.memory_space<vmem>>) semaphore(%arg15 : memref<!tpu.dma_semaphore, #tpu.memory_space<semaphore_mem>>)
      } else {
      }
    }
    %scan3A_35 = arith.constant 26 : i32
    %dma_wait3A = arith.constant 0 : i32
    %dma_wait3A_36 = arith.constant 0 : i32
    %dma_wait3A_37 = tpu.memref_slice %arg6[%dma_wait3A, %dma_wait3A_36] : memref<2x128xi32, #tpu.memory_space<vmem>> -> memref<1x128xi32, #tpu.memory_space<vmem>>
    %dma_wait3A_38 = tpu.memref_squeeze %dma_wait3A_37 : memref<1x128xi32, #tpu.memory_space<vmem>> -> memref<128xi32, #tpu.memory_space<vmem>>
    %dma_wait3A_39 = arith.constant 0 : i32
    %dma_wait3A_40 = arith.constant 0 : i32
    %dma_wait3A_41 = tpu.memref_slice %arg2[%dma_wait3A_39, %dma_wait3A_40] : memref<10000x128xf32, #tpu.memory_space<hbm>> -> memref<10000x128xf32, #tpu.memory_space<hbm>>
    tpu.wait_indirect_dma semaphore(%arg13 : memref<!tpu.dma_semaphore, #tpu.memory_space<semaphore_mem>>) src(%dma_wait3A_41 : memref<10000x128xf32, #tpu.memory_space<hbm>>) dst(%arg9 : memref<128x128xf32, #tpu.memory_space<vmem>>)
    %dma_start3A_42 = arith.constant 1 : i32
    %dma_start3A_43 = arith.constant 0 : i32
    %dma_start3A_44 = tpu.memref_slice %arg6[%dma_start3A_42, %dma_start3A_43] : memref<2x128xi32, #tpu.memory_space<vmem>> -> memref<1x128xi32, #tpu.memory_space<vmem>>
    %dma_start3A_45 = tpu.memref_squeeze %dma_start3A_44 : memref<1x128xi32, #tpu.memory_space<vmem>> -> memref<128xi32, #tpu.memory_space<vmem>>
    %dma_start3A_46 = arith.constant 0 : i32
    %dma_start3A_47 = arith.constant 0 : i32
    %dma_start3A_48 = tpu.memref_slice %arg12[%dma_start3A_46, %dma_start3A_47] : memref<10112x128xf32, #tpu.memory_space<vmem_shared>> -> memref<10112x128xf32, #tpu.memory_space<vmem_shared>>
    tpu.enqueue_indirect_dma source(%arg9 : memref<128x128xf32, #tpu.memory_space<vmem>>) target(%dma_start3A_48 : memref<10112x128xf32, #tpu.memory_space<vmem_shared>>) offsets(%dma_start3A_45 : memref<128xi32, #tpu.memory_space<vmem>>) semaphore(%arg16 : memref<!tpu.dma_semaphore, #tpu.memory_space<semaphore_mem>>) {add = true}
    %dma_wait3A_49 = arith.constant 0 : i32
    %dma_wait3A_50 = arith.constant 0 : i32
    %dma_wait3A_51 = tpu.memref_slice %arg7[%dma_wait3A_49, %dma_wait3A_50] : memref<2x128xi32, #tpu.memory_space<vmem>> -> memref<1x128xi32, #tpu.memory_space<vmem>>
    %dma_wait3A_52 = tpu.memref_squeeze %dma_wait3A_51 : memref<1x128xi32, #tpu.memory_space<vmem>> -> memref<128xi32, #tpu.memory_space<vmem>>
    %dma_wait3A_53 = arith.constant 0 : i32
    %dma_wait3A_54 = arith.constant 0 : i32
    %dma_wait3A_55 = tpu.memref_slice %arg2[%dma_wait3A_53, %dma_wait3A_54] : memref<10000x128xf32, #tpu.memory_space<hbm>> -> memref<10000x128xf32, #tpu.memory_space<hbm>>
    tpu.wait_indirect_dma semaphore(%arg14 : memref<!tpu.dma_semaphore, #tpu.memory_space<semaphore_mem>>) src(%dma_wait3A_55 : memref<10000x128xf32, #tpu.memory_space<hbm>>) dst(%arg10 : memref<128x128xf32, #tpu.memory_space<vmem>>)
    %dma_start3A_56 = arith.constant 1 : i32
    %dma_start3A_57 = arith.constant 0 : i32
    %dma_start3A_58 = tpu.memref_slice %arg7[%dma_start3A_56, %dma_start3A_57] : memref<2x128xi32, #tpu.memory_space<vmem>> -> memref<1x128xi32, #tpu.memory_space<vmem>>
    %dma_start3A_59 = tpu.memref_squeeze %dma_start3A_58 : memref<1x128xi32, #tpu.memory_space<vmem>> -> memref<128xi32, #tpu.memory_space<vmem>>
    %dma_start3A_60 = arith.constant 0 : i32
    %dma_start3A_61 = arith.constant 0 : i32
    %dma_start3A_62 = tpu.memref_slice %arg12[%dma_start3A_60, %dma_start3A_61] : memref<10112x128xf32, #tpu.memory_space<vmem_shared>> -> memref<10112x128xf32, #tpu.memory_space<vmem_shared>>
    tpu.enqueue_indirect_dma source(%arg10 : memref<128x128xf32, #tpu.memory_space<vmem>>) target(%dma_start3A_62 : memref<10112x128xf32, #tpu.memory_space<vmem_shared>>) offsets(%dma_start3A_59 : memref<128xi32, #tpu.memory_space<vmem>>) semaphore(%arg17 : memref<!tpu.dma_semaphore, #tpu.memory_space<semaphore_mem>>) {add = true}
    %dma_wait3A_63 = arith.constant 1 : i32
    %dma_wait3A_64 = arith.constant 0 : i32
    %dma_wait3A_65 = tpu.memref_slice %arg6[%dma_wait3A_63, %dma_wait3A_64] : memref<2x128xi32, #tpu.memory_space<vmem>> -> memref<1x128xi32, #tpu.memory_space<vmem>>
    %dma_wait3A_66 = tpu.memref_squeeze %dma_wait3A_65 : memref<1x128xi32, #tpu.memory_space<vmem>> -> memref<128xi32, #tpu.memory_space<vmem>>
    %dma_wait3A_67 = arith.constant 0 : i32
    %dma_wait3A_68 = arith.constant 0 : i32
    %dma_wait3A_69 = tpu.memref_slice %arg12[%dma_wait3A_67, %dma_wait3A_68] : memref<10112x128xf32, #tpu.memory_space<vmem_shared>> -> memref<10112x128xf32, #tpu.memory_space<vmem_shared>>
    tpu.wait_indirect_dma semaphore(%arg16 : memref<!tpu.dma_semaphore, #tpu.memory_space<semaphore_mem>>) src(%arg9 : memref<128x128xf32, #tpu.memory_space<vmem>>) dst(%dma_wait3A_69 : memref<10112x128xf32, #tpu.memory_space<vmem_shared>>)
    %dma_wait3A_70 = arith.constant 1 : i32
    %dma_wait3A_71 = arith.constant 0 : i32
    %dma_wait3A_72 = tpu.memref_slice %arg7[%dma_wait3A_70, %dma_wait3A_71] : memref<2x128xi32, #tpu.memory_space<vmem>> -> memref<1x128xi32, #tpu.memory_space<vmem>>
    %dma_wait3A_73 = tpu.memref_squeeze %dma_wait3A_72 : memref<1x128xi32, #tpu.memory_space<vmem>> -> memref<128xi32, #tpu.memory_space<vmem>>
    %dma_wait3A_74 = arith.constant 0 : i32
    %dma_wait3A_75 = arith.constant 0 : i32
    %dma_wait3A_76 = tpu.memref_slice %arg12[%dma_wait3A_74, %dma_wait3A_75] : memref<10112x128xf32, #tpu.memory_space<vmem_shared>> -> memref<10112x128xf32, #tpu.memory_space<vmem_shared>>
    tpu.wait_indirect_dma semaphore(%arg17 : memref<!tpu.dma_semaphore, #tpu.memory_space<semaphore_mem>>) src(%arg10 : memref<128x128xf32, #tpu.memory_space<vmem>>) dst(%dma_wait3A_76 : memref<10112x128xf32, #tpu.memory_space<vmem_shared>>)
    %barrier3A_77 = arith.constant 0 : index
    tpu.barrier barrier_id(%barrier3A_77)
    %mul3A_78 = arith.constant 632 : i32
    %mul3A_79 = arith.muli %arg1, %mul3A_78 : i32
    %mul3A_80 = arith.constant 632 : i32
    %mul3A_81 = arith.muli %arg1, %mul3A_80 : i32
    "tpu.region"() ({
      %run_scoped3A = tpu.sem_alloc : memref<!tpu.dma_semaphore, #tpu.memory_space<semaphore_mem>>
      %dma_start3A_82 = arith.constant 0 : i32
      %dma_start3A_83 = tpu.memref_slice %arg5[%arg0, %mul3A_81, %dma_start3A_82] : memref<2x10112x128xf32, #tpu.memory_space<hbm>> -> memref<1x632x128xf32, #tpu.memory_space<hbm>>
      %dma_start3A_84 = tpu.memref_squeeze %dma_start3A_83 : memref<1x632x128xf32, #tpu.memory_space<hbm>> -> memref<632x128xf32, #tpu.memory_space<hbm>>
      %dma_start3A_85 = arith.constant 0 : i32
      %dma_start3A_86 = tpu.memref_slice %arg12[%mul3A_79, %dma_start3A_85] : memref<10112x128xf32, #tpu.memory_space<vmem_shared>> -> memref<632x128xf32, #tpu.memory_space<vmem_shared>>
      tpu.enqueue_dma source(%dma_start3A_86 : memref<632x128xf32, #tpu.memory_space<vmem_shared>>) target(%dma_start3A_84 : memref<632x128xf32, #tpu.memory_space<hbm>>) target_semaphore(%run_scoped3A : memref<!tpu.dma_semaphore, #tpu.memory_space<semaphore_mem>>)
      %dma_wait3A_87 = arith.constant 0 : i32
      %dma_wait3A_88 = tpu.memref_slice %arg5[%arg0, %mul3A_81, %dma_wait3A_87] : memref<2x10112x128xf32, #tpu.memory_space<hbm>> -> memref<1x632x128xf32, #tpu.memory_space<hbm>>
      %dma_wait3A_89 = tpu.memref_squeeze %dma_wait3A_88 : memref<1x632x128xf32, #tpu.memory_space<hbm>> -> memref<632x128xf32, #tpu.memory_space<hbm>>
      %dma_wait3A_90 = arith.constant 0 : i32
      %dma_wait3A_91 = tpu.memref_slice %arg12[%mul3A_79, %dma_wait3A_90] : memref<10112x128xf32, #tpu.memory_space<vmem_shared>> -> memref<632x128xf32, #tpu.memory_space<vmem_shared>>
      tpu.wait_dma2 semaphore(%run_scoped3A : memref<!tpu.dma_semaphore, #tpu.memory_space<semaphore_mem>>) src(%dma_wait3A_91 : memref<632x128xf32, #tpu.memory_space<vmem_shared>>) dst(%dma_wait3A_89 : memref<632x128xf32, #tpu.memory_space<hbm>>)
      tpu.yield
    }) : () -> ()
    return
  }
}

module attributes {stable_mosaic.version = 14 : i64} {
  func.func @_mm1_body(%arg0: i32, %arg1: memref<2000x128xf32, #tpu.memory_space<vmem>>, %arg2: memref<128x128xf32, #tpu.memory_space<vmem>>, %arg3: memref<2000x128xf32, #tpu.memory_space<vmem>>) attributes {dimension_semantics = [#tpu.dimension_semantics<arbitrary>], iteration_bounds = array<i64: 5>, scalar_prefetch = 0 : i64, scratch_operands = 0 : i64, tpu.core_type = #tpu.core_type<tc>, window_params = [{transform_indices = @transform_0, window_bounds = array<i64: 2000, 128>}, {pipeline_mode = #tpu.pipeline_mode<synchronous>, transform_indices = @transform_1, window_bounds = array<i64: 128, 128>}, {transform_indices = @transform_2, window_bounds = array<i64: 2000, 128>}]} {
    %get3A = arith.constant 0 : index
    %get3A_0 = arith.constant 0 : index
    %get3A_1 = vector.load %arg1[%get3A, %get3A_0] : memref<2000x128xf32, #tpu.memory_space<vmem>>, vector<2000x128xf32>
    %get3A_2 = arith.constant 0 : index
    %get3A_3 = arith.constant 0 : index
    %get3A_4 = vector.load %arg2[%get3A_2, %get3A_3] : memref<128x128xf32, #tpu.memory_space<vmem>>, vector<128x128xf32>
    %dot_general3A = arith.constant dense<0.000000e+00> : vector<2000x128xf32>
    %dot_general3A_5 = tpu.matmul %get3A_1, %get3A_4, %dot_general3A {dimension_numbers = #tpu.dot_dimension_numbers<[1], [0], [0], [1], [0, 0, 1, 1], [], []>, transpose_lhs_hint = false} : vector<2000x128xf32>, vector<128x128xf32>, vector<2000x128xf32> -> vector<2000x128xf32>
    %swap3A = arith.constant 0 : index
    %swap3A_6 = arith.constant 0 : index
    %swap3A_7 = vector.load %arg3[%swap3A, %swap3A_6] : memref<2000x128xf32, #tpu.memory_space<vmem>>, vector<2000x128xf32>
    tpu.vector_store %arg3[%swap3A, %swap3A_6], %dot_general3A_5 {strides = array<i32>} : memref<2000x128xf32, #tpu.memory_space<vmem>>, vector<2000x128xf32>,
    return
  }
  func.func @transform_0(%arg0: i32) -> (i32, i32) {
    %c0_i32 = arith.constant 0 : i32
    %c0_i32_0 = arith.constant 0 : i32
    return %arg0, %c0_i32 : i32, i32
  }
  func.func @transform_1(%arg0: i32) -> (i32, i32) {
    %c0_i32 = arith.constant 0 : i32
    %c0_i32_0 = arith.constant 0 : i32
    %c0_i32_1 = arith.constant 0 : i32
    return %c0_i32, %c0_i32_0 : i32, i32
  }
  func.func @transform_2(%arg0: i32) -> (i32, i32) {
    %c0_i32 = arith.constant 0 : i32
    %c0_i32_0 = arith.constant 0 : i32
    return %arg0, %c0_i32 : i32, i32
  }
}

module attributes {stable_mosaic.version = 14 : i64} {
  func.func @_mm2_body(%arg0: i32, %arg1: memref<1x2000x128xf32, #tpu.memory_space<vmem>>, %arg2: memref<1x2000x128xf32, #tpu.memory_space<vmem>>, %arg3: memref<128x128xf32, #tpu.memory_space<vmem>>, %arg4: memref<2000x128xf32, #tpu.memory_space<vmem>>) attributes {dimension_semantics = [#tpu.dimension_semantics<arbitrary>], iteration_bounds = array<i64: 5>, scalar_prefetch = 0 : i64, scratch_operands = 0 : i64, tpu.core_type = #tpu.core_type<tc>, window_params = [{transform_indices = @transform_0, window_bounds = array<i64: 1, 2000, 128>}, {transform_indices = @transform_1, window_bounds = array<i64: 1, 2000, 128>}, {pipeline_mode = #tpu.pipeline_mode<synchronous>, transform_indices = @transform_2, window_bounds = array<i64: 128, 128>}, {transform_indices = @transform_3, window_bounds = array<i64: 2000, 128>}]} {
    %get3A = arith.constant 0 : index
    %get3A_0 = arith.constant 0 : index
    %get3A_1 = arith.constant 0 : index
    %get3A_2 = vector.load %arg1[%get3A, %get3A_0, %get3A_1] : memref<1x2000x128xf32, #tpu.memory_space<vmem>>, vector<1x2000x128xf32>
    %get3A_3 = vector.shape_cast %get3A_2 : vector<1x2000x128xf32> to vector<2000x128xf32>
    %get3A_4 = arith.constant 0 : index
    %get3A_5 = arith.constant 0 : index
    %get3A_6 = arith.constant 0 : index
    %get3A_7 = vector.load %arg2[%get3A_4, %get3A_5, %get3A_6] : memref<1x2000x128xf32, #tpu.memory_space<vmem>>, vector<1x2000x128xf32>
    %get3A_8 = vector.shape_cast %get3A_7 : vector<1x2000x128xf32> to vector<2000x128xf32>
    %add3A = arith.addf %get3A_3, %get3A_8 : vector<2000x128xf32>
    %max3A = arith.constant 0.000000e+00 : f32
    %max3A_9 = vector.broadcast %max3A : f32 to vector<2000x128xf32>
    %max3A_10 = arith.maximumf %add3A, %max3A_9 : vector<2000x128xf32>
    %get3A_11 = arith.constant 0 : index
    %get3A_12 = arith.constant 0 : index
    %get3A_13 = vector.load %arg3[%get3A_11, %get3A_12] : memref<128x128xf32, #tpu.memory_space<vmem>>, vector<128x128xf32>
    %dot_general3A = arith.constant dense<0.000000e+00> : vector<2000x128xf32>
    %dot_general3A_14 = tpu.matmul %max3A_10, %get3A_13, %dot_general3A {dimension_numbers = #tpu.dot_dimension_numbers<[1], [0], [0], [1], [0, 0, 1, 1], [], []>, transpose_lhs_hint = false} : vector<2000x128xf32>, vector<128x128xf32>, vector<2000x128xf32> -> vector<2000x128xf32>
    %swap3A = arith.constant 0 : index
    %swap3A_15 = arith.constant 0 : index
    %swap3A_16 = vector.load %arg4[%swap3A, %swap3A_15] : memref<2000x128xf32, #tpu.memory_space<vmem>>, vector<2000x128xf32>
    tpu.vector_store %arg4[%swap3A, %swap3A_15], %dot_general3A_14 {strides = array<i32>} : memref<2000x128xf32, #tpu.memory_space<vmem>>, vector<2000x128xf32>,
    return
  }
  func.func @transform_0(%arg0: i32) -> (i32, i32, i32) {
    %c0_i32 = arith.constant 0 : i32
    %c0_i32_0 = arith.constant 0 : i32
    %c0_i32_1 = arith.constant 0 : i32
    return %c0_i32, %arg0, %c0_i32_0 : i32, i32, i32
  }
  func.func @transform_1(%arg0: i32) -> (i32, i32, i32) {
    %c1_i32 = arith.constant 1 : i32
    %c0_i32 = arith.constant 0 : i32
    %c0_i32_0 = arith.constant 0 : i32
    return %c1_i32, %arg0, %c0_i32 : i32, i32, i32
  }
  func.func @transform_2(%arg0: i32) -> (i32, i32) {
    %c0_i32 = arith.constant 0 : i32
    %c0_i32_0 = arith.constant 0 : i32
    %c0_i32_1 = arith.constant 0 : i32
    return %c0_i32, %c0_i32_0 : i32, i32
  }
  func.func @transform_3(%arg0: i32) -> (i32, i32) {
    %c0_i32 = arith.constant 0 : i32
    %c0_i32_0 = arith.constant 0 : i32
    return %arg0, %c0_i32 : i32, i32
  }
}

module attributes {stable_mosaic.version = 14 : i64} {
  func.func @_pool_body(%arg0: i32, %arg1: memref<1x10000x128xf32, #tpu.memory_space<vmem>>, %arg2: memref<1x10000x128xf32, #tpu.memory_space<vmem>>, %arg3: memref<1x10000xi32, #tpu.memory_space<vmem>>, %arg4: memref<128x128xf32, #tpu.memory_space<vmem>>, %arg5: memref<64x128xf32, #tpu.memory_space<vmem>>) attributes {dimension_semantics = [#tpu.dimension_semantics<arbitrary>], iteration_bounds = array<i64: 1>, scalar_prefetch = 0 : i64, scratch_operands = 0 : i64, tpu.core_type = #tpu.core_type<tc>, window_params = [{transform_indices = @transform_0, window_bounds = array<i64: 1, 10000, 128>}, {transform_indices = @transform_1, window_bounds = array<i64: 1, 10000, 128>}, {pipeline_mode = #tpu.pipeline_mode<synchronous>, transform_indices = @transform_2, window_bounds = array<i64: 1, 10000>}, {pipeline_mode = #tpu.pipeline_mode<synchronous>, transform_indices = @transform_3, window_bounds = array<i64: 128, 128>}, {pipeline_mode = #tpu.pipeline_mode<synchronous>, transform_indices = @transform_4, window_bounds = array<i64: 64, 128>}]} {
    %get3A = arith.constant 0 : index
    %get3A_0 = arith.constant 0 : index
    %get3A_1 = arith.constant 0 : index
    %get3A_2 = vector.load %arg1[%get3A, %get3A_0, %get3A_1] : memref<1x10000x128xf32, #tpu.memory_space<vmem>>, vector<1x10000x128xf32>
    %get3A_3 = vector.shape_cast %get3A_2 : vector<1x10000x128xf32> to vector<10000x128xf32>
    %get3A_4 = arith.constant 0 : index
    %get3A_5 = arith.constant 0 : index
    %get3A_6 = arith.constant 0 : index
    %get3A_7 = vector.load %arg2[%get3A_4, %get3A_5, %get3A_6] : memref<1x10000x128xf32, #tpu.memory_space<vmem>>, vector<1x10000x128xf32>
    %get3A_8 = vector.shape_cast %get3A_7 : vector<1x10000x128xf32> to vector<10000x128xf32>
    %add3A = arith.addf %get3A_3, %get3A_8 : vector<10000x128xf32>
    %iota3A = tpu.iota {dimensions = array<i32: 0>} : vector<64x10000xi32>
    %get3A_9 = arith.constant 0 : index
    %get3A_10 = arith.constant 0 : index
    %get3A_11 = vector.load %arg3[%get3A_9, %get3A_10] : memref<1x10000xi32, #tpu.memory_space<vmem>>, vector<1x10000xi32>
    %eq3A = vector.broadcast %get3A_11 : vector<1x10000xi32> to vector<64x10000xi32>
    %eq3A_12 = arith.cmpi eq, %iota3A, %eq3A : vector<64x10000xi32>
    %convert_element_type3A = arith.extui %eq3A_12 : vector<64x10000xi1> to vector<64x10000xi32>
    %convert_element_type3A_13 = arith.sitofp %convert_element_type3A : vector<64x10000xi32> to vector<64x10000xf32>
    %dot_general3A = arith.constant dense<0.000000e+00> : vector<64x128xf32>
    %dot_general3A_14 = tpu.matmul %convert_element_type3A_13, %add3A, %dot_general3A {dimension_numbers = #tpu.dot_dimension_numbers<[1], [0], [0], [1], [0, 0, 1, 1], [], []>, transpose_lhs_hint = false} : vector<64x10000xf32>, vector<10000x128xf32>, vector<64x128xf32> -> vector<64x128xf32>
    %reduce_sum3A = arith.constant dense<0.000000e+00> : vector<64xf32>
    %reduce_sum3A_15 = vector.multi_reduction <add>, %convert_element_type3A_13, %reduce_sum3A [1] : vector<64x10000xf32> to vector<64xf32>
    %broadcast_in_dim3A = vector.shape_cast %reduce_sum3A_15 : vector<64xf32> to vector<64x1xf32>
    %max3A = arith.constant 1.000000e+00 : f32
    %max3A_16 = vector.broadcast %max3A : f32 to vector<64x1xf32>
    %max3A_17 = arith.maximumf %broadcast_in_dim3A, %max3A_16 : vector<64x1xf32>
    %div3A = vector.broadcast %max3A_17 : vector<64x1xf32> to vector<64x128xf32>
    %div3A_18 = arith.divf %dot_general3A_14, %div3A : vector<64x128xf32>
    %get3A_19 = arith.constant 0 : index
    %get3A_20 = arith.constant 0 : index
    %get3A_21 = vector.load %arg4[%get3A_19, %get3A_20] : memref<128x128xf32, #tpu.memory_space<vmem>>, vector<128x128xf32>
    %dot_general3A_22 = arith.constant dense<0.000000e+00> : vector<64x128xf32>
    %dot_general3A_23 = tpu.matmul %div3A_18, %get3A_21, %dot_general3A_22 {dimension_numbers = #tpu.dot_dimension_numbers<[1], [0], [0], [1], [0, 0, 1, 1], [], []>, transpose_lhs_hint = false} : vector<64x128xf32>, vector<128x128xf32>, vector<64x128xf32> -> vector<64x128xf32>
    %swap3A = arith.constant 0 : index
    %swap3A_24 = arith.constant 0 : index
    %swap3A_25 = vector.load %arg5[%swap3A, %swap3A_24] : memref<64x128xf32, #tpu.memory_space<vmem>>, vector<64x128xf32>
    tpu.vector_store %arg5[%swap3A, %swap3A_24], %dot_general3A_23 {strides = array<i32>} : memref<64x128xf32, #tpu.memory_space<vmem>>, vector<64x128xf32>,
    return
  }
  func.func @transform_0(%arg0: i32) -> (i32, i32, i32) {
    %c0_i32 = arith.constant 0 : i32
    %c0_i32_0 = arith.constant 0 : i32
    %c0_i32_1 = arith.constant 0 : i32
    %c0_i32_2 = arith.constant 0 : i32
    return %c0_i32, %c0_i32_0, %c0_i32_1 : i32, i32, i32
  }
  func.func @transform_1(%arg0: i32) -> (i32, i32, i32) {
    %c1_i32 = arith.constant 1 : i32
    %c0_i32 = arith.constant 0 : i32
    %c0_i32_0 = arith.constant 0 : i32
    %c0_i32_1 = arith.constant 0 : i32
    return %c1_i32, %c0_i32, %c0_i32_0 : i32, i32, i32
  }
  func.func @transform_2(%arg0: i32) -> (i32, i32) {
    %c0_i32 = arith.constant 0 : i32
    %c0_i32_0 = arith.constant 0 : i32
    %c0_i32_1 = arith.constant 0 : i32
    return %c0_i32, %c0_i32_0 : i32, i32
  }
  func.func @transform_3(%arg0: i32) -> (i32, i32) {
    %c0_i32 = arith.constant 0 : i32
    %c0_i32_0 = arith.constant 0 : i32
    %c0_i32_1 = arith.constant 0 : i32
    return %c0_i32, %c0_i32_0 : i32, i32
  }
  func.func @transform_4(%arg0: i32) -> (i32, i32) {
    %c0_i32 = arith.constant 0 : i32
    %c0_i32_0 = arith.constant 0 : i32
    %c0_i32_1 = arith.constant 0 : i32
    return %c0_i32, %c0_i32_0 : i32, i32
  }
}

</mosaic_0001>

<sc_bundles>
// kernel: kernel.12.cloned.1.call-start
scs
__scs_entry_jumppad:
0x0: {  	(pc) =	sbr.rel $0x88, $3  }
0x1: {  	(tag) =	ssettag $0x0;
	lr =	simm.s32 $0x1  }
0x2: {  	[smem:$0x3F9A] =	sst lr;
	_ =	strace $0xD0000000  }
0x3: {  	_ = 	snop  }
0x4: {  	_ = 	snop  }
0x5: {  	_ = 	snop  }
0x6: {  	_ = 	snop  }
0x7: {  	_ = 	snop  }
__scs_overlays_trampoline_lowered:
0x8: {  	[smem:$0x3FA9] =	sst s0  }
0x9: {  	[smem:$0x3FAA] =	sst s1  }
0xa: {  	[smem:$0x3FAB] =	sst s2  }
0xb: {  	[smem:$0x3FAC] =	sst s3  }
0xc: {  	[smem:$0x3FAD] =	sst s4  }
0xd: {  	[smem:$0x3FAE] =	sst s5  }
0xe: {  	[smem:$0x3FAF] =	sst s6  }
0xf: {  	[smem:$0x3FB0] =	sst s7  }
0x10: {  	[smem:$0x3FB1] =	sst s8  }
0x11: {  	[smem:$0x3FB2] =	sst s9;
	s0 =	simm.s32 @!p0 $0x0  }
0x12: {  	s1 =	sld [smem:$0x3F98];
	s0 =	simm.s32 @p0 $0x1  }
0x13: {  	[smem:$0x3FB3] =	sst s0;
	s0 =	simm.s32 @!p1 $0x0  }
0x14: {  	s2 =	sld [smem:$0x3F97];
	s0 =	simm.s32 @p1 $0x1  }
0x15: {  	[smem:$0x3FB4] =	sst s0;
	s0 =	simm.s32 @!p2 $0x0  }
0x16: {  	s3 =	sld [smem:$0x3FDB];
	s0 =	simm.s32 @p2 $0x1  }
0x17: {  	s4 =	simm.s32 $0x1BF5;
	[smem:$0x3FB6] =	sst s0  }
0x18: {  	s0 =	sld [smem:$0x3F99];
	_ =	swait.ge [sflag:s4], $0x0  }
0x19: {  	s7 =	sld [smem:$0x3F9A]  }
0x1a: {  	s8 =	sadd.s32 $0xFFFFE003, lr  }
0x1b: {  	s9 =	sadd.s32 $0xFFFFFEF7, lr;
	s5 =	simm.s32 $0xFFFFFFFF;
	p2 =	slt.u32 s8, $0xFFFFF086  }
0x1c: {  	p1 =	slt.u32 s9, $0xF7A;
	s5 =	simm.s32 @!p2 $0x0  }
0x1d: {  	s5 =	simm.s32 @p1 $0x1;
	p0 =	seq.s32 s7, s2  }
0x1e: {  	s7 =	smul.u32 @!p0 $0xF7A, s2;
	p2 =	seq.s32 @!p0 s5, $0x0  }
0x1f: {  	s9 =	smul.u32 $0xF7A, s1;
	s8 =	simm.s32 @!p0 $0x1BF5;
	p2 =	por !p2, p0  }
0x20: {  	[sflag:s8] =	ssyncset.s32 @!p0 $0xFFFFF086;
	s6 =	sadd.s32 @!p0 s3, s7;
	s7 =	simm.s32 @!p0 $0x108  }
0x21: {  	s3 =	sadd.s32 s3, s9;
	s6 =	sadd.s32 @!p0 $0x88, s6;
	s7 =	simm.s32 @p2 $0x1082  }
0x22: {  	[simem:s7], [sflag:s8] =	dma.local @!p0 [hbm:s6], $0xF7A  }
0x23: {  	s9 =	sor.u32 $0xD0000000, s2;
	s6 =	simm.s32 $0x108;
	_ =	swait.ge @!p0 [sflag:s8], $0x0  }
0x24: {  	s3 =	sadd.s32 $0x88, s3;
	s6 =	simm.s32 @!p1 $0x1082;
	[sflag:s4] =	ssyncset.s32 $0xFFFFF086  }
0x25: {  	[simem:s6], [sflag:s4] =	dma.local [hbm:s3], $0xF7A  }
0x26: {  	[smem:$0x3F9A] =	sst s1;
	(tag) =	ssettag s2;
	_ =	strace s9  }
0x27: {  	s1 =	sld [smem:$0x3FAA]  }
0x28: {  	s2 =	sld [smem:$0x3FAB]  }
0x29: {  	s4 =	sld [smem:$0x3FAD]  }
0x2a: {  	p0 =	seq.s32 s5, $0x0;
	s5 =	sld [smem:$0x3FAE]  }
0x2b: {  	s6 =	sld [smem:$0x3FAF]  }
0x2c: {  	s7 =	sld [smem:$0x3FB0]  }
0x2d: {  	s3 =	simm.s32 $0x108;
	s8 =	sld [smem:$0x3FB1]  }
0x2e: {  	s3 =	simm.s32 @!p0 $0x1082;
	s9 =	sld [smem:$0x3FB2]  }
0x2f: {  	lr =	sadd.s32 s0, s3;
	s0 =	sld [smem:$0x3FA9]  }
0x30: {  	s3 =	sld [smem:$0x3FAC]  }
0x31: {  	[smem:$0x3FB5] =	sst s10  }
0x32: {  	s10 =	sld [smem:$0x3FB3];
	_ =	sdelay $0x3  }
0x33: {  	p0 =	seq.s32 s10, $0x1;
	s10 =	sld [smem:$0x3FB5];
	_ =	sdelay $0x3  }
0x34: {  	[smem:$0x3FB5] =	sst s10  }
0x35: {  	s10 =	sld [smem:$0x3FB4];
	_ =	sdelay $0x3  }
0x36: {  	p1 =	seq.s32 s10, $0x1;
	s10 =	sld [smem:$0x3FB5];
	_ =	sdelay $0x3  }
0x37: {  	[smem:$0x3FB5] =	sst s10  }
0x38: {  	s10 =	sld [smem:$0x3FB6]  }
0x39: {  	_ = 	snop;
	(pc) =	sbr.ind lr, $3  }
0x3a: {  	_ = 	snop  }
0x3b: {  	_ = 	snop  }
0x3c: {  	p2 =	seq.s32 s10, $0x1;
	s10 =	sld [smem:$0x3FB5]  }
0x3d: {  	_ =	shalt  }
0x3e: {  	_ =	shalt  }
0x3f: {  	_ =	shalt  }
0x40: {  	_ =	shalt  }
0x41: {  	_ =	shalt  }
0x42: {  	_ =	shalt  }
0x43: {  	_ =	shalt  }
0x44: {  	_ =	shalt  }
0x45: {  	_ =	shalt  }
0x46: {  	_ =	shalt  }
0x47: {  	_ =	shalt  }
0x48: {  	_ =	shalt  }
0x49: {  	_ =	shalt  }
0x4a: {  	_ =	shalt  }
0x4b: {  	_ =	shalt  }
0x4c: {  	_ =	shalt  }
0x4d: {  	_ =	shalt  }
0x4e: {  	_ =	shalt  }
0x4f: {  	_ =	shalt  }
0x50: {  	_ =	shalt  }
0x51: {  	_ =	shalt  }
0x52: {  	_ =	shalt  }
0x53: {  	_ =	shalt  }
0x54: {  	_ =	shalt  }
0x55: {  	_ =	shalt  }
0x56: {  	_ =	shalt  }
0x57: {  	_ =	shalt  }
0x58: {  	_ =	shalt  }
0x59: {  	_ =	shalt  }
0x5a: {  	_ =	shalt  }
0x5b: {  	_ =	shalt  }
0x5c: {  	_ =	shalt  }
0x5d: {  	_ =	shalt  }
0x5e: {  	_ =	shalt  }
0x5f: {  	_ =	shalt  }
0x60: {  	_ =	shalt  }
0x61: {  	_ =	shalt  }
0x62: {  	_ =	shalt  }
0x63: {  	_ =	shalt  }
0x64: {  	_ =	shalt  }
0x65: {  	_ =	shalt  }
0x66: {  	_ =	shalt  }
0x67: {  	_ =	shalt  }
0x68: {  	_ =	shalt  }
0x69: {  	_ =	shalt  }
0x6a: {  	_ =	shalt  }
0x6b: {  	_ =	shalt  }
0x6c: {  	_ =	shalt  }
0x6d: {  	_ =	shalt  }
0x6e: {  	_ =	shalt  }
0x6f: {  	_ =	shalt  }
0x70: {  	_ =	shalt  }
0x71: {  	_ =	shalt  }
0x72: {  	_ =	shalt  }
0x73: {  	_ =	shalt  }
0x74: {  	_ =	shalt  }
0x75: {  	_ =	shalt  }
0x76: {  	_ =	shalt  }
0x77: {  	_ =	shalt  }
0x78: {  	_ =	shalt  }
0x79: {  	_ =	shalt  }
0x7a: {  	_ =	shalt  }
0x7b: {  	_ =	shalt  }
0x7c: {  	_ =	shalt  }
0x7d: {  	_ =	shalt  }
0x7e: {  	_ =	shalt  }
0x7f: {  	_ =	shalt  }
0x80: {  	_ =	shalt  }
0x81: {  	_ =	shalt  }
0x82: {  	_ =	shalt  }
0x83: {  	_ =	shalt  }
0x84: {  	_ =	shalt  }
0x85: {  	_ =	shalt  }
0x86: {  	_ =	shalt  }
0x87: {  	_ =	shalt  }
.Lfunc_end0:
.L_simem_size_0:
called_computation.1_lowered:
.L_overlay_start_0:
0x88: {  	s2 =	sld [smem:$0x3FD9]  }
0x89: {  	s3 =	sld [smem:$0x3FFE];
	_ =	sdelay $0x1  }
0x8a: {  	s1 =	srdreg.scid  }
0x8b: {  	s0 =	sand.u32 $0x1, s1  }
0x8c: {  	s16 =	sshll.u32 s0, $0xA;
	s2 =	sadd.s32 s3, s2  }
0x8d: {  	s2 =	sadd.s32 s2, s16  }
0x8e: {  	[smem:$0x3FC1] =	sst s2  }
0x8f: {  	_ = 	snop  }
0x90: {  	(tm) =	ssettm $0x1  }
0x91: {  	s17 =	sld [smem:$0x3FFB];
	_ =	sdelay $0x3  }
0x92: {  	_ =	strace s17  }
0x93: {  	s2 =	sld [smem:$0x3FFC];
	_ =	sdelay $0x3  }
0x94: {  	_ =	strace s2  }
0x95: {  	s2 =	sld [smem:$0x3FFD];
	_ =	sdelay $0x3  }
0x96: {  	_ =	strace s2  }
0x97: {  	_ =	strace $0x8FFFFFFF  }
0x98: {  	s18 =	sld [smem:$0x3FDB];
	_ =	sdelay $0x1  }
0x99: {  	s19 =	simm.s32 $_scs_section_size  }
0x9a: {  	s4 =	simm.s32 $_size__tile_overlayer_lowered;
	s5 =	simm.s32 $_tile_overlayer_lowered  }
0x9b: {  	s22 =	simm.s32 $0x1BFF;
	s21 =	sshll.u32 s5, $0x1;
	s2 =	sadd.s32 s19, s18  }
0x9c: {  	s6 =	simm.s32 $0x0;
	s20 =	sshll.u32 s4, $0x1;
	s4 =	sadd.s32 s21, s2  }
0x9d: {  	[timem:s6], [sflag:s22] =	dma.local [hbm:s4], s20  }
0x9e: {  	_ =	swait.ge [sflag:s22], s20  }
0x9f: {  	s3 =	ssub.s32 $0x0, s20;
	[sflag:s22] =	ssyncset.done $0x0  }
0xa0: {  	[sflag:s22] =	ssyncadd.s32 s3;
	_ =	sdelay $0x1  }
0xa1: {  	s23 =	simm.s32 $0x1B8B  }
0xa2: {  	_ =	swait.ge [sflag:s23], $0x1  }
0xa3: {  	[sflag:s23] =	ssyncset.done $0x0  }
0xa4: {  	s25 =	simm.s32 $0x1B8E;
	s24 =	sld [smem:$0x3FFE];
	[sflag:s23] =	ssyncadd.s32 $0xFFFFFFFF  }
0xa5: {  	s26 =	simm.s32 $execute0_lowered;
	[smem:$0x3FD2] =	sst s25  }
0xa6: {  	s4 =	sshll.u32 s26, $0x1;
	_ =	strace $0x80000049;
	[dreg:$0x1] =	wrdreg $0xFFFFFFFF  }
0xa7: {  	s28 =	simm.s32 $_size_execute0_lowered;
	s2 =	sadd.s32 s2, s4;
	[dreg:$0x0] =	wrdreg $0x0  }
0xa8: {  	s4 =	sshll.u32 s28, $0x1;
	[dreg:$0x2] =	wrdreg s2  }
0xa9: {  	[dreg:$0x3] =	wrdreg s4  }
0xaa: {  	[dreg:$0x4] =	wrdreg $0xC0  }
0xab: {  	_ =	task [dreg:s6], $0x5FFFF  }
0xac: {  	[dreg:$0x1] =	wrdreg $0xFFFFFFFF  }
0xad: {  	[dreg:$0x0] =	wrdreg $0x60  }
0xae: {  	[dreg:$0x2] =	wrdreg s24  }
0xaf: {  	[dreg:$0x3] =	wrdreg $0xC3000  }
0xb0: {  	[dreg:$0x4] =	wrdreg $0x9  }
0xb1: {  	_ =	task.clear_ibuf [dreg:s6], $0x5FFFF;
	_ =	strace $0x90000049  }
0xb2: {  	s29 =	simm.s32 $0x9;
	_ =	strace $0x8000004B  }
0xb3: {  	_ =	swait.ge [sflag:s29], $0x1  }
0xb4: {  	[sflag:s29] =	ssyncadd.s32 $0xFFFFFFFF  }
0xb5: {  	_ =	strace $0x9000004B  }
0xb6: {  	_ =	sfence  }
0xb7: {  	s30 =	sld [smem:$0x0];
	_ =	sdelay $0x2  }
0xb8: {  	s31 =	sshll.u32 s1, $0xD;
	s1 =	sshrl.u32 s1, $0x2  }
0xb9: {  	s3 =	sand.u32 $0x4000, s31;
	s1 =	sadd.s32 s1, s30  }
0xba: {  	s0 =	sor.u32 s3, s0;
	s1 =	sshll.u32 s1, $0x11  }
0xbb: {  	s0 =	sor.u32 s1, s0  }
0xbc: {  	s0 =	sadd.s32 $0x8F2B, s0  }
0xbd: {  	[sflag:s0] =	ssyncadd.remote.s32 $0x1  }
0xbe: {  	_ =	sfence.sel $0xFFFF  }
0xbf: {  	[dreg:$0x0] =	wrdreg $0xFFFFFFFF;
	(pc) =	sbr.abs _section_cstart, $3  }
0xc0: {  	[dreg:$0x1] =	wrdreg $0xFFFFFFFF  }
0xc1: {  	_ =	task.clear_ibuf [dreg:s6], $0x2FFFF;
	_ =	strace $0x9FFFFFFF  }
0xc2: {  	(tm) =	ssettm $0x7FFFFFFF  }
0xc3: {  	_ =	shalt  }
tec
execute0_lowered:
.L_overlay_start_1:
0x0: {  	(tag) =	ssettag $0x1  }
0x1: {  	s0 =	rddreg [dreg:$0x0]  }
0x2: {  	s1 =	rddreg [dreg:$0x1];
	s2 =	srdreg.scid  }
0x3: {  	s3 =	simm.s32 $0x0;
	s20 =	stileid.u32;
	s14 =	simm.s32 $0x7  }
0x4: {  	s15 =	simm.s32 $0x80;
	s16 =	simm.s32 $0x300;
	s17 =	simm.s32 $0x100  }
0x5: {  	s18 =	simm.s32 $0x4300;
	s19 =	simm.s32 $0x200;
	s28 =	simm.s32 $0x3  }
0x6: {  	s29 =	simm.s32 $0x280;
	s30 =	simm.s32 $0x5;
	s31 =	simm.s32 $0x6  }
0x7: {  	s2 =	sand.u32 $0x1, s2;
	[smem:$0x7FF] =	sst s3;
	s6 =	smul.u32 $0x13C00, s20  }
0x8: {  	s4 =	sadd.s32 $0x16400, s0;
	s12 =	sadd.s32 $0x2400, s0;
	s11 =	smul.u32 $0x4F000, s20  }
0x9: {  	s22 =	sadd.s32 $0x3D600, s0;
	s25 =	smul.u32 $0xA00, s20;
	s26 =	sshll.u32 s20, $0x6  }
0xa: {  	s5 =	smul.u32 $0x13C000, s2;
	s7 =	sshll.u32 s2, $0x4;
	_ =	strace $0x8000004A  }
0xb: {  	[dreg:$0x3] =	wrdreg s22;
	s9 =	ssub.s32 $0x2, s2;
	s2 =	smul.u32 $0xA000, s2  }
0xc: {  	s21 =	sor.u32 $0x1C07, s26;
	s26 =	simm.s32 $0x4;
	s7 =	sor.u32 s20, s7  }
0xd: {  	s10 =	sshrl.u32 s9, $0x1;
	s24 =	sshrl.u32 s11, $0x2;
	s20 =	simm.s32 $0x8300  }
0xe: {  	s6 =	sadd.s32 s6, s5;
	s7 =	smul.u32 $0xA00, s7;
	s10 =	ssub.s32 s9, s10  }
0xf: {  	s22 =	sadd.s32 s24, s1;
	s2 =	sadd.s32 s2, s12;
	s24 =	simm.s32 $0x2  }
0x10: {  	s8 =	sshrl.u32 s6, $0x3;
	s10 =	smax.u32 s10, $0x1;
	s13 =	sadd.s32 s25, s2  }
0x11: {  	s22 =	sshrl.u32 s22, $0x3;
	s25 =	simm.s32 $0x180;
	s6 =	sadd.s32 s12, s7  }
0x12: {  	s0 =	sadd.s32 s8, s0;
	s23 =	sadd.s32 $0x20, s6;
	s8 =	sadd.s32 $0x40, s6  }
0x13: {  	s9 =	sadd.s32 $0x3FE00, s0;
	s11 =	sadd.s32 $0x9C0, s6;
	s12 =	sadd.s32 $0x9E0, s6  }
0x14: {  	s0 =	simm.s32 $0x0;
	[dreg:$0x4] =	wrdreg s23;
	s23 =	simm.s32 $0x1  }
.LBB2_1:
0x15: {  	[tilespmem:s3], [sflag:$0x7] =	stream.linear.gather [hbm4b:s6+s3], $0x100, $0x38;
	[tilespmem:$0x1FF00] =	vst v63  }
0x16: {  	_ =	swait.ge [sflag:s14], $0x100  }
0x17: {  	[sflag:s14] =	ssyncset.done $0x0  }
0x18: {  	[sflag:s14] =	ssyncadd.s32 $0xFFFFFF00  }
0x19: {  	[tilespmem:s16], [sflag:$0x1] =	stream.indirect.gather [hbm4b:s4+s15], $0x80, s3, s15, $0xb8;
	[tilespmem:$0x1FF00] =	vst v63  }
0x1a: {  	s2 =	rddreg [dreg:$0x4]  }
0x1b: {  	[tilespmem:s17], [sflag:$0x7] =	stream.linear.gather [hbm4b:s2+s3], $0x100, $0x38;
	[tilespmem:$0x1FF00] =	vst v63  }
0x1c: {  	_ =	swait.ge [sflag:s14], $0x100  }
0x1d: {  	[sflag:s14] =	ssyncset.done $0x0  }
0x1e: {  	[sflag:s14] =	ssyncadd.s32 $0xFFFFFF00  }
0x1f: {  	[tilespmem:s18], [sflag:$0x2] =	stream.indirect.gather [hbm4b:s4+s15], $0x80, s17, s15, $0xb8;
	[tilespmem:$0x1FF00] =	vst v63  }
0x20: {  	_ = 	snop  }
0x21: {  	[tilespmem:s19], [sflag:$0x7] =	stream.linear.gather [hbm4b:s8+s3], $0x100, $0x38;
	[tilespmem:$0x1FF00] =	vst v63  }
0x22: {  	_ =	swait.ge [sflag:s14], $0x100  }
0x23: {  	[sflag:s14] =	ssyncset.done $0x0  }
0x24: {  	s5 =	rddreg [dreg:$0x3];
	[sflag:s14] =	ssyncadd.s32 $0xFFFFFF00  }
0x25: {  	[tilespmem:s20], [sflag:$0x3] =	stream.indirect.gather [hbm4b:s4+s15], $0x80, s19, s15, $0xb8;
	[tilespmem:$0x1FF00] =	vst v63  }
0x26: {  	[spmem:s22], [sflag:s21] =	dma.local [hbm:s5], $0x2780  }
0x27: {  	_ =	swait.ge [sflag:s14], $0x2780  }
0x28: {  	[sflag:s14] =	ssyncset.done $0x0  }
0x29: {  	[sflag:s14] =	ssyncadd.s32 $0xFFFFD880  }
0x2a: {  	[bflag:$0x0] =	sbarrier.arrive $0xFFFF  }
0x2b: {  	_ =	swait.ge [sflag:s23], $0x4000  }
0x2c: {  	[sflag:s23] =	ssyncset.done $0x0  }
0x2d: {  	[sflag:s23] =	ssyncadd.s32 $0xFFFFC000  }
0x2e: {  	[spmem:s1] =	stream.indirect.scatter.add.f32 [tilespmem:s16], [sflag:$0x4], $0x80, s15, s15, $0xb8;
	[tilespmem:$0x1FF00] =	vst v63  }
0x2f: {  	_ =	swait.ge [sflag:s24], $0x4000  }
0x30: {  	[sflag:s24] =	ssyncset.done $0x0  }
0x31: {  	[sflag:s24] =	ssyncadd.s32 $0xFFFFC000  }
0x32: {  	[spmem:s1] =	stream.indirect.scatter.add.f32 [tilespmem:s18], [sflag:$0x5], $0x80, s25, s15, $0xb8;
	[tilespmem:$0x1FF00] =	vst v63  }
0x33: {  	_ =	swait.ge [sflag:s26], $0x4000  }
0x34: {  	s2 =	sadd.s32 $0xFFFFF6A0, s13;
	[sflag:s26] =	ssyncset.done $0x0  }
0x35: {  	s5 =	sadd.s32 $0x9C0, s2;
	[sflag:s26] =	ssyncadd.s32 $0xFFFFC000  }
0x36: {  	[tilespmem:s3], [sflag:$0x7] =	stream.linear.gather [hbm4b:s5+s3], $0x100, $0x38;
	[tilespmem:$0x1FF00] =	vst v63  }
0x37: {  	_ =	swait.ge [sflag:s14], $0x100  }
0x38: {  	[sflag:s14] =	ssyncset.done $0x0  }
0x39: {  	[sflag:s14] =	ssyncadd.s32 $0xFFFFFF00  }
0x3a: {  	[tilespmem:s16], [sflag:$0x1] =	stream.indirect.gather [hbm4b:s4+s15], $0x80, s3, s15, $0xb8;
	[tilespmem:$0x1FF00] =	vst v63  }
0x3b: {  	_ =	swait.ge [sflag:s28], $0x4000  }
0x3c: {  	[sflag:s28] =	ssyncset.done $0x0  }
0x3d: {  	[sflag:s28] =	ssyncadd.s32 $0xFFFFC000  }
0x3e: {  	[spmem:s1] =	stream.indirect.scatter.add.f32 [tilespmem:s20], [sflag:$0x6], $0x80, s29, s15, $0xb8;
	[tilespmem:$0x1FF00] =	vst v63  }
0x3f: {  	_ =	swait.ge [sflag:s30], $0x4000  }
0x40: {  	[sflag:s30] =	ssyncset.done $0x0  }
0x41: {  	s7 =	sadd.s32 $0x9E0, s2;
	[sflag:s30] =	ssyncadd.s32 $0xFFFFC000  }
0x42: {  	[tilespmem:s17], [sflag:$0x7] =	stream.linear.gather [hbm4b:s7+s3], $0x100, $0x38;
	[tilespmem:$0x1FF00] =	vst v63  }
0x43: {  	_ =	swait.ge [sflag:s14], $0x100  }
0x44: {  	[sflag:s14] =	ssyncset.done $0x0  }
0x45: {  	[sflag:s14] =	ssyncadd.s32 $0xFFFFFF00  }
0x46: {  	[tilespmem:s18], [sflag:$0x2] =	stream.indirect.gather [hbm4b:s4+s15], $0x80, s17, s15, $0xb8;
	[tilespmem:$0x1FF00] =	vst v63  }
0x47: {  	_ =	swait.ge [sflag:s31], $0x4000  }
0x48: {  	[sflag:s31] =	ssyncset.done $0x0  }
0x49: {  	s2 =	sadd.s32 $0xA00, s2;
	[sflag:s31] =	ssyncadd.s32 $0xFFFFC000  }
0x4a: {  	[tilespmem:s19], [sflag:$0x7] =	stream.linear.gather [hbm4b:s2+s3], $0x100, $0x38;
	[tilespmem:$0x1FF00] =	vst v63  }
0x4b: {  	_ =	swait.ge [sflag:s14], $0x100  }
0x4c: {  	[sflag:s14] =	ssyncset.done $0x0  }
0x4d: {  	s2 =	simm.s32 $0xFFFFF700;
	[sflag:s14] =	ssyncadd.s32 $0xFFFFFF00  }
.LBB2_2:
0x4e: {  	[tilespmem:s20], [sflag:$0x3] =	stream.indirect.gather [hbm4b:s4+s15], $0x80, s19, s15, $0xb8;
	[tilespmem:$0x1FF00] =	vst v63  }
0x4f: {  	s5 =	smov.u32 s2  }
0x50: {  	p0 =	sne.s32 s2, $0xFFFFFFA0;
	s2 =	sadd.s32 $0x60, s2;
	_ =	swait.ge [sflag:s23], $0x4000  }
0x51: {  	[sflag:s23] =	ssyncset.done $0x0  }
0x52: {  	[sflag:s23] =	ssyncadd.s32 $0xFFFFC000  }
0x53: {  	[spmem:s1] =	stream.indirect.scatter.add.f32 [tilespmem:s16], [sflag:$0x4], $0x80, s15, s15, $0xb8;
	[tilespmem:$0x1FF00] =	vst v63  }
0x54: {  	_ =	swait.ge [sflag:s24], $0x4000  }
0x55: {  	[sflag:s24] =	ssyncset.done $0x0  }
0x56: {  	[sflag:s24] =	ssyncadd.s32 $0xFFFFC000  }
0x57: {  	[spmem:s1] =	stream.indirect.scatter.add.f32 [tilespmem:s18], [sflag:$0x5], $0x80, s25, s15, $0xb8;
	[tilespmem:$0x1FF00] =	vst v63  }
0x58: {  	_ =	swait.ge [sflag:s26], $0x4000  }
0x59: {  	s5 =	sadd.s32 s5, s13;
	[sflag:s26] =	ssyncset.done $0x0  }
0x5a: {  	s7 =	sadd.s32 $0x9C0, s5;
	[sflag:s26] =	ssyncadd.s32 $0xFFFFC000  }
0x5b: {  	[tilespmem:s3], [sflag:$0x7] =	stream.linear.gather [hbm4b:s7+s3], $0x100, $0x38;
	[tilespmem:$0x1FF00] =	vst v63  }
0x5c: {  	_ =	swait.ge [sflag:s14], $0x100  }
0x5d: {  	[sflag:s14] =	ssyncset.done $0x0  }
0x5e: {  	[sflag:s14] =	ssyncadd.s32 $0xFFFFFF00  }
0x5f: {  	[tilespmem:s16], [sflag:$0x1] =	stream.indirect.gather [hbm4b:s4+s15], $0x80, s3, s15, $0xb8;
	[tilespmem:$0x1FF00] =	vst v63  }
0x60: {  	_ =	swait.ge [sflag:s28], $0x4000  }
0x61: {  	[sflag:s28] =	ssyncset.done $0x0  }
0x62: {  	[sflag:s28] =	ssyncadd.s32 $0xFFFFC000  }
0x63: {  	[spmem:s1] =	stream.indirect.scatter.add.f32 [tilespmem:s20], [sflag:$0x6], $0x80, s29, s15, $0xb8;
	[tilespmem:$0x1FF00] =	vst v63  }
0x64: {  	_ =	swait.ge [sflag:s30], $0x4000  }
0x65: {  	[sflag:s30] =	ssyncset.done $0x0  }
0x66: {  	s7 =	sadd.s32 $0x9E0, s5;
	[sflag:s30] =	ssyncadd.s32 $0xFFFFC000  }
0x67: {  	[tilespmem:s17], [sflag:$0x7] =	stream.linear.gather [hbm4b:s7+s3], $0x100, $0x38;
	[tilespmem:$0x1FF00] =	vst v63  }
0x68: {  	_ =	swait.ge [sflag:s14], $0x100  }
0x69: {  	[sflag:s14] =	ssyncset.done $0x0  }
0x6a: {  	[sflag:s14] =	ssyncadd.s32 $0xFFFFFF00  }
0x6b: {  	[tilespmem:s18], [sflag:$0x2] =	stream.indirect.gather [hbm4b:s4+s15], $0x80, s17, s15, $0xb8;
	[tilespmem:$0x1FF00] =	vst v63  }
0x6c: {  	_ =	swait.ge [sflag:s31], $0x4000  }
0x6d: {  	[sflag:s31] =	ssyncset.done $0x0  }
.Ltmp0:
0x6e: {  	s5 =	sadd.s32 $0xA00, s5;
	[sflag:s31] =	ssyncadd.s32 $0xFFFFC000;
	(pc) =	sbr.rel @p0 .LBB2_2-.Ltmp0, $4  }
0x6f: {  	[tilespmem:s19], [sflag:$0x7] =	stream.linear.gather [hbm4b:s5+s3], $0x100, $0x38;
	[tilespmem:$0x1FF00] =	vst v63  }
0x70: {  	_ =	swait.ge [sflag:s14], $0x100  }
0x71: {  	[sflag:s14] =	ssyncset.done $0x0  }
0x72: {  	[sflag:s14] =	ssyncadd.s32 $0xFFFFFF00  }
0x73: {  	[tilespmem:s20], [sflag:$0x3] =	stream.indirect.gather [hbm4b:s4+s15], $0x80, s19, s15, $0xb8;
	[tilespmem:$0x1FF00] =	vst v63  }
0x74: {  	_ =	swait.ge [sflag:s23], $0x4000  }
0x75: {  	[sflag:s23] =	ssyncset.done $0x0  }
0x76: {  	[sflag:s23] =	ssyncadd.s32 $0xFFFFC000  }
0x77: {  	[spmem:s1] =	stream.indirect.scatter.add.f32 [tilespmem:s16], [sflag:$0x4], $0x80, s15, s15, $0xb8;
	[tilespmem:$0x1FF00] =	vst v63  }
0x78: {  	_ =	swait.ge [sflag:s24], $0x4000  }
0x79: {  	[sflag:s24] =	ssyncset.done $0x0  }
0x7a: {  	[sflag:s24] =	ssyncadd.s32 $0xFFFFC000  }
0x7b: {  	[spmem:s1] =	stream.indirect.scatter.add.f32 [tilespmem:s18], [sflag:$0x5], $0x80, s25, s15, $0xb8;
	[tilespmem:$0x1FF00] =	vst v63  }
0x7c: {  	_ =	swait.ge [sflag:s26], $0x4000  }
0x7d: {  	[sflag:s26] =	ssyncset.done $0x0  }
0x7e: {  	[sflag:s26] =	ssyncadd.s32 $0xFFFFC000  }
0x7f: {  	[tilespmem:s3], [sflag:$0x7] =	stream.linear.gather [hbm4b:s11+s3], $0x100, $0x38;
	[tilespmem:$0x1FF00] =	vst v63  }
0x80: {  	_ =	swait.ge [sflag:s14], $0x100  }
0x81: {  	[sflag:s14] =	ssyncset.done $0x0  }
0x82: {  	[sflag:s14] =	ssyncadd.s32 $0xFFFFFF00  }
0x83: {  	[tilespmem:s16], [sflag:$0x1] =	stream.indirect.gather [hbm4b:s4+s15], $0x80, s3, s15, $0xb8;
	[tilespmem:$0x1FF00] =	vst v63  }
0x84: {  	_ =	swait.ge [sflag:s28], $0x4000  }
0x85: {  	[sflag:s28] =	ssyncset.done $0x0  }
0x86: {  	[sflag:s28] =	ssyncadd.s32 $0xFFFFC000  }
0x87: {  	[spmem:s1] =	stream.indirect.scatter.add.f32 [tilespmem:s20], [sflag:$0x6], $0x80, s29, s15, $0xb8;
	[tilespmem:$0x1FF00] =	vst v63  }
0x88: {  	_ =	swait.ge [sflag:s30], $0x4000  }
0x89: {  	[sflag:s30] =	ssyncset.done $0x0  }
0x8a: {  	[sflag:s30] =	ssyncadd.s32 $0xFFFFC000  }
0x8b: {  	[tilespmem:s17], [sflag:$0x7] =	stream.linear.gather [hbm4b:s12+s3], $0x100, $0x38;
	[tilespmem:$0x1FF00] =	vst v63  }
0x8c: {  	_ =	swait.ge [sflag:s14], $0x100  }
0x8d: {  	[sflag:s14] =	ssyncset.done $0x0  }
0x8e: {  	[sflag:s14] =	ssyncadd.s32 $0xFFFFFF00  }
0x8f: {  	[tilespmem:s18], [sflag:$0x2] =	stream.indirect.gather [hbm4b:s4+s15], $0x80, s17, s15, $0xb8;
	[tilespmem:$0x1FF00] =	vst v63  }
0x90: {  	_ =	swait.ge [sflag:s23], $0x4000  }
0x91: {  	[sflag:s23] =	ssyncset.done $0x0  }
0x92: {  	[sflag:s23] =	ssyncadd.s32 $0xFFFFC000  }
0x93: {  	[spmem:s1] =	stream.indirect.scatter.add.f32 [tilespmem:s16], [sflag:$0x4], $0x80, s15, s15, $0xb8;
	[tilespmem:$0x1FF00] =	vst v63  }
0x94: {  	_ =	swait.ge [sflag:s24], $0x4000  }
0x95: {  	[sflag:s24] =	ssyncset.done $0x0  }
0x96: {  	[sflag:s24] =	ssyncadd.s32 $0xFFFFC000  }
0x97: {  	[spmem:s1] =	stream.indirect.scatter.add.f32 [tilespmem:s18], [sflag:$0x5], $0x80, s25, s15, $0xb8;
	[tilespmem:$0x1FF00] =	vst v63  }
0x98: {  	_ =	swait.ge [sflag:s26], $0x4000  }
0x99: {  	[sflag:s26] =	ssyncset.done $0x0  }
0x9a: {  	[sflag:s26] =	ssyncadd.s32 $0xFFFFC000  }
0x9b: {  	_ =	swait.ge [sflag:s30], $0x4000  }
0x9c: {  	s0 =	sadd.s32 $0x1, s0;
	[sflag:s30] =	ssyncset.done $0x0  }
0x9d: {  	p0 =	sne.s32 s0, s10;
	[sflag:s30] =	ssyncadd.s32 $0xFFFFC000  }
.Ltmp1:
0x9e: {  	[bflag:$0x0] =	sbarrier.arrive $0xFFFF;
	(pc) =	sbr.rel @p0 .LBB2_1-.Ltmp1, $4  }
0x9f: {  	[hbm:s9], [sflag:s21] =	dma.local [spmem:s22], $0x2780  }
0xa0: {  	_ =	swait.ge [sflag:s14], $0x2780  }
0xa1: {  	[sflag:s14] =	ssyncset.done $0x0  }
0xa2: {  	[sflag:s14] =	ssyncadd.s32 $0xFFFFD880  }
0xa3: {  	_ =	sfence.sel $0x180000  }
0xa4: {  	[bflag:$0x0] =	sbarrier.arrive $0xFFFF  }
0xa5: {  	_ =	strace $0x9000004A  }
0xa6: {  	s0 =	stileid.u32;
	[bflag:$0x2] =	sbarrier.arrive $0xFFFF  }
0xa7: {  	p0 =	sne.s32 s0, $0x0;
	s0 =	rddreg [dreg:$0x2]  }
0xa8: {  	s0 =	sadd.s32 @!p0 $0x100000, s0  }
0xa9: {  	[sflag:s0] =	ssyncadd.tile.s32 @!p0 $0x1;
	_ =	shalt  }
.Lfunc_end2:
_tile_overlayer_lowered:
.L_overlay_start_2:
0xaa: {  	(tag) =	ssettag $0x2  }
0xab: {  	s0 =	rddreg [dreg:$0x0];
	s2 =	stileid.u32  }
0xac: {  	s1 =	rddreg [dreg:$0x1];
	p0 =	sne.s32 s2, $0x0  }
0xad: {  	s3 =	rddreg [dreg:$0x2];
	[bflag:$0x3] =	sbarrier.arrive $0xFFFF;
	s2 =	simm.s32 @!p0 $0x1C07  }
0xae: {  	[timem:s3], [sflag:s2] =	dma.local @!p0 [hbm:s0], s1  }
0xaf: {  	s0 =	simm.s32 @!p0 $0x7  }
0xb0: {  	_ =	swait.ge @!p0 [sflag:s0], s1  }
0xb1: {  	s1 =	ssub.s32 @!p0 $0x0, s1;
	[sflag:s0] =	ssyncset.done @!p0 $0x0  }
0xb2: {  	[sflag:s0] =	ssyncadd.s32 @!p0 s1  }
0xb3: {  	[bflag:$0x3] =	sbarrier.arrive $0xFFFF  }
0xb4: {  	_ =	shalt  }

// kernel: kernel.15.cloned.1.call-start
scs
__scs_entry_jumppad:
0x0: {  	(pc) =	sbr.rel $0x88, $3  }
0x1: {  	(tag) =	ssettag $0x0;
	lr =	simm.s32 $0x1  }
0x2: {  	[smem:$0x3F9A] =	sst lr;
	_ =	strace $0xD0000000  }
0x3: {  	_ = 	snop  }
0x4: {  	_ = 	snop  }
0x5: {  	_ = 	snop  }
0x6: {  	_ = 	snop  }
0x7: {  	_ = 	snop  }
__scs_overlays_trampoline_lowered:
0x8: {  	[smem:$0x3FA9] =	sst s0  }
0x9: {  	[smem:$0x3FAA] =	sst s1  }
0xa: {  	[smem:$0x3FAB] =	sst s2  }
0xb: {  	[smem:$0x3FAC] =	sst s3  }
0xc: {  	[smem:$0x3FAD] =	sst s4  }
0xd: {  	[smem:$0x3FAE] =	sst s5  }
0xe: {  	[smem:$0x3FAF] =	sst s6  }
0xf: {  	[smem:$0x3FB0] =	sst s7  }
0x10: {  	[smem:$0x3FB1] =	sst s8  }
0x11: {  	[smem:$0x3FB2] =	sst s9;
	s0 =	simm.s32 @!p0 $0x0  }
0x12: {  	s1 =	sld [smem:$0x3F98];
	s0 =	simm.s32 @p0 $0x1  }
0x13: {  	[smem:$0x3FB3] =	sst s0;
	s0 =	simm.s32 @!p1 $0x0  }
0x14: {  	s2 =	sld [smem:$0x3F97];
	s0 =	simm.s32 @p1 $0x1  }
0x15: {  	[smem:$0x3FB4] =	sst s0;
	s0 =	simm.s32 @!p2 $0x0  }
0x16: {  	s3 =	sld [smem:$0x3FDB];
	s0 =	simm.s32 @p2 $0x1  }
0x17: {  	s4 =	simm.s32 $0x1BF5;
	[smem:$0x3FB6] =	sst s0  }
0x18: {  	s0 =	sld [smem:$0x3F99];
	_ =	swait.ge [sflag:s4], $0x0  }
0x19: {  	s7 =	sld [smem:$0x3F9A]  }
0x1a: {  	s8 =	sadd.s32 $0xFFFFE003, lr  }
0x1b: {  	s9 =	sadd.s32 $0xFFFFFEF7, lr;
	s5 =	simm.s32 $0xFFFFFFFF;
	p2 =	slt.u32 s8, $0xFFFFF086  }
0x1c: {  	p1 =	slt.u32 s9, $0xF7A;
	s5 =	simm.s32 @!p2 $0x0  }
0x1d: {  	s5 =	simm.s32 @p1 $0x1;
	p0 =	seq.s32 s7, s2  }
0x1e: {  	s7 =	smul.u32 @!p0 $0xF7A, s2;
	p2 =	seq.s32 @!p0 s5, $0x0  }
0x1f: {  	s9 =	smul.u32 $0xF7A, s1;
	s8 =	simm.s32 @!p0 $0x1BF5;
	p2 =	por !p2, p0  }
0x20: {  	[sflag:s8] =	ssyncset.s32 @!p0 $0xFFFFF086;
	s6 =	sadd.s32 @!p0 s3, s7;
	s7 =	simm.s32 @!p0 $0x108  }
0x21: {  	s3 =	sadd.s32 s3, s9;
	s6 =	sadd.s32 @!p0 $0x88, s6;
	s7 =	simm.s32 @p2 $0x1082  }
0x22: {  	[simem:s7], [sflag:s8] =	dma.local @!p0 [hbm:s6], $0xF7A  }
0x23: {  	s9 =	sor.u32 $0xD0000000, s2;
	s6 =	simm.s32 $0x108;
	_ =	swait.ge @!p0 [sflag:s8], $0x0  }
0x24: {  	s3 =	sadd.s32 $0x88, s3;
	s6 =	simm.s32 @!p1 $0x1082;
	[sflag:s4] =	ssyncset.s32 $0xFFFFF086  }
0x25: {  	[simem:s6], [sflag:s4] =	dma.local [hbm:s3], $0xF7A  }
0x26: {  	[smem:$0x3F9A] =	sst s1;
	(tag) =	ssettag s2;
	_ =	strace s9  }
0x27: {  	s1 =	sld [smem:$0x3FAA]  }
0x28: {  	s2 =	sld [smem:$0x3FAB]  }
0x29: {  	s4 =	sld [smem:$0x3FAD]  }
0x2a: {  	p0 =	seq.s32 s5, $0x0;
	s5 =	sld [smem:$0x3FAE]  }
0x2b: {  	s6 =	sld [smem:$0x3FAF]  }
0x2c: {  	s7 =	sld [smem:$0x3FB0]  }
0x2d: {  	s3 =	simm.s32 $0x108;
	s8 =	sld [smem:$0x3FB1]  }
0x2e: {  	s3 =	simm.s32 @!p0 $0x1082;
	s9 =	sld [smem:$0x3FB2]  }
0x2f: {  	lr =	sadd.s32 s0, s3;
	s0 =	sld [smem:$0x3FA9]  }
0x30: {  	s3 =	sld [smem:$0x3FAC]  }
0x31: {  	[smem:$0x3FB5] =	sst s10  }
0x32: {  	s10 =	sld [smem:$0x3FB3];
	_ =	sdelay $0x3  }
0x33: {  	p0 =	seq.s32 s10, $0x1;
	s10 =	sld [smem:$0x3FB5];
	_ =	sdelay $0x3  }
0x34: {  	[smem:$0x3FB5] =	sst s10  }
0x35: {  	s10 =	sld [smem:$0x3FB4];
	_ =	sdelay $0x3  }
0x36: {  	p1 =	seq.s32 s10, $0x1;
	s10 =	sld [smem:$0x3FB5];
	_ =	sdelay $0x3  }
0x37: {  	[smem:$0x3FB5] =	sst s10  }
0x38: {  	s10 =	sld [smem:$0x3FB6]  }
0x39: {  	_ = 	snop;
	(pc) =	sbr.ind lr, $3  }
0x3a: {  	_ = 	snop  }
0x3b: {  	_ = 	snop  }
0x3c: {  	p2 =	seq.s32 s10, $0x1;
	s10 =	sld [smem:$0x3FB5]  }
0x3d: {  	_ =	shalt  }
0x3e: {  	_ =	shalt  }
0x3f: {  	_ =	shalt  }
0x40: {  	_ =	shalt  }
0x41: {  	_ =	shalt  }
0x42: {  	_ =	shalt  }
0x43: {  	_ =	shalt  }
0x44: {  	_ =	shalt  }
0x45: {  	_ =	shalt  }
0x46: {  	_ =	shalt  }
0x47: {  	_ =	shalt  }
0x48: {  	_ =	shalt  }
0x49: {  	_ =	shalt  }
0x4a: {  	_ =	shalt  }
0x4b: {  	_ =	shalt  }
0x4c: {  	_ =	shalt  }
0x4d: {  	_ =	shalt  }
0x4e: {  	_ =	shalt  }
0x4f: {  	_ =	shalt  }
0x50: {  	_ =	shalt  }
0x51: {  	_ =	shalt  }
0x52: {  	_ =	shalt  }
0x53: {  	_ =	shalt  }
0x54: {  	_ =	shalt  }
0x55: {  	_ =	shalt  }
0x56: {  	_ =	shalt  }
0x57: {  	_ =	shalt  }
0x58: {  	_ =	shalt  }
0x59: {  	_ =	shalt  }
0x5a: {  	_ =	shalt  }
0x5b: {  	_ =	shalt  }
0x5c: {  	_ =	shalt  }
0x5d: {  	_ =	shalt  }
0x5e: {  	_ =	shalt  }
0x5f: {  	_ =	shalt  }
0x60: {  	_ =	shalt  }
0x61: {  	_ =	shalt  }
0x62: {  	_ =	shalt  }
0x63: {  	_ =	shalt  }
0x64: {  	_ =	shalt  }
0x65: {  	_ =	shalt  }
0x66: {  	_ =	shalt  }
0x67: {  	_ =	shalt  }
0x68: {  	_ =	shalt  }
0x69: {  	_ =	shalt  }
0x6a: {  	_ =	shalt  }
0x6b: {  	_ =	shalt  }
0x6c: {  	_ =	shalt  }
0x6d: {  	_ =	shalt  }
0x6e: {  	_ =	shalt  }
0x6f: {  	_ =	shalt  }
0x70: {  	_ =	shalt  }
0x71: {  	_ =	shalt  }
0x72: {  	_ =	shalt  }
0x73: {  	_ =	shalt  }
0x74: {  	_ =	shalt  }
0x75: {  	_ =	shalt  }
0x76: {  	_ =	shalt  }
0x77: {  	_ =	shalt  }
0x78: {  	_ =	shalt  }
0x79: {  	_ =	shalt  }
0x7a: {  	_ =	shalt  }
0x7b: {  	_ =	shalt  }
0x7c: {  	_ =	shalt  }
0x7d: {  	_ =	shalt  }
0x7e: {  	_ =	shalt  }
0x7f: {  	_ =	shalt  }
0x80: {  	_ =	shalt  }
0x81: {  	_ =	shalt  }
0x82: {  	_ =	shalt  }
0x83: {  	_ =	shalt  }
0x84: {  	_ =	shalt  }
0x85: {  	_ =	shalt  }
0x86: {  	_ =	shalt  }
0x87: {  	_ =	shalt  }
.Lfunc_end0:
.L_simem_size_0:
called_computation.2_lowered:
.L_overlay_start_0:
0x88: {  	s2 =	sld [smem:$0x3FD9]  }
0x89: {  	s3 =	sld [smem:$0x3FFE];
	_ =	sdelay $0x1  }
0x8a: {  	s1 =	srdreg.scid  }
0x8b: {  	s0 =	sand.u32 $0x1, s1  }
0x8c: {  	s16 =	sshll.u32 s0, $0xA;
	s2 =	sadd.s32 s3, s2  }
0x8d: {  	s2 =	sadd.s32 s2, s16  }
0x8e: {  	[smem:$0x3FC1] =	sst s2  }
0x8f: {  	_ = 	snop  }
0x90: {  	(tm) =	ssettm $0x1  }
0x91: {  	s17 =	sld [smem:$0x3FFB];
	_ =	sdelay $0x3  }
0x92: {  	_ =	strace s17  }
0x93: {  	s2 =	sld [smem:$0x3FFC];
	_ =	sdelay $0x3  }
0x94: {  	_ =	strace s2  }
0x95: {  	s2 =	sld [smem:$0x3FFD];
	_ =	sdelay $0x3  }
0x96: {  	_ =	strace s2  }
0x97: {  	_ =	strace $0x8FFFFFFF  }
0x98: {  	s18 =	sld [smem:$0x3FDB];
	_ =	sdelay $0x1  }
0x99: {  	s19 =	simm.s32 $_scs_section_size  }
0x9a: {  	s4 =	simm.s32 $_size__tile_overlayer_lowered;
	s5 =	simm.s32 $_tile_overlayer_lowered  }
0x9b: {  	s22 =	simm.s32 $0x1BFF;
	s21 =	sshll.u32 s5, $0x1;
	s2 =	sadd.s32 s19, s18  }
0x9c: {  	s6 =	simm.s32 $0x0;
	s20 =	sshll.u32 s4, $0x1;
	s4 =	sadd.s32 s21, s2  }
0x9d: {  	[timem:s6], [sflag:s22] =	dma.local [hbm:s4], s20  }
0x9e: {  	_ =	swait.ge [sflag:s22], s20  }
0x9f: {  	s3 =	ssub.s32 $0x0, s20;
	[sflag:s22] =	ssyncset.done $0x0  }
0xa0: {  	[sflag:s22] =	ssyncadd.s32 s3;
	_ =	sdelay $0x1  }
0xa1: {  	s23 =	simm.s32 $0x1B8B  }
0xa2: {  	_ =	swait.ge [sflag:s23], $0x1  }
0xa3: {  	[sflag:s23] =	ssyncset.done $0x0  }
0xa4: {  	s25 =	simm.s32 $0x1B8E;
	s24 =	sld [smem:$0x3FFE];
	[sflag:s23] =	ssyncadd.s32 $0xFFFFFFFF  }
0xa5: {  	s26 =	simm.s32 $execute0_lowered;
	[smem:$0x3FD2] =	sst s25  }
0xa6: {  	s4 =	sshll.u32 s26, $0x1;
	_ =	strace $0x8000004C;
	[dreg:$0x1] =	wrdreg $0xFFFFFFFF  }
0xa7: {  	s28 =	simm.s32 $_size_execute0_lowered;
	s2 =	sadd.s32 s2, s4;
	[dreg:$0x0] =	wrdreg $0x0  }
0xa8: {  	s4 =	sshll.u32 s28, $0x1;
	[dreg:$0x2] =	wrdreg s2  }
0xa9: {  	[dreg:$0x3] =	wrdreg s4  }
0xaa: {  	[dreg:$0x4] =	wrdreg $0xC0  }
0xab: {  	_ =	task [dreg:s6], $0x5FFFF  }
0xac: {  	[dreg:$0x1] =	wrdreg $0xFFFFFFFF  }
0xad: {  	[dreg:$0x0] =	wrdreg $0x60  }
0xae: {  	[dreg:$0x2] =	wrdreg s24  }
0xaf: {  	[dreg:$0x3] =	wrdreg $0xC3000  }
0xb0: {  	[dreg:$0x4] =	wrdreg $0x9  }
0xb1: {  	_ =	task.clear_ibuf [dreg:s6], $0x5FFFF;
	_ =	strace $0x9000004C  }
0xb2: {  	s29 =	simm.s32 $0x9;
	_ =	strace $0x8000004E  }
0xb3: {  	_ =	swait.ge [sflag:s29], $0x1  }
0xb4: {  	[sflag:s29] =	ssyncadd.s32 $0xFFFFFFFF  }
0xb5: {  	_ =	strace $0x9000004E  }
0xb6: {  	_ =	sfence  }
0xb7: {  	s30 =	sld [smem:$0x0];
	_ =	sdelay $0x2  }
0xb8: {  	s31 =	sshll.u32 s1, $0xD;
	s1 =	sshrl.u32 s1, $0x2  }
0xb9: {  	s3 =	sand.u32 $0x4000, s31;
	s1 =	sadd.s32 s1, s30  }
0xba: {  	s0 =	sor.u32 s3, s0;
	s1 =	sshll.u32 s1, $0x11  }
0xbb: {  	s0 =	sor.u32 s1, s0  }
0xbc: {  	s0 =	sadd.s32 $0x8F2B, s0  }
0xbd: {  	[sflag:s0] =	ssyncadd.remote.s32 $0x1  }
0xbe: {  	_ =	sfence.sel $0xFFFF  }
0xbf: {  	[dreg:$0x0] =	wrdreg $0xFFFFFFFF;
	(pc) =	sbr.abs _section_cstart, $3  }
0xc0: {  	[dreg:$0x1] =	wrdreg $0xFFFFFFFF  }
0xc1: {  	_ =	task.clear_ibuf [dreg:s6], $0x2FFFF;
	_ =	strace $0x9FFFFFFF  }
0xc2: {  	(tm) =	ssettm $0x7FFFFFFF  }
0xc3: {  	_ =	shalt  }
tec
execute0_lowered:
.L_overlay_start_1:
0x0: {  	(tag) =	ssettag $0x1  }
0x1: {  	s0 =	rddreg [dreg:$0x0]  }
0x2: {  	s1 =	rddreg [dreg:$0x1];
	s2 =	srdreg.scid  }
0x3: {  	s3 =	simm.s32 $0x0;
	s20 =	stileid.u32;
	s14 =	simm.s32 $0x7  }
0x4: {  	s15 =	simm.s32 $0x80;
	s16 =	simm.s32 $0x300;
	s17 =	simm.s32 $0x100  }
0x5: {  	s18 =	simm.s32 $0x4300;
	s19 =	simm.s32 $0x200;
	s28 =	simm.s32 $0x3  }
0x6: {  	s29 =	simm.s32 $0x280;
	s30 =	simm.s32 $0x5;
	s31 =	simm.s32 $0x6  }
0x7: {  	s2 =	sand.u32 $0x1, s2;
	[smem:$0x7FF] =	sst s3;
	s6 =	smul.u32 $0x13C00, s20  }
0x8: {  	s4 =	sadd.s32 $0x16400, s0;
	s12 =	sadd.s32 $0x2400, s0;
	s11 =	smul.u32 $0x4F000, s20  }
0x9: {  	s22 =	sadd.s32 $0x3D600, s0;
	s25 =	smul.u32 $0xA00, s20;
	s26 =	sshll.u32 s20, $0x6  }
0xa: {  	s5 =	smul.u32 $0x13C000, s2;
	s7 =	sshll.u32 s2, $0x4;
	_ =	strace $0x8000004D  }
0xb: {  	[dreg:$0x3] =	wrdreg s22;
	s9 =	ssub.s32 $0x2, s2;
	s2 =	smul.u32 $0xA000, s2  }
0xc: {  	s21 =	sor.u32 $0x1C07, s26;
	s26 =	simm.s32 $0x4;
	s7 =	sor.u32 s20, s7  }
0xd: {  	s10 =	sshrl.u32 s9, $0x1;
	s24 =	sshrl.u32 s11, $0x2;
	s20 =	simm.s32 $0x8300  }
0xe: {  	s6 =	sadd.s32 s6, s5;
	s7 =	smul.u32 $0xA00, s7;
	s10 =	ssub.s32 s9, s10  }
0xf: {  	s22 =	sadd.s32 s24, s1;
	s2 =	sadd.s32 s2, s12;
	s24 =	simm.s32 $0x2  }
0x10: {  	s8 =	sshrl.u32 s6, $0x3;
	s10 =	smax.u32 s10, $0x1;
	s13 =	sadd.s32 s25, s2  }
0x11: {  	s22 =	sshrl.u32 s22, $0x3;
	s25 =	simm.s32 $0x180;
	s6 =	sadd.s32 s12, s7  }
0x12: {  	s0 =	sadd.s32 s8, s0;
	s23 =	sadd.s32 $0x20, s6;
	s8 =	sadd.s32 $0x40, s6  }
0x13: {  	s9 =	sadd.s32 $0x3FE00, s0;
	s11 =	sadd.s32 $0x9C0, s6;
	s12 =	sadd.s32 $0x9E0, s6  }
0x14: {  	s0 =	simm.s32 $0x0;
	[dreg:$0x4] =	wrdreg s23;
	s23 =	simm.s32 $0x1  }
.LBB2_1:
0x15: {  	[tilespmem:s3], [sflag:$0x7] =	stream.linear.gather [hbm4b:s6+s3], $0x100, $0x38;
	[tilespmem:$0x1FF00] =	vst v63  }
0x16: {  	_ =	swait.ge [sflag:s14], $0x100  }
0x17: {  	[sflag:s14] =	ssyncset.done $0x0  }
0x18: {  	[sflag:s14] =	ssyncadd.s32 $0xFFFFFF00  }
0x19: {  	[tilespmem:s16], [sflag:$0x1] =	stream.indirect.gather [hbm4b:s4+s15], $0x80, s3, s15, $0xb8;
	[tilespmem:$0x1FF00] =	vst v63  }
0x1a: {  	s2 =	rddreg [dreg:$0x4]  }
0x1b: {  	[tilespmem:s17], [sflag:$0x7] =	stream.linear.gather [hbm4b:s2+s3], $0x100, $0x38;
	[tilespmem:$0x1FF00] =	vst v63  }
0x1c: {  	_ =	swait.ge [sflag:s14], $0x100  }
0x1d: {  	[sflag:s14] =	ssyncset.done $0x0  }
0x1e: {  	[sflag:s14] =	ssyncadd.s32 $0xFFFFFF00  }
0x1f: {  	[tilespmem:s18], [sflag:$0x2] =	stream.indirect.gather [hbm4b:s4+s15], $0x80, s17, s15, $0xb8;
	[tilespmem:$0x1FF00] =	vst v63  }
0x20: {  	_ = 	snop  }
0x21: {  	[tilespmem:s19], [sflag:$0x7] =	stream.linear.gather [hbm4b:s8+s3], $0x100, $0x38;
	[tilespmem:$0x1FF00] =	vst v63  }
0x22: {  	_ =	swait.ge [sflag:s14], $0x100  }
0x23: {  	[sflag:s14] =	ssyncset.done $0x0  }
0x24: {  	s5 =	rddreg [dreg:$0x3];
	[sflag:s14] =	ssyncadd.s32 $0xFFFFFF00  }
0x25: {  	[tilespmem:s20], [sflag:$0x3] =	stream.indirect.gather [hbm4b:s4+s15], $0x80, s19, s15, $0xb8;
	[tilespmem:$0x1FF00] =	vst v63  }
0x26: {  	[spmem:s22], [sflag:s21] =	dma.local [hbm:s5], $0x2780  }
0x27: {  	_ =	swait.ge [sflag:s14], $0x2780  }
0x28: {  	[sflag:s14] =	ssyncset.done $0x0  }
0x29: {  	[sflag:s14] =	ssyncadd.s32 $0xFFFFD880  }
0x2a: {  	[bflag:$0x0] =	sbarrier.arrive $0xFFFF  }
0x2b: {  	_ =	swait.ge [sflag:s23], $0x4000  }
0x2c: {  	[sflag:s23] =	ssyncset.done $0x0  }
0x2d: {  	[sflag:s23] =	ssyncadd.s32 $0xFFFFC000  }
0x2e: {  	[spmem:s1] =	stream.indirect.scatter.add.f32 [tilespmem:s16], [sflag:$0x4], $0x80, s15, s15, $0xb8;
	[tilespmem:$0x1FF00] =	vst v63  }
0x2f: {  	_ =	swait.ge [sflag:s24], $0x4000  }
0x30: {  	[sflag:s24] =	ssyncset.done $0x0  }
0x31: {  	[sflag:s24] =	ssyncadd.s32 $0xFFFFC000  }
0x32: {  	[spmem:s1] =	stream.indirect.scatter.add.f32 [tilespmem:s18], [sflag:$0x5], $0x80, s25, s15, $0xb8;
	[tilespmem:$0x1FF00] =	vst v63  }
0x33: {  	_ =	swait.ge [sflag:s26], $0x4000  }
0x34: {  	s2 =	sadd.s32 $0xFFFFF6A0, s13;
	[sflag:s26] =	ssyncset.done $0x0  }
0x35: {  	s5 =	sadd.s32 $0x9C0, s2;
	[sflag:s26] =	ssyncadd.s32 $0xFFFFC000  }
0x36: {  	[tilespmem:s3], [sflag:$0x7] =	stream.linear.gather [hbm4b:s5+s3], $0x100, $0x38;
	[tilespmem:$0x1FF00] =	vst v63  }
0x37: {  	_ =	swait.ge [sflag:s14], $0x100  }
0x38: {  	[sflag:s14] =	ssyncset.done $0x0  }
0x39: {  	[sflag:s14] =	ssyncadd.s32 $0xFFFFFF00  }
0x3a: {  	[tilespmem:s16], [sflag:$0x1] =	stream.indirect.gather [hbm4b:s4+s15], $0x80, s3, s15, $0xb8;
	[tilespmem:$0x1FF00] =	vst v63  }
0x3b: {  	_ =	swait.ge [sflag:s28], $0x4000  }
0x3c: {  	[sflag:s28] =	ssyncset.done $0x0  }
0x3d: {  	[sflag:s28] =	ssyncadd.s32 $0xFFFFC000  }
0x3e: {  	[spmem:s1] =	stream.indirect.scatter.add.f32 [tilespmem:s20], [sflag:$0x6], $0x80, s29, s15, $0xb8;
	[tilespmem:$0x1FF00] =	vst v63  }
0x3f: {  	_ =	swait.ge [sflag:s30], $0x4000  }
0x40: {  	[sflag:s30] =	ssyncset.done $0x0  }
0x41: {  	s7 =	sadd.s32 $0x9E0, s2;
	[sflag:s30] =	ssyncadd.s32 $0xFFFFC000  }
0x42: {  	[tilespmem:s17], [sflag:$0x7] =	stream.linear.gather [hbm4b:s7+s3], $0x100, $0x38;
	[tilespmem:$0x1FF00] =	vst v63  }
0x43: {  	_ =	swait.ge [sflag:s14], $0x100  }
0x44: {  	[sflag:s14] =	ssyncset.done $0x0  }
0x45: {  	[sflag:s14] =	ssyncadd.s32 $0xFFFFFF00  }
0x46: {  	[tilespmem:s18], [sflag:$0x2] =	stream.indirect.gather [hbm4b:s4+s15], $0x80, s17, s15, $0xb8;
	[tilespmem:$0x1FF00] =	vst v63  }
0x47: {  	_ =	swait.ge [sflag:s31], $0x4000  }
0x48: {  	[sflag:s31] =	ssyncset.done $0x0  }
0x49: {  	s2 =	sadd.s32 $0xA00, s2;
	[sflag:s31] =	ssyncadd.s32 $0xFFFFC000  }
0x4a: {  	[tilespmem:s19], [sflag:$0x7] =	stream.linear.gather [hbm4b:s2+s3], $0x100, $0x38;
	[tilespmem:$0x1FF00] =	vst v63  }
0x4b: {  	_ =	swait.ge [sflag:s14], $0x100  }
0x4c: {  	[sflag:s14] =	ssyncset.done $0x0  }
0x4d: {  	s2 =	simm.s32 $0xFFFFF700;
	[sflag:s14] =	ssyncadd.s32 $0xFFFFFF00  }
.LBB2_2:
0x4e: {  	[tilespmem:s20], [sflag:$0x3] =	stream.indirect.gather [hbm4b:s4+s15], $0x80, s19, s15, $0xb8;
	[tilespmem:$0x1FF00] =	vst v63  }
0x4f: {  	s5 =	smov.u32 s2  }
0x50: {  	p0 =	sne.s32 s2, $0xFFFFFFA0;
	s2 =	sadd.s32 $0x60, s2;
	_ =	swait.ge [sflag:s23], $0x4000  }
0x51: {  	[sflag:s23] =	ssyncset.done $0x0  }
0x52: {  	[sflag:s23] =	ssyncadd.s32 $0xFFFFC000  }
0x53: {  	[spmem:s1] =	stream.indirect.scatter.add.f32 [tilespmem:s16], [sflag:$0x4], $0x80, s15, s15, $0xb8;
	[tilespmem:$0x1FF00] =	vst v63  }
0x54: {  	_ =	swait.ge [sflag:s24], $0x4000  }
0x55: {  	[sflag:s24] =	ssyncset.done $0x0  }
0x56: {  	[sflag:s24] =	ssyncadd.s32 $0xFFFFC000  }
0x57: {  	[spmem:s1] =	stream.indirect.scatter.add.f32 [tilespmem:s18], [sflag:$0x5], $0x80, s25, s15, $0xb8;
	[tilespmem:$0x1FF00] =	vst v63  }
0x58: {  	_ =	swait.ge [sflag:s26], $0x4000  }
0x59: {  	s5 =	sadd.s32 s5, s13;
	[sflag:s26] =	ssyncset.done $0x0  }
0x5a: {  	s7 =	sadd.s32 $0x9C0, s5;
	[sflag:s26] =	ssyncadd.s32 $0xFFFFC000  }
0x5b: {  	[tilespmem:s3], [sflag:$0x7] =	stream.linear.gather [hbm4b:s7+s3], $0x100, $0x38;
	[tilespmem:$0x1FF00] =	vst v63  }
0x5c: {  	_ =	swait.ge [sflag:s14], $0x100  }
0x5d: {  	[sflag:s14] =	ssyncset.done $0x0  }
0x5e: {  	[sflag:s14] =	ssyncadd.s32 $0xFFFFFF00  }
0x5f: {  	[tilespmem:s16], [sflag:$0x1] =	stream.indirect.gather [hbm4b:s4+s15], $0x80, s3, s15, $0xb8;
	[tilespmem:$0x1FF00] =	vst v63  }
0x60: {  	_ =	swait.ge [sflag:s28], $0x4000  }
0x61: {  	[sflag:s28] =	ssyncset.done $0x0  }
0x62: {  	[sflag:s28] =	ssyncadd.s32 $0xFFFFC000  }
0x63: {  	[spmem:s1] =	stream.indirect.scatter.add.f32 [tilespmem:s20], [sflag:$0x6], $0x80, s29, s15, $0xb8;
	[tilespmem:$0x1FF00] =	vst v63  }
0x64: {  	_ =	swait.ge [sflag:s30], $0x4000  }
0x65: {  	[sflag:s30] =	ssyncset.done $0x0  }
0x66: {  	s7 =	sadd.s32 $0x9E0, s5;
	[sflag:s30] =	ssyncadd.s32 $0xFFFFC000  }
0x67: {  	[tilespmem:s17], [sflag:$0x7] =	stream.linear.gather [hbm4b:s7+s3], $0x100, $0x38;
	[tilespmem:$0x1FF00] =	vst v63  }
0x68: {  	_ =	swait.ge [sflag:s14], $0x100  }
0x69: {  	[sflag:s14] =	ssyncset.done $0x0  }
0x6a: {  	[sflag:s14] =	ssyncadd.s32 $0xFFFFFF00  }
0x6b: {  	[tilespmem:s18], [sflag:$0x2] =	stream.indirect.gather [hbm4b:s4+s15], $0x80, s17, s15, $0xb8;
	[tilespmem:$0x1FF00] =	vst v63  }
0x6c: {  	_ =	swait.ge [sflag:s31], $0x4000  }
0x6d: {  	[sflag:s31] =	ssyncset.done $0x0  }
.Ltmp0:
0x6e: {  	s5 =	sadd.s32 $0xA00, s5;
	[sflag:s31] =	ssyncadd.s32 $0xFFFFC000;
	(pc) =	sbr.rel @p0 .LBB2_2-.Ltmp0, $4  }
0x6f: {  	[tilespmem:s19], [sflag:$0x7] =	stream.linear.gather [hbm4b:s5+s3], $0x100, $0x38;
	[tilespmem:$0x1FF00] =	vst v63  }
0x70: {  	_ =	swait.ge [sflag:s14], $0x100  }
0x71: {  	[sflag:s14] =	ssyncset.done $0x0  }
0x72: {  	[sflag:s14] =	ssyncadd.s32 $0xFFFFFF00  }
0x73: {  	[tilespmem:s20], [sflag:$0x3] =	stream.indirect.gather [hbm4b:s4+s15], $0x80, s19, s15, $0xb8;
	[tilespmem:$0x1FF00] =	vst v63  }
0x74: {  	_ =	swait.ge [sflag:s23], $0x4000  }
0x75: {  	[sflag:s23] =	ssyncset.done $0x0  }
0x76: {  	[sflag:s23] =	ssyncadd.s32 $0xFFFFC000  }
0x77: {  	[spmem:s1] =	stream.indirect.scatter.add.f32 [tilespmem:s16], [sflag:$0x4], $0x80, s15, s15, $0xb8;
	[tilespmem:$0x1FF00] =	vst v63  }
0x78: {  	_ =	swait.ge [sflag:s24], $0x4000  }
0x79: {  	[sflag:s24] =	ssyncset.done $0x0  }
0x7a: {  	[sflag:s24] =	ssyncadd.s32 $0xFFFFC000  }
0x7b: {  	[spmem:s1] =	stream.indirect.scatter.add.f32 [tilespmem:s18], [sflag:$0x5], $0x80, s25, s15, $0xb8;
	[tilespmem:$0x1FF00] =	vst v63  }
0x7c: {  	_ =	swait.ge [sflag:s26], $0x4000  }
0x7d: {  	[sflag:s26] =	ssyncset.done $0x0  }
0x7e: {  	[sflag:s26] =	ssyncadd.s32 $0xFFFFC000  }
0x7f: {  	[tilespmem:s3], [sflag:$0x7] =	stream.linear.gather [hbm4b:s11+s3], $0x100, $0x38;
	[tilespmem:$0x1FF00] =	vst v63  }
0x80: {  	_ =	swait.ge [sflag:s14], $0x100  }
0x81: {  	[sflag:s14] =	ssyncset.done $0x0  }
0x82: {  	[sflag:s14] =	ssyncadd.s32 $0xFFFFFF00  }
0x83: {  	[tilespmem:s16], [sflag:$0x1] =	stream.indirect.gather [hbm4b:s4+s15], $0x80, s3, s15, $0xb8;
	[tilespmem:$0x1FF00] =	vst v63  }
0x84: {  	_ =	swait.ge [sflag:s28], $0x4000  }
0x85: {  	[sflag:s28] =	ssyncset.done $0x0  }
0x86: {  	[sflag:s28] =	ssyncadd.s32 $0xFFFFC000  }
0x87: {  	[spmem:s1] =	stream.indirect.scatter.add.f32 [tilespmem:s20], [sflag:$0x6], $0x80, s29, s15, $0xb8;
	[tilespmem:$0x1FF00] =	vst v63  }
0x88: {  	_ =	swait.ge [sflag:s30], $0x4000  }
0x89: {  	[sflag:s30] =	ssyncset.done $0x0  }
0x8a: {  	[sflag:s30] =	ssyncadd.s32 $0xFFFFC000  }
0x8b: {  	[tilespmem:s17], [sflag:$0x7] =	stream.linear.gather [hbm4b:s12+s3], $0x100, $0x38;
	[tilespmem:$0x1FF00] =	vst v63  }
0x8c: {  	_ =	swait.ge [sflag:s14], $0x100  }
0x8d: {  	[sflag:s14] =	ssyncset.done $0x0  }
0x8e: {  	[sflag:s14] =	ssyncadd.s32 $0xFFFFFF00  }
0x8f: {  	[tilespmem:s18], [sflag:$0x2] =	stream.indirect.gather [hbm4b:s4+s15], $0x80, s17, s15, $0xb8;
	[tilespmem:$0x1FF00] =	vst v63  }
0x90: {  	_ =	swait.ge [sflag:s23], $0x4000  }
0x91: {  	[sflag:s23] =	ssyncset.done $0x0  }
0x92: {  	[sflag:s23] =	ssyncadd.s32 $0xFFFFC000  }
0x93: {  	[spmem:s1] =	stream.indirect.scatter.add.f32 [tilespmem:s16], [sflag:$0x4], $0x80, s15, s15, $0xb8;
	[tilespmem:$0x1FF00] =	vst v63  }
0x94: {  	_ =	swait.ge [sflag:s24], $0x4000  }
0x95: {  	[sflag:s24] =	ssyncset.done $0x0  }
0x96: {  	[sflag:s24] =	ssyncadd.s32 $0xFFFFC000  }
0x97: {  	[spmem:s1] =	stream.indirect.scatter.add.f32 [tilespmem:s18], [sflag:$0x5], $0x80, s25, s15, $0xb8;
	[tilespmem:$0x1FF00] =	vst v63  }
0x98: {  	_ =	swait.ge [sflag:s26], $0x4000  }
0x99: {  	[sflag:s26] =	ssyncset.done $0x0  }
0x9a: {  	[sflag:s26] =	ssyncadd.s32 $0xFFFFC000  }
0x9b: {  	_ =	swait.ge [sflag:s30], $0x4000  }
0x9c: {  	s0 =	sadd.s32 $0x1, s0;
	[sflag:s30] =	ssyncset.done $0x0  }
0x9d: {  	p0 =	sne.s32 s0, s10;
	[sflag:s30] =	ssyncadd.s32 $0xFFFFC000  }
.Ltmp1:
0x9e: {  	[bflag:$0x0] =	sbarrier.arrive $0xFFFF;
	(pc) =	sbr.rel @p0 .LBB2_1-.Ltmp1, $4  }
0x9f: {  	[hbm:s9], [sflag:s21] =	dma.local [spmem:s22], $0x2780  }
0xa0: {  	_ =	swait.ge [sflag:s14], $0x2780  }
0xa1: {  	[sflag:s14] =	ssyncset.done $0x0  }
0xa2: {  	[sflag:s14] =	ssyncadd.s32 $0xFFFFD880  }
0xa3: {  	_ =	sfence.sel $0x180000  }
0xa4: {  	[bflag:$0x0] =	sbarrier.arrive $0xFFFF  }
0xa5: {  	_ =	strace $0x9000004D  }
0xa6: {  	s0 =	stileid.u32;
	[bflag:$0x2] =	sbarrier.arrive $0xFFFF  }
0xa7: {  	p0 =	sne.s32 s0, $0x0;
	s0 =	rddreg [dreg:$0x2]  }
0xa8: {  	s0 =	sadd.s32 @!p0 $0x100000, s0  }
0xa9: {  	[sflag:s0] =	ssyncadd.tile.s32 @!p0 $0x1;
	_ =	shalt  }
.Lfunc_end2:
_tile_overlayer_lowered:
.L_overlay_start_2:
0xaa: {  	(tag) =	ssettag $0x2  }
0xab: {  	s0 =	rddreg [dreg:$0x0];
	s2 =	stileid.u32  }
0xac: {  	s1 =	rddreg [dreg:$0x1];
	p0 =	sne.s32 s2, $0x0  }
0xad: {  	s3 =	rddreg [dreg:$0x2];
	[bflag:$0x3] =	sbarrier.arrive $0xFFFF;
	s2 =	simm.s32 @!p0 $0x1C07  }
0xae: {  	[timem:s3], [sflag:s2] =	dma.local @!p0 [hbm:s0], s1  }
0xaf: {  	s0 =	simm.s32 @!p0 $0x7  }
0xb0: {  	_ =	swait.ge @!p0 [sflag:s0], s1  }
0xb1: {  	s1 =	ssub.s32 @!p0 $0x0, s1;
	[sflag:s0] =	ssyncset.done @!p0 $0x0  }
0xb2: {  	[sflag:s0] =	ssyncadd.s32 @!p0 s1  }
0xb3: {  	[bflag:$0x3] =	sbarrier.arrive $0xFFFF  }
0xb4: {  	_ =	shalt  }

// kernel: kernel.9.cloned.1.call-start
scs
__scs_entry_jumppad:
0x0: {  	(pc) =	sbr.rel $0x88, $3  }
0x1: {  	(tag) =	ssettag $0x0;
	lr =	simm.s32 $0x1  }
0x2: {  	[smem:$0x3F9A] =	sst lr;
	_ =	strace $0xD0000000  }
0x3: {  	_ = 	snop  }
0x4: {  	_ = 	snop  }
0x5: {  	_ = 	snop  }
0x6: {  	_ = 	snop  }
0x7: {  	_ = 	snop  }
__scs_overlays_trampoline_lowered:
0x8: {  	[smem:$0x3FA9] =	sst s0  }
0x9: {  	[smem:$0x3FAA] =	sst s1  }
0xa: {  	[smem:$0x3FAB] =	sst s2  }
0xb: {  	[smem:$0x3FAC] =	sst s3  }
0xc: {  	[smem:$0x3FAD] =	sst s4  }
0xd: {  	[smem:$0x3FAE] =	sst s5  }
0xe: {  	[smem:$0x3FAF] =	sst s6  }
0xf: {  	[smem:$0x3FB0] =	sst s7  }
0x10: {  	[smem:$0x3FB1] =	sst s8  }
0x11: {  	[smem:$0x3FB2] =	sst s9;
	s0 =	simm.s32 @!p0 $0x0  }
0x12: {  	s1 =	sld [smem:$0x3F98];
	s0 =	simm.s32 @p0 $0x1  }
0x13: {  	[smem:$0x3FB3] =	sst s0;
	s0 =	simm.s32 @!p1 $0x0  }
0x14: {  	s2 =	sld [smem:$0x3F97];
	s0 =	simm.s32 @p1 $0x1  }
0x15: {  	[smem:$0x3FB4] =	sst s0;
	s0 =	simm.s32 @!p2 $0x0  }
0x16: {  	s3 =	sld [smem:$0x3FDB];
	s0 =	simm.s32 @p2 $0x1  }
0x17: {  	s4 =	simm.s32 $0x1BF5;
	[smem:$0x3FB6] =	sst s0  }
0x18: {  	s0 =	sld [smem:$0x3F99];
	_ =	swait.ge [sflag:s4], $0x0  }
0x19: {  	s7 =	sld [smem:$0x3F9A]  }
0x1a: {  	s8 =	sadd.s32 $0xFFFFE003, lr  }
0x1b: {  	s9 =	sadd.s32 $0xFFFFFEF7, lr;
	s5 =	simm.s32 $0xFFFFFFFF;
	p2 =	slt.u32 s8, $0xFFFFF086  }
0x1c: {  	p1 =	slt.u32 s9, $0xF7A;
	s5 =	simm.s32 @!p2 $0x0  }
0x1d: {  	s5 =	simm.s32 @p1 $0x1;
	p0 =	seq.s32 s7, s2  }
0x1e: {  	s7 =	smul.u32 @!p0 $0xF7A, s2;
	p2 =	seq.s32 @!p0 s5, $0x0  }
0x1f: {  	s9 =	smul.u32 $0xF7A, s1;
	s8 =	simm.s32 @!p0 $0x1BF5;
	p2 =	por !p2, p0  }
0x20: {  	[sflag:s8] =	ssyncset.s32 @!p0 $0xFFFFF086;
	s6 =	sadd.s32 @!p0 s3, s7;
	s7 =	simm.s32 @!p0 $0x108  }
0x21: {  	s3 =	sadd.s32 s3, s9;
	s6 =	sadd.s32 @!p0 $0x88, s6;
	s7 =	simm.s32 @p2 $0x1082  }
0x22: {  	[simem:s7], [sflag:s8] =	dma.local @!p0 [hbm:s6], $0xF7A  }
0x23: {  	s9 =	sor.u32 $0xD0000000, s2;
	s6 =	simm.s32 $0x108;
	_ =	swait.ge @!p0 [sflag:s8], $0x0  }
0x24: {  	s3 =	sadd.s32 $0x88, s3;
	s6 =	simm.s32 @!p1 $0x1082;
	[sflag:s4] =	ssyncset.s32 $0xFFFFF086  }
0x25: {  	[simem:s6], [sflag:s4] =	dma.local [hbm:s3], $0xF7A  }
0x26: {  	[smem:$0x3F9A] =	sst s1;
	(tag) =	ssettag s2;
	_ =	strace s9  }
0x27: {  	s1 =	sld [smem:$0x3FAA]  }
0x28: {  	s2 =	sld [smem:$0x3FAB]  }
0x29: {  	s4 =	sld [smem:$0x3FAD]  }
0x2a: {  	p0 =	seq.s32 s5, $0x0;
	s5 =	sld [smem:$0x3FAE]  }
0x2b: {  	s6 =	sld [smem:$0x3FAF]  }
0x2c: {  	s7 =	sld [smem:$0x3FB0]  }
0x2d: {  	s3 =	simm.s32 $0x108;
	s8 =	sld [smem:$0x3FB1]  }
0x2e: {  	s3 =	simm.s32 @!p0 $0x1082;
	s9 =	sld [smem:$0x3FB2]  }
0x2f: {  	lr =	sadd.s32 s0, s3;
	s0 =	sld [smem:$0x3FA9]  }
0x30: {  	s3 =	sld [smem:$0x3FAC]  }
0x31: {  	[smem:$0x3FB5] =	sst s10  }
0x32: {  	s10 =	sld [smem:$0x3FB3];
	_ =	sdelay $0x3  }
0x33: {  	p0 =	seq.s32 s10, $0x1;
	s10 =	sld [smem:$0x3FB5];
	_ =	sdelay $0x3  }
0x34: {  	[smem:$0x3FB5] =	sst s10  }
0x35: {  	s10 =	sld [smem:$0x3FB4];
	_ =	sdelay $0x3  }
0x36: {  	p1 =	seq.s32 s10, $0x1;
	s10 =	sld [smem:$0x3FB5];
	_ =	sdelay $0x3  }
0x37: {  	[smem:$0x3FB5] =	sst s10  }
0x38: {  	s10 =	sld [smem:$0x3FB6]  }
0x39: {  	_ = 	snop;
	(pc) =	sbr.ind lr, $3  }
0x3a: {  	_ = 	snop  }
0x3b: {  	_ = 	snop  }
0x3c: {  	p2 =	seq.s32 s10, $0x1;
	s10 =	sld [smem:$0x3FB5]  }
0x3d: {  	_ =	shalt  }
0x3e: {  	_ =	shalt  }
0x3f: {  	_ =	shalt  }
0x40: {  	_ =	shalt  }
0x41: {  	_ =	shalt  }
0x42: {  	_ =	shalt  }
0x43: {  	_ =	shalt  }
0x44: {  	_ =	shalt  }
0x45: {  	_ =	shalt  }
0x46: {  	_ =	shalt  }
0x47: {  	_ =	shalt  }
0x48: {  	_ =	shalt  }
0x49: {  	_ =	shalt  }
0x4a: {  	_ =	shalt  }
0x4b: {  	_ =	shalt  }
0x4c: {  	_ =	shalt  }
0x4d: {  	_ =	shalt  }
0x4e: {  	_ =	shalt  }
0x4f: {  	_ =	shalt  }
0x50: {  	_ =	shalt  }
0x51: {  	_ =	shalt  }
0x52: {  	_ =	shalt  }
0x53: {  	_ =	shalt  }
0x54: {  	_ =	shalt  }
0x55: {  	_ =	shalt  }
0x56: {  	_ =	shalt  }
0x57: {  	_ =	shalt  }
0x58: {  	_ =	shalt  }
0x59: {  	_ =	shalt  }
0x5a: {  	_ =	shalt  }
0x5b: {  	_ =	shalt  }
0x5c: {  	_ =	shalt  }
0x5d: {  	_ =	shalt  }
0x5e: {  	_ =	shalt  }
0x5f: {  	_ =	shalt  }
0x60: {  	_ =	shalt  }
0x61: {  	_ =	shalt  }
0x62: {  	_ =	shalt  }
0x63: {  	_ =	shalt  }
0x64: {  	_ =	shalt  }
0x65: {  	_ =	shalt  }
0x66: {  	_ =	shalt  }
0x67: {  	_ =	shalt  }
0x68: {  	_ =	shalt  }
0x69: {  	_ =	shalt  }
0x6a: {  	_ =	shalt  }
0x6b: {  	_ =	shalt  }
0x6c: {  	_ =	shalt  }
0x6d: {  	_ =	shalt  }
0x6e: {  	_ =	shalt  }
0x6f: {  	_ =	shalt  }
0x70: {  	_ =	shalt  }
0x71: {  	_ =	shalt  }
0x72: {  	_ =	shalt  }
0x73: {  	_ =	shalt  }
0x74: {  	_ =	shalt  }
0x75: {  	_ =	shalt  }
0x76: {  	_ =	shalt  }
0x77: {  	_ =	shalt  }
0x78: {  	_ =	shalt  }
0x79: {  	_ =	shalt  }
0x7a: {  	_ =	shalt  }
0x7b: {  	_ =	shalt  }
0x7c: {  	_ =	shalt  }
0x7d: {  	_ =	shalt  }
0x7e: {  	_ =	shalt  }
0x7f: {  	_ =	shalt  }
0x80: {  	_ =	shalt  }
0x81: {  	_ =	shalt  }
0x82: {  	_ =	shalt  }
0x83: {  	_ =	shalt  }
0x84: {  	_ =	shalt  }
0x85: {  	_ =	shalt  }
0x86: {  	_ =	shalt  }
0x87: {  	_ =	shalt  }
.Lfunc_end0:
.L_simem_size_0:
called_computation_lowered:
.L_overlay_start_0:
0x88: {  	s2 =	sld [smem:$0x3FD9]  }
0x89: {  	s3 =	sld [smem:$0x3FFE];
	_ =	sdelay $0x1  }
0x8a: {  	s1 =	srdreg.scid  }
0x8b: {  	s0 =	sand.u32 $0x1, s1  }
0x8c: {  	s16 =	sshll.u32 s0, $0xA;
	s2 =	sadd.s32 s3, s2  }
0x8d: {  	s2 =	sadd.s32 s2, s16  }
0x8e: {  	[smem:$0x3FC1] =	sst s2  }
0x8f: {  	_ = 	snop  }
0x90: {  	(tm) =	ssettm $0x1  }
0x91: {  	s17 =	sld [smem:$0x3FFB];
	_ =	sdelay $0x3  }
0x92: {  	_ =	strace s17  }
0x93: {  	s2 =	sld [smem:$0x3FFC];
	_ =	sdelay $0x3  }
0x94: {  	_ =	strace s2  }
0x95: {  	s2 =	sld [smem:$0x3FFD];
	_ =	sdelay $0x3  }
0x96: {  	_ =	strace s2  }
0x97: {  	_ =	strace $0x8FFFFFFF  }
0x98: {  	s18 =	sld [smem:$0x3FDB];
	_ =	sdelay $0x1  }
0x99: {  	s19 =	simm.s32 $_scs_section_size  }
0x9a: {  	s4 =	simm.s32 $_size__tile_overlayer_lowered;
	s5 =	simm.s32 $_tile_overlayer_lowered  }
0x9b: {  	s22 =	simm.s32 $0x1BFF;
	s21 =	sshll.u32 s5, $0x1;
	s2 =	sadd.s32 s19, s18  }
0x9c: {  	s6 =	simm.s32 $0x0;
	s20 =	sshll.u32 s4, $0x1;
	s4 =	sadd.s32 s21, s2  }
0x9d: {  	[timem:s6], [sflag:s22] =	dma.local [hbm:s4], s20  }
0x9e: {  	_ =	swait.ge [sflag:s22], s20  }
0x9f: {  	s3 =	ssub.s32 $0x0, s20;
	[sflag:s22] =	ssyncset.done $0x0  }
0xa0: {  	[sflag:s22] =	ssyncadd.s32 s3;
	_ =	sdelay $0x1  }
0xa1: {  	s23 =	simm.s32 $0x1B8B  }
0xa2: {  	_ =	swait.ge [sflag:s23], $0x1  }
0xa3: {  	[sflag:s23] =	ssyncset.done $0x0  }
0xa4: {  	s25 =	simm.s32 $0x1B8E;
	s24 =	sld [smem:$0x3FFE];
	[sflag:s23] =	ssyncadd.s32 $0xFFFFFFFF  }
0xa5: {  	s26 =	simm.s32 $execute0_lowered;
	[smem:$0x3FD2] =	sst s25  }
0xa6: {  	s4 =	sshll.u32 s26, $0x1;
	_ =	strace $0x80000046;
	[dreg:$0x1] =	wrdreg $0xFFFFFFFF  }
0xa7: {  	s28 =	simm.s32 $_size_execute0_lowered;
	s2 =	sadd.s32 s2, s4;
	[dreg:$0x0] =	wrdreg $0x0  }
0xa8: {  	s4 =	sshll.u32 s28, $0x1;
	[dreg:$0x2] =	wrdreg s2  }
0xa9: {  	[dreg:$0x3] =	wrdreg s4  }
0xaa: {  	[dreg:$0x4] =	wrdreg $0xC0  }
0xab: {  	_ =	task [dreg:s6], $0x5FFFF  }
0xac: {  	[dreg:$0x1] =	wrdreg $0xFFFFFFFF  }
0xad: {  	[dreg:$0x0] =	wrdreg $0x60  }
0xae: {  	[dreg:$0x2] =	wrdreg s24  }
0xaf: {  	[dreg:$0x3] =	wrdreg $0xC3000  }
0xb0: {  	[dreg:$0x4] =	wrdreg $0x9  }
0xb1: {  	_ =	task.clear_ibuf [dreg:s6], $0x5FFFF;
	_ =	strace $0x90000046  }
0xb2: {  	s29 =	simm.s32 $0x9;
	_ =	strace $0x80000048  }
0xb3: {  	_ =	swait.ge [sflag:s29], $0x1  }
0xb4: {  	[sflag:s29] =	ssyncadd.s32 $0xFFFFFFFF  }
0xb5: {  	_ =	strace $0x90000048  }
0xb6: {  	_ =	sfence  }
0xb7: {  	s30 =	sld [smem:$0x0];
	_ =	sdelay $0x2  }
0xb8: {  	s31 =	sshll.u32 s1, $0xD;
	s1 =	sshrl.u32 s1, $0x2  }
0xb9: {  	s3 =	sand.u32 $0x4000, s31;
	s1 =	sadd.s32 s1, s30  }
0xba: {  	s0 =	sor.u32 s3, s0;
	s1 =	sshll.u32 s1, $0x11  }
0xbb: {  	s0 =	sor.u32 s1, s0  }
0xbc: {  	s0 =	sadd.s32 $0x8F2B, s0  }
0xbd: {  	[sflag:s0] =	ssyncadd.remote.s32 $0x1  }
0xbe: {  	_ =	sfence.sel $0xFFFF  }
0xbf: {  	[dreg:$0x0] =	wrdreg $0xFFFFFFFF;
	(pc) =	sbr.abs _section_cstart, $3  }
0xc0: {  	[dreg:$0x1] =	wrdreg $0xFFFFFFFF  }
0xc1: {  	_ =	task.clear_ibuf [dreg:s6], $0x2FFFF;
	_ =	strace $0x9FFFFFFF  }
0xc2: {  	(tm) =	ssettm $0x7FFFFFFF  }
0xc3: {  	_ =	shalt  }
tec
execute0_lowered:
.L_overlay_start_1:
0x0: {  	(tag) =	ssettag $0x1  }
0x1: {  	s0 =	rddreg [dreg:$0x0]  }
0x2: {  	s1 =	rddreg [dreg:$0x1];
	s2 =	srdreg.scid  }
0x3: {  	s3 =	simm.s32 $0x0;
	s20 =	stileid.u32;
	s14 =	simm.s32 $0x7  }
0x4: {  	s15 =	simm.s32 $0x80;
	s16 =	simm.s32 $0x300;
	s17 =	simm.s32 $0x100  }
0x5: {  	s18 =	simm.s32 $0x4300;
	s19 =	simm.s32 $0x200;
	s28 =	simm.s32 $0x3  }
0x6: {  	s29 =	simm.s32 $0x280;
	s30 =	simm.s32 $0x5;
	s31 =	simm.s32 $0x6  }
0x7: {  	s2 =	sand.u32 $0x1, s2;
	[smem:$0x7FF] =	sst s3;
	s6 =	smul.u32 $0x13C00, s20  }
0x8: {  	s4 =	sadd.s32 $0x16400, s0;
	s12 =	sadd.s32 $0x2400, s0;
	s11 =	smul.u32 $0x4F000, s20  }
0x9: {  	s22 =	sadd.s32 $0x3D600, s0;
	s25 =	smul.u32 $0xA00, s20;
	s26 =	sshll.u32 s20, $0x6  }
0xa: {  	s5 =	smul.u32 $0x13C000, s2;
	s7 =	sshll.u32 s2, $0x4;
	_ =	strace $0x80000047  }
0xb: {  	[dreg:$0x3] =	wrdreg s22;
	s9 =	ssub.s32 $0x2, s2;
	s2 =	smul.u32 $0xA000, s2  }
0xc: {  	s21 =	sor.u32 $0x1C07, s26;
	s26 =	simm.s32 $0x4;
	s7 =	sor.u32 s20, s7  }
0xd: {  	s10 =	sshrl.u32 s9, $0x1;
	s24 =	sshrl.u32 s11, $0x2;
	s20 =	simm.s32 $0x8300  }
0xe: {  	s6 =	sadd.s32 s6, s5;
	s7 =	smul.u32 $0xA00, s7;
	s10 =	ssub.s32 s9, s10  }
0xf: {  	s22 =	sadd.s32 s24, s1;
	s2 =	sadd.s32 s2, s12;
	s24 =	simm.s32 $0x2  }
0x10: {  	s8 =	sshrl.u32 s6, $0x3;
	s10 =	smax.u32 s10, $0x1;
	s13 =	sadd.s32 s25, s2  }
0x11: {  	s22 =	sshrl.u32 s22, $0x3;
	s25 =	simm.s32 $0x180;
	s6 =	sadd.s32 s12, s7  }
0x12: {  	s0 =	sadd.s32 s8, s0;
	s23 =	sadd.s32 $0x20, s6;
	s8 =	sadd.s32 $0x40, s6  }
0x13: {  	s9 =	sadd.s32 $0x3FE00, s0;
	s11 =	sadd.s32 $0x9C0, s6;
	s12 =	sadd.s32 $0x9E0, s6  }
0x14: {  	s0 =	simm.s32 $0x0;
	[dreg:$0x4] =	wrdreg s23;
	s23 =	simm.s32 $0x1  }
.LBB2_1:
0x15: {  	[tilespmem:s3], [sflag:$0x7] =	stream.linear.gather [hbm4b:s6+s3], $0x100, $0x38;
	[tilespmem:$0x1FF00] =	vst v63  }
0x16: {  	_ =	swait.ge [sflag:s14], $0x100  }
0x17: {  	[sflag:s14] =	ssyncset.done $0x0  }
0x18: {  	[sflag:s14] =	ssyncadd.s32 $0xFFFFFF00  }
0x19: {  	[tilespmem:s16], [sflag:$0x1] =	stream.indirect.gather [hbm4b:s4+s15], $0x80, s3, s15, $0xb8;
	[tilespmem:$0x1FF00] =	vst v63  }
0x1a: {  	s2 =	rddreg [dreg:$0x4]  }
0x1b: {  	[tilespmem:s17], [sflag:$0x7] =	stream.linear.gather [hbm4b:s2+s3], $0x100, $0x38;
	[tilespmem:$0x1FF00] =	vst v63  }
0x1c: {  	_ =	swait.ge [sflag:s14], $0x100  }
0x1d: {  	[sflag:s14] =	ssyncset.done $0x0  }
0x1e: {  	[sflag:s14] =	ssyncadd.s32 $0xFFFFFF00  }
0x1f: {  	[tilespmem:s18], [sflag:$0x2] =	stream.indirect.gather [hbm4b:s4+s15], $0x80, s17, s15, $0xb8;
	[tilespmem:$0x1FF00] =	vst v63  }
0x20: {  	_ = 	snop  }
0x21: {  	[tilespmem:s19], [sflag:$0x7] =	stream.linear.gather [hbm4b:s8+s3], $0x100, $0x38;
	[tilespmem:$0x1FF00] =	vst v63  }
0x22: {  	_ =	swait.ge [sflag:s14], $0x100  }
0x23: {  	[sflag:s14] =	ssyncset.done $0x0  }
0x24: {  	s5 =	rddreg [dreg:$0x3];
	[sflag:s14] =	ssyncadd.s32 $0xFFFFFF00  }
0x25: {  	[tilespmem:s20], [sflag:$0x3] =	stream.indirect.gather [hbm4b:s4+s15], $0x80, s19, s15, $0xb8;
	[tilespmem:$0x1FF00] =	vst v63  }
0x26: {  	[spmem:s22], [sflag:s21] =	dma.local [hbm:s5], $0x2780  }
0x27: {  	_ =	swait.ge [sflag:s14], $0x2780  }
0x28: {  	[sflag:s14] =	ssyncset.done $0x0  }
0x29: {  	[sflag:s14] =	ssyncadd.s32 $0xFFFFD880  }
0x2a: {  	[bflag:$0x0] =	sbarrier.arrive $0xFFFF  }
0x2b: {  	_ =	swait.ge [sflag:s23], $0x4000  }
0x2c: {  	[sflag:s23] =	ssyncset.done $0x0  }
0x2d: {  	[sflag:s23] =	ssyncadd.s32 $0xFFFFC000  }
0x2e: {  	[spmem:s1] =	stream.indirect.scatter.add.f32 [tilespmem:s16], [sflag:$0x4], $0x80, s15, s15, $0xb8;
	[tilespmem:$0x1FF00] =	vst v63  }
0x2f: {  	_ =	swait.ge [sflag:s24], $0x4000  }
0x30: {  	[sflag:s24] =	ssyncset.done $0x0  }
0x31: {  	[sflag:s24] =	ssyncadd.s32 $0xFFFFC000  }
0x32: {  	[spmem:s1] =	stream.indirect.scatter.add.f32 [tilespmem:s18], [sflag:$0x5], $0x80, s25, s15, $0xb8;
	[tilespmem:$0x1FF00] =	vst v63  }
0x33: {  	_ =	swait.ge [sflag:s26], $0x4000  }
0x34: {  	s2 =	sadd.s32 $0xFFFFF6A0, s13;
	[sflag:s26] =	ssyncset.done $0x0  }
0x35: {  	s5 =	sadd.s32 $0x9C0, s2;
	[sflag:s26] =	ssyncadd.s32 $0xFFFFC000  }
0x36: {  	[tilespmem:s3], [sflag:$0x7] =	stream.linear.gather [hbm4b:s5+s3], $0x100, $0x38;
	[tilespmem:$0x1FF00] =	vst v63  }
0x37: {  	_ =	swait.ge [sflag:s14], $0x100  }
0x38: {  	[sflag:s14] =	ssyncset.done $0x0  }
0x39: {  	[sflag:s14] =	ssyncadd.s32 $0xFFFFFF00  }
0x3a: {  	[tilespmem:s16], [sflag:$0x1] =	stream.indirect.gather [hbm4b:s4+s15], $0x80, s3, s15, $0xb8;
	[tilespmem:$0x1FF00] =	vst v63  }
0x3b: {  	_ =	swait.ge [sflag:s28], $0x4000  }
0x3c: {  	[sflag:s28] =	ssyncset.done $0x0  }
0x3d: {  	[sflag:s28] =	ssyncadd.s32 $0xFFFFC000  }
0x3e: {  	[spmem:s1] =	stream.indirect.scatter.add.f32 [tilespmem:s20], [sflag:$0x6], $0x80, s29, s15, $0xb8;
	[tilespmem:$0x1FF00] =	vst v63  }
0x3f: {  	_ =	swait.ge [sflag:s30], $0x4000  }
0x40: {  	[sflag:s30] =	ssyncset.done $0x0  }
0x41: {  	s7 =	sadd.s32 $0x9E0, s2;
	[sflag:s30] =	ssyncadd.s32 $0xFFFFC000  }
0x42: {  	[tilespmem:s17], [sflag:$0x7] =	stream.linear.gather [hbm4b:s7+s3], $0x100, $0x38;
	[tilespmem:$0x1FF00] =	vst v63  }
0x43: {  	_ =	swait.ge [sflag:s14], $0x100  }
0x44: {  	[sflag:s14] =	ssyncset.done $0x0  }
0x45: {  	[sflag:s14] =	ssyncadd.s32 $0xFFFFFF00  }
0x46: {  	[tilespmem:s18], [sflag:$0x2] =	stream.indirect.gather [hbm4b:s4+s15], $0x80, s17, s15, $0xb8;
	[tilespmem:$0x1FF00] =	vst v63  }
0x47: {  	_ =	swait.ge [sflag:s31], $0x4000  }
0x48: {  	[sflag:s31] =	ssyncset.done $0x0  }
0x49: {  	s2 =	sadd.s32 $0xA00, s2;
	[sflag:s31] =	ssyncadd.s32 $0xFFFFC000  }
0x4a: {  	[tilespmem:s19], [sflag:$0x7] =	stream.linear.gather [hbm4b:s2+s3], $0x100, $0x38;
	[tilespmem:$0x1FF00] =	vst v63  }
0x4b: {  	_ =	swait.ge [sflag:s14], $0x100  }
0x4c: {  	[sflag:s14] =	ssyncset.done $0x0  }
0x4d: {  	s2 =	simm.s32 $0xFFFFF700;
	[sflag:s14] =	ssyncadd.s32 $0xFFFFFF00  }
.LBB2_2:
0x4e: {  	[tilespmem:s20], [sflag:$0x3] =	stream.indirect.gather [hbm4b:s4+s15], $0x80, s19, s15, $0xb8;
	[tilespmem:$0x1FF00] =	vst v63  }
0x4f: {  	s5 =	smov.u32 s2  }
0x50: {  	p0 =	sne.s32 s2, $0xFFFFFFA0;
	s2 =	sadd.s32 $0x60, s2;
	_ =	swait.ge [sflag:s23], $0x4000  }
0x51: {  	[sflag:s23] =	ssyncset.done $0x0  }
0x52: {  	[sflag:s23] =	ssyncadd.s32 $0xFFFFC000  }
0x53: {  	[spmem:s1] =	stream.indirect.scatter.add.f32 [tilespmem:s16], [sflag:$0x4], $0x80, s15, s15, $0xb8;
	[tilespmem:$0x1FF00] =	vst v63  }
0x54: {  	_ =	swait.ge [sflag:s24], $0x4000  }
0x55: {  	[sflag:s24] =	ssyncset.done $0x0  }
0x56: {  	[sflag:s24] =	ssyncadd.s32 $0xFFFFC000  }
0x57: {  	[spmem:s1] =	stream.indirect.scatter.add.f32 [tilespmem:s18], [sflag:$0x5], $0x80, s25, s15, $0xb8;
	[tilespmem:$0x1FF00] =	vst v63  }
0x58: {  	_ =	swait.ge [sflag:s26], $0x4000  }
0x59: {  	s5 =	sadd.s32 s5, s13;
	[sflag:s26] =	ssyncset.done $0x0  }
0x5a: {  	s7 =	sadd.s32 $0x9C0, s5;
	[sflag:s26] =	ssyncadd.s32 $0xFFFFC000  }
0x5b: {  	[tilespmem:s3], [sflag:$0x7] =	stream.linear.gather [hbm4b:s7+s3], $0x100, $0x38;
	[tilespmem:$0x1FF00] =	vst v63  }
0x5c: {  	_ =	swait.ge [sflag:s14], $0x100  }
0x5d: {  	[sflag:s14] =	ssyncset.done $0x0  }
0x5e: {  	[sflag:s14] =	ssyncadd.s32 $0xFFFFFF00  }
0x5f: {  	[tilespmem:s16], [sflag:$0x1] =	stream.indirect.gather [hbm4b:s4+s15], $0x80, s3, s15, $0xb8;
	[tilespmem:$0x1FF00] =	vst v63  }
0x60: {  	_ =	swait.ge [sflag:s28], $0x4000  }
0x61: {  	[sflag:s28] =	ssyncset.done $0x0  }
0x62: {  	[sflag:s28] =	ssyncadd.s32 $0xFFFFC000  }
0x63: {  	[spmem:s1] =	stream.indirect.scatter.add.f32 [tilespmem:s20], [sflag:$0x6], $0x80, s29, s15, $0xb8;
	[tilespmem:$0x1FF00] =	vst v63  }
0x64: {  	_ =	swait.ge [sflag:s30], $0x4000  }
0x65: {  	[sflag:s30] =	ssyncset.done $0x0  }
0x66: {  	s7 =	sadd.s32 $0x9E0, s5;
	[sflag:s30] =	ssyncadd.s32 $0xFFFFC000  }
0x67: {  	[tilespmem:s17], [sflag:$0x7] =	stream.linear.gather [hbm4b:s7+s3], $0x100, $0x38;
	[tilespmem:$0x1FF00] =	vst v63  }
0x68: {  	_ =	swait.ge [sflag:s14], $0x100  }
0x69: {  	[sflag:s14] =	ssyncset.done $0x0  }
0x6a: {  	[sflag:s14] =	ssyncadd.s32 $0xFFFFFF00  }
0x6b: {  	[tilespmem:s18], [sflag:$0x2] =	stream.indirect.gather [hbm4b:s4+s15], $0x80, s17, s15, $0xb8;
	[tilespmem:$0x1FF00] =	vst v63  }
0x6c: {  	_ =	swait.ge [sflag:s31], $0x4000  }
0x6d: {  	[sflag:s31] =	ssyncset.done $0x0  }
.Ltmp0:
0x6e: {  	s5 =	sadd.s32 $0xA00, s5;
	[sflag:s31] =	ssyncadd.s32 $0xFFFFC000;
	(pc) =	sbr.rel @p0 .LBB2_2-.Ltmp0, $4  }
0x6f: {  	[tilespmem:s19], [sflag:$0x7] =	stream.linear.gather [hbm4b:s5+s3], $0x100, $0x38;
	[tilespmem:$0x1FF00] =	vst v63  }
0x70: {  	_ =	swait.ge [sflag:s14], $0x100  }
0x71: {  	[sflag:s14] =	ssyncset.done $0x0  }
0x72: {  	[sflag:s14] =	ssyncadd.s32 $0xFFFFFF00  }
0x73: {  	[tilespmem:s20], [sflag:$0x3] =	stream.indirect.gather [hbm4b:s4+s15], $0x80, s19, s15, $0xb8;
	[tilespmem:$0x1FF00] =	vst v63  }
0x74: {  	_ =	swait.ge [sflag:s23], $0x4000  }
0x75: {  	[sflag:s23] =	ssyncset.done $0x0  }
0x76: {  	[sflag:s23] =	ssyncadd.s32 $0xFFFFC000  }
0x77: {  	[spmem:s1] =	stream.indirect.scatter.add.f32 [tilespmem:s16], [sflag:$0x4], $0x80, s15, s15, $0xb8;
	[tilespmem:$0x1FF00] =	vst v63  }
0x78: {  	_ =	swait.ge [sflag:s24], $0x4000  }
0x79: {  	[sflag:s24] =	ssyncset.done $0x0  }
0x7a: {  	[sflag:s24] =	ssyncadd.s32 $0xFFFFC000  }
0x7b: {  	[spmem:s1] =	stream.indirect.scatter.add.f32 [tilespmem:s18], [sflag:$0x5], $0x80, s25, s15, $0xb8;
	[tilespmem:$0x1FF00] =	vst v63  }
0x7c: {  	_ =	swait.ge [sflag:s26], $0x4000  }
0x7d: {  	[sflag:s26] =	ssyncset.done $0x0  }
0x7e: {  	[sflag:s26] =	ssyncadd.s32 $0xFFFFC000  }
0x7f: {  	[tilespmem:s3], [sflag:$0x7] =	stream.linear.gather [hbm4b:s11+s3], $0x100, $0x38;
	[tilespmem:$0x1FF00] =	vst v63  }
0x80: {  	_ =	swait.ge [sflag:s14], $0x100  }
0x81: {  	[sflag:s14] =	ssyncset.done $0x0  }
0x82: {  	[sflag:s14] =	ssyncadd.s32 $0xFFFFFF00  }
0x83: {  	[tilespmem:s16], [sflag:$0x1] =	stream.indirect.gather [hbm4b:s4+s15], $0x80, s3, s15, $0xb8;
	[tilespmem:$0x1FF00] =	vst v63  }
0x84: {  	_ =	swait.ge [sflag:s28], $0x4000  }
0x85: {  	[sflag:s28] =	ssyncset.done $0x0  }
0x86: {  	[sflag:s28] =	ssyncadd.s32 $0xFFFFC000  }
0x87: {  	[spmem:s1] =	stream.indirect.scatter.add.f32 [tilespmem:s20], [sflag:$0x6], $0x80, s29, s15, $0xb8;
	[tilespmem:$0x1FF00] =	vst v63  }
0x88: {  	_ =	swait.ge [sflag:s30], $0x4000  }
0x89: {  	[sflag:s30] =	ssyncset.done $0x0  }
0x8a: {  	[sflag:s30] =	ssyncadd.s32 $0xFFFFC000  }
0x8b: {  	[tilespmem:s17], [sflag:$0x7] =	stream.linear.gather [hbm4b:s12+s3], $0x100, $0x38;
	[tilespmem:$0x1FF00] =	vst v63  }
0x8c: {  	_ =	swait.ge [sflag:s14], $0x100  }
0x8d: {  	[sflag:s14] =	ssyncset.done $0x0  }
0x8e: {  	[sflag:s14] =	ssyncadd.s32 $0xFFFFFF00  }
0x8f: {  	[tilespmem:s18], [sflag:$0x2] =	stream.indirect.gather [hbm4b:s4+s15], $0x80, s17, s15, $0xb8;
	[tilespmem:$0x1FF00] =	vst v63  }
0x90: {  	_ =	swait.ge [sflag:s23], $0x4000  }
0x91: {  	[sflag:s23] =	ssyncset.done $0x0  }
0x92: {  	[sflag:s23] =	ssyncadd.s32 $0xFFFFC000  }
0x93: {  	[spmem:s1] =	stream.indirect.scatter.add.f32 [tilespmem:s16], [sflag:$0x4], $0x80, s15, s15, $0xb8;
	[tilespmem:$0x1FF00] =	vst v63  }
0x94: {  	_ =	swait.ge [sflag:s24], $0x4000  }
0x95: {  	[sflag:s24] =	ssyncset.done $0x0  }
0x96: {  	[sflag:s24] =	ssyncadd.s32 $0xFFFFC000  }
0x97: {  	[spmem:s1] =	stream.indirect.scatter.add.f32 [tilespmem:s18], [sflag:$0x5], $0x80, s25, s15, $0xb8;
	[tilespmem:$0x1FF00] =	vst v63  }
0x98: {  	_ =	swait.ge [sflag:s26], $0x4000  }
0x99: {  	[sflag:s26] =	ssyncset.done $0x0  }
0x9a: {  	[sflag:s26] =	ssyncadd.s32 $0xFFFFC000  }
0x9b: {  	_ =	swait.ge [sflag:s30], $0x4000  }
0x9c: {  	s0 =	sadd.s32 $0x1, s0;
	[sflag:s30] =	ssyncset.done $0x0  }
0x9d: {  	p0 =	sne.s32 s0, s10;
	[sflag:s30] =	ssyncadd.s32 $0xFFFFC000  }
.Ltmp1:
0x9e: {  	[bflag:$0x0] =	sbarrier.arrive $0xFFFF;
	(pc) =	sbr.rel @p0 .LBB2_1-.Ltmp1, $4  }
0x9f: {  	[hbm:s9], [sflag:s21] =	dma.local [spmem:s22], $0x2780  }
0xa0: {  	_ =	swait.ge [sflag:s14], $0x2780  }
0xa1: {  	[sflag:s14] =	ssyncset.done $0x0  }
0xa2: {  	[sflag:s14] =	ssyncadd.s32 $0xFFFFD880  }
0xa3: {  	_ =	sfence.sel $0x180000  }
0xa4: {  	[bflag:$0x0] =	sbarrier.arrive $0xFFFF  }
0xa5: {  	_ =	strace $0x90000047  }
0xa6: {  	s0 =	stileid.u32;
	[bflag:$0x2] =	sbarrier.arrive $0xFFFF  }
0xa7: {  	p0 =	sne.s32 s0, $0x0;
	s0 =	rddreg [dreg:$0x2]  }
0xa8: {  	s0 =	sadd.s32 @!p0 $0x100000, s0  }
0xa9: {  	[sflag:s0] =	ssyncadd.tile.s32 @!p0 $0x1;
	_ =	shalt  }
.Lfunc_end2:
_tile_overlayer_lowered:
.L_overlay_start_2:
0xaa: {  	(tag) =	ssettag $0x2  }
0xab: {  	s0 =	rddreg [dreg:$0x0];
	s2 =	stileid.u32  }
0xac: {  	s1 =	rddreg [dreg:$0x1];
	p0 =	sne.s32 s2, $0x0  }
0xad: {  	s3 =	rddreg [dreg:$0x2];
	[bflag:$0x3] =	sbarrier.arrive $0xFFFF;
	s2 =	simm.s32 @!p0 $0x1C07  }
0xae: {  	[timem:s3], [sflag:s2] =	dma.local @!p0 [hbm:s0], s1  }
0xaf: {  	s0 =	simm.s32 @!p0 $0x7  }
0xb0: {  	_ =	swait.ge @!p0 [sflag:s0], s1  }
0xb1: {  	s1 =	ssub.s32 @!p0 $0x0, s1;
	[sflag:s0] =	ssyncset.done @!p0 $0x0  }
0xb2: {  	[sflag:s0] =	ssyncadd.s32 @!p0 s1  }
0xb3: {  	[bflag:$0x3] =	sbarrier.arrive $0xFFFF  }
0xb4: {  	_ =	shalt  }

</sc_bundles>
